<compile_context>
chip_gen: v7x
topology: tpu7x:2x2x1
jax: 0.10.2.dev20260603
libtpu: 0.0.44.dev20260713+nightly
codegen_flags: <defaults>
</compile_context>

<pallas_src>
import functools

import jax
import jax.numpy as jnp
from jax import lax
from jax.experimental import pallas as pl
from jax.experimental.pallas import tpu as pltpu
from jax.experimental.pallas import tpu_sc as plsc

N = 10000
D = 128
G = 64

NC = 2
NS = 16
NW = NC * NS
CH = 128
ACC = 10240
RPT = ACC // NS

_mesh = plsc.VectorSubcoreMesh(core_axis_name="c", subcore_axis_name="s")




def _deg_body(nch, dst_hbm, ones_hbm, zeros_hbm, out_hbm, idx_v, ones_v,
              buf_v, acc, sem):
    c = lax.axis_index("c")
    s = lax.axis_index("s")
    wid = c * NS + s
    pltpu.sync_copy(zeros_hbm, buf_v)
    pltpu.sync_copy(buf_v, acc.at[pl.ds(s * RPT, RPT)])
    pltpu.sync_copy(ones_hbm, ones_v)
    plsc.subcore_barrier()
    base = wid * (nch * CH)

    def body(j, carry):
        pltpu.sync_copy(dst_hbm.at[pl.ds(base + j * CH, CH)], idx_v)
        pltpu.sync_copy(ones_v, acc.at[idx_v], add=True)
        return carry

    lax.fori_loop(0, nch, body, 0)
    plsc.subcore_barrier()
    pltpu.sync_copy(acc.at[pl.ds(s * RPT, RPT)], buf_v)
    pltpu.sync_copy(buf_v, out_hbm.at[c, pl.ds(s * RPT, RPT)])


def _deg_call(dst_p, nch):
    kern = functools.partial(
        pl.kernel,
        out_type=jax.ShapeDtypeStruct((NC, ACC), jnp.float32),
        mesh=_mesh,
        scratch_types=[
            pltpu.VMEM((CH,), jnp.int32),
            pltpu.VMEM((CH,), jnp.float32),
            pltpu.VMEM((RPT,), jnp.float32),
            pltpu.VMEM_SHARED((ACC,), jnp.float32),
            pltpu.SemaphoreType.DMA,
        ],
    )(functools.partial(_deg_body, nch))
    return kern(dst_p, jnp.ones((CH,), jnp.float32),
                jnp.zeros((RPT,), jnp.float32))


NBUF = 2


def _scat_body(nch, u_hbm, src_hbm, dst_hbm, zero_hbm, out_hbm,
               s0b, s1b, d0, d1, r0, r1, acc,
               g0, g1, ss0, ss1, dd0, dd1, pp0, pp1):
    c = lax.axis_index("c")
    s = lax.axis_index("s")
    wid = c * NS + s
    sbufs = [s0b, s1b]
    dbufs = [d0, d1]
    rbufs = [r0, r1]
    gsems = [g0, g1]
    ssems = [ss0, ss1]
    dsems = [dd0, dd1]
    psems = [pp0, pp1]
    pltpu.sync_copy(zero_hbm, r0)
    for k in range(RPT // CH):
        pltpu.sync_copy(r0, acc.at[pl.ds(s * RPT + k * CH, CH), :])
    plsc.subcore_barrier()
    ebase = wid * nch * CH

    def sload(j, b):
        return pltpu.make_async_copy(
            src_hbm.at[pl.ds(ebase + j * CH, CH)], sbufs[b], psems[b])

    def dload(j, b):
        return pltpu.make_async_copy(
            dst_hbm.at[pl.ds(ebase + j * CH, CH)], dbufs[b], dsems[b])

    def gath(b):
        return pltpu.make_async_copy(u_hbm.at[sbufs[b]], rbufs[b], gsems[b])

    def scat(b):
        return pltpu.make_async_copy(rbufs[b], acc.at[dbufs[b]], ssems[b])

    def chunk(j, carry):
        sload(j, 0).start()
        dload(j, 0).start()
        sload(j, 0).wait()
        dload(j, 0).wait()
        pltpu.async_copy(u_hbm.at[sbufs[0]], rbufs[0], gsems[0]).wait()
        pltpu.async_copy(rbufs[0], acc.at[dbufs[0]], ssems[0], add=True)
        scat(0).wait()
        return carry

    lax.fori_loop(0, nch, chunk, 0)
    plsc.subcore_barrier()
    for k in range(RPT // CH):
        pltpu.sync_copy(acc.at[pl.ds(s * RPT + k * CH, CH), :], r0)
        pltpu.sync_copy(r0, out_hbm.at[c, pl.ds(s * RPT + k * CH, CH), :])


def _scat_call(u, src_p, dst_p, nch):
    kern = functools.partial(
        pl.kernel,
        out_type=jax.ShapeDtypeStruct((NC, ACC, D), jnp.float32),
        mesh=_mesh,
        scratch_types=[
            pltpu.VMEM((CH,), jnp.int32),
            pltpu.VMEM((CH,), jnp.int32),
            pltpu.VMEM((CH,), jnp.int32),
            pltpu.VMEM((CH,), jnp.int32),
            pltpu.VMEM((CH, D), jnp.float32),
            pltpu.VMEM((CH, D), jnp.float32),
            pltpu.VMEM_SHARED((ACC, D), jnp.float32),
        ] + [pltpu.SemaphoreType.DMA] * 8,
    )(functools.partial(_scat_body, nch))
    return kern(u, src_p, dst_p, jnp.zeros((CH, D), jnp.float32))




def _mm1_body(x_ref, w_ref, dinv_ref, o_ref):
    o_ref[...] = jnp.dot(x_ref[...], w_ref[...],
                         preferred_element_type=jnp.float32) * dinv_ref[...]


def _mmc_body(s0_ref, s1_ref, u_ref, dinv_ref, b_ref, w_ref, o_ref):
    h = (s0_ref[...] + s1_ref[...] + u_ref[...]) * dinv_ref[...] + b_ref[...]
    h = jax.nn.relu(h)
    o_ref[...] = jnp.dot(h, w_ref[...],
                         preferred_element_type=jnp.float32) * dinv_ref[...]


def _head_body(starts_ref, s0_ref, s1_ref, u_ref, dinv_ref, b_ref,
               lw1_ref, lb1_ref, lw2_ref, lb2_ref, lw3_ref, lb3_ref,
               o_ref, h3_ref, x1_ref, x2_ref):
    nb = 80

    def fill(i, carry):
        sl = pl.ds(i * nb, nb)
        h3_ref[sl, :] = ((s0_ref[sl, :] + s1_ref[sl, :] + u_ref[sl, :])
                         * dinv_ref[sl, :] + b_ref[...])
        return carry

    lax.fori_loop(0, N // nb, fill, 0)

    def seg(g, carry):
        start = starts_ref[g]
        end = starts_ref[g + 1]
        lo = lax.div(start, 8)
        hi = lax.div(end + 7, 8)

        def blk(i, sm):
            sacc, macc = sm
            rows = h3_ref[pl.ds(i * 8, 8), :]
            rid = i * 8 + lax.broadcasted_iota(jnp.int32, (8, 1), 0)
            mask = (rid >= start) & (rid < end)
            sacc = sacc + jnp.sum(jnp.where(mask, rows, 0.0), axis=0,
                                  keepdims=True)
            macc = jnp.maximum(macc, jnp.max(
                jnp.where(mask, rows, -jnp.inf), axis=0, keepdims=True))
            return (sacc, macc)

        sacc, macc = lax.fori_loop(
            lo, hi, blk,
            (jnp.zeros((1, D), jnp.float32),
             jnp.full((1, D), -jnp.inf, jnp.float32)))
        x1_ref[pl.ds(g, 1), :] = sacc
        x2_ref[pl.ds(g, 1), :] = jnp.where(macc == -jnp.inf, 0.0, macc)
        return carry

    lax.fori_loop(0, G, seg, 0)

    z = jnp.concatenate([x1_ref[...], x2_ref[...]], axis=1)
    z = jax.nn.relu(jnp.dot(z, lw1_ref[...],
                            preferred_element_type=jnp.float32) + lb1_ref[...])
    z = jax.nn.relu(jnp.dot(z, lw2_ref[...],
                            preferred_element_type=jnp.float32) + lb2_ref[...])
    o_ref[...] = jnp.dot(z, lw3_ref[...],
                         preferred_element_type=jnp.float32) + lb3_ref[...]


def _head_call(starts, s0, s1, u, dinv, b3, lw1, lb1, lw2, lb2, lw3, lb3):
    n_in = 12
    specs = [pl.BlockSpec(memory_space=pltpu.SMEM)]
    specs += [pl.BlockSpec(memory_space=pltpu.VMEM)] * (n_in - 1)
    return pl.pallas_call(
        _head_body,
        out_shape=jax.ShapeDtypeStruct((G, 1), jnp.float32),
        in_specs=specs,
        out_specs=pl.BlockSpec(memory_space=pltpu.VMEM),
        scratch_shapes=[
            pltpu.VMEM((N, D), jnp.float32),
            pltpu.VMEM((G, D), jnp.float32),
            pltpu.VMEM((G, D), jnp.float32),
        ],
    )(starts, s0, s1, u, dinv, b3, lw1, lb1, lw2, lb2, lw3, lb3)




def kernel(x, edge_index, edge_attr, batch, W1, b1, W2, b2, W3, b3,
           lw1, lb1, lw2, lb2, lw3, lb3):
    e = edge_index.shape[1]
    quant = NW * CH
    epad = -(-e // quant) * quant
    nch = epad // (NW * CH)
    pad = epad - e
    src_p = jnp.concatenate(
        [edge_index[0], jnp.zeros((pad,), edge_index.dtype)]).astype(jnp.int32)
    dst_p = jnp.concatenate(
        [edge_index[1], jnp.full((pad,), N, edge_index.dtype)]).astype(jnp.int32)

    deg2 = _deg_call(dst_p, nch)
    deg = deg2[0, :N] + deg2[1, :N] + 1.0
    dinv = lax.rsqrt(deg).reshape(N, 1)

    starts = jnp.searchsorted(
        batch, jnp.arange(G + 1, dtype=batch.dtype)).astype(jnp.int32)

    mm1 = pl.pallas_call(
        _mm1_body, out_shape=jax.ShapeDtypeStruct((N, D), jnp.float32))
    mmc = pl.pallas_call(
        _mmc_body, out_shape=jax.ShapeDtypeStruct((N, D), jnp.float32))

    u1 = mm1(x, W1, dinv)
    s1 = _scat_call(u1, src_p, dst_p, nch)
    u2 = mmc(s1[0, :N], s1[1, :N], u1, dinv, b1.reshape(1, D), W2)
    s2 = _scat_call(u2, src_p, dst_p, nch)
    u3 = mmc(s2[0, :N], s2[1, :N], u2, dinv, b2.reshape(1, D), W3)
    s3 = _scat_call(u3, src_p, dst_p, nch)

    return _head_call(starts, s3[0, :N], s3[1, :N], u3, dinv,
                      b3.reshape(1, D), lw1, lb1.reshape(1, 64),
                      lw2, lb2.reshape(1, 64), lw3, lb3.reshape(1, 1))

# --- scband reference (transcript-rebuilt; emitter-appended) ---
"""Pipeline reference for scband-net-57939108823457 (READ-ONLY COPY).

The authoritative reference and input builder live on the scoring server;
editing this copy changes nothing except your own understanding.
"""

import jax, jax.numpy as jnp
import numpy as np

N = 10000
E = 320000
D = 128
G = 64


def gcn_conv(x, edge_index, W, b):
    n = x.shape[0]
    loop = jnp.arange(n, dtype=edge_index.dtype)
    src = jnp.concatenate([edge_index[0], loop])
    dst = jnp.concatenate([edge_index[1], loop])
    deg = jnp.zeros((n,), dtype=x.dtype).at[dst].add(1.0)
    dinv = jnp.where(deg > 0, jax.lax.rsqrt(jnp.maximum(deg, 1e-12)), 0.0)
    norm = dinv[src] * dinv[dst]
    h = x @ W
    msg = h[src] * norm[:, None]
    out = jnp.zeros((n, W.shape[1]), dtype=x.dtype).at[dst].add(msg)
    return out + b


def setup_inputs(seed: int = 0) -> dict:
    key = jax.random.key(seed)
    ks = jax.random.split(key, 16)
    x = jax.random.normal(ks[0], (N, D), dtype=jnp.float32)
    edge_index = jax.random.randint(ks[1], (2, E), 0, N, dtype=jnp.int32)
    edge_attr = jax.random.normal(ks[2], (E, 12), dtype=jnp.float32)
    batch = jnp.sort(jax.random.randint(ks[3], (N,), 0, G, dtype=jnp.int32))
    s = 1.0 / np.sqrt(D)
    W1 = jax.random.normal(ks[4], (D, D), dtype=jnp.float32) * s
    b1 = jnp.zeros((D,), dtype=jnp.float32)
    W2 = jax.random.normal(ks[5], (D, D), dtype=jnp.float32) * s
    b2 = jnp.zeros((D,), dtype=jnp.float32)
    W3 = jax.random.normal(ks[6], (D, D), dtype=jnp.float32) * s
    b3 = jnp.zeros((D,), dtype=jnp.float32)
    lw1 = jax.random.normal(ks[7], (2 * D, 64), dtype=jnp.float32) * (1.0 / np.sqrt(2 * D))
    lb1 = jnp.zeros((64,), dtype=jnp.float32)
    lw2 = jax.random.normal(ks[8], (64, 64), dtype=jnp.float32) * (1.0 / 8.0)
    lb2 = jnp.zeros((64,), dtype=jnp.float32)
    lw3 = jax.random.normal(ks[9], (64, 1), dtype=jnp.float32) * (1.0 / 8.0)
    lb3 = jnp.zeros((1,), dtype=jnp.float32)
    return {"x": x, "edge_index": edge_index, "edge_attr": edge_attr, "batch": batch,
            "W1": W1, "b1": b1, "W2": W2, "b2": b2, "W3": W3, "b3": b3,
            "lw1": lw1, "lb1": lb1, "lw2": lw2, "lb2": lb2, "lw3": lw3, "lb3": lb3}


def reference(x, edge_index, edge_attr, batch, W1, b1, W2, b2, W3, b3, lw1, lb1, lw2, lb2, lw3, lb3):
    # 3 GCNConv layers; activation after all but the last (edge_attr unused by GCN)
    h = gcn_conv(x, edge_index, W1, b1)
    h = jax.nn.relu(h)
    h = gcn_conv(h, edge_index, W2, b2)
    h = jax.nn.relu(h)
    h = gcn_conv(h, edge_index, W3, b3)
    # global_add_pool / global_max_pool
    x1 = jax.ops.segment_sum(h, batch, num_segments=G)
    x2 = jax.ops.segment_max(h, batch, num_segments=G)
    x2 = jnp.where(jnp.isneginf(x2), 0.0, x2)
    z = jnp.concatenate([x1, x2], axis=1)
    z = jax.nn.relu(z @ lw1 + lb1)
    z = jax.nn.relu(z @ lw2 + lb2)
    out = z @ lw3 + lb3
    return out

if __name__ == "__main__":
    import jax
    _d = setup_inputs()
    print(jax.jit(kernel)(*tuple(_d.values())))

</pallas_src>

<mosaic_0001>
#map = affine_map<(d0, d1) -> (0, 0)>
#map1 = affine_map<(d0, d1) -> (0)>
#map2 = affine_map<(d0, d1) -> (0, 0, 0)>
module attributes {stable_mosaic.version = 14 : i64} {
  func.func @_scat_body(%arg0: i32, %arg1: i32, %arg2: memref<10000x128xf32, #tpu.memory_space<hbm>>, %arg3: memref<323584xi32, #tpu.memory_space<hbm>>, %arg4: memref<323584xi32, #tpu.memory_space<hbm>>, %arg5: memref<128x128xf32, #tpu.memory_space<hbm>>, %arg6: memref<2x10240x128xf32, #tpu.memory_space<hbm>>, %arg7: memref<128xi32, #tpu.memory_space<vmem>>, %arg8: memref<128xi32, #tpu.memory_space<vmem>>, %arg9: memref<128xi32, #tpu.memory_space<vmem>>, %arg10: memref<128xi32, #tpu.memory_space<vmem>>, %arg11: memref<128x128xf32, #tpu.memory_space<vmem>>, %arg12: memref<128x128xf32, #tpu.memory_space<vmem>>, %arg13: memref<10240x128xf32, #tpu.memory_space<vmem_shared>>, %arg14: memref<!tpu.dma_semaphore, #tpu.memory_space<semaphore_mem>>, %arg15: memref<!tpu.dma_semaphore, #tpu.memory_space<semaphore_mem>>, %arg16: memref<!tpu.dma_semaphore, #tpu.memory_space<semaphore_mem>>, %arg17: memref<!tpu.dma_semaphore, #tpu.memory_space<semaphore_mem>>, %arg18: memref<!tpu.dma_semaphore, #tpu.memory_space<semaphore_mem>>, %arg19: memref<!tpu.dma_semaphore, #tpu.memory_space<semaphore_mem>>, %arg20: memref<!tpu.dma_semaphore, #tpu.memory_space<semaphore_mem>>, %arg21: memref<!tpu.dma_semaphore, #tpu.memory_space<semaphore_mem>>) attributes {dimension_semantics = [#tpu.dimension_semantics<core_parallel>, #tpu.dimension_semantics<subcore_parallel>], iteration_bounds = array<i64: 2, 16>, scalar_prefetch = 0 : i64, scratch_operands = 15 : i64, tpu.core_type = #tpu.core_type<sc_vector_subcore>, window_params = [{transform_indices = #map}, {transform_indices = #map1}, {transform_indices = #map1}, {transform_indices = #map}, {transform_indices = #map2}]} {
    %mul3A = arith.constant 16 : i32
    %mul3A_0 = arith.muli %arg0, %mul3A : i32
    %add3A = arith.addi %mul3A_0, %arg1 : i32
    "tpu.region"() ({
      %run_scoped3A = tpu.sem_alloc : memref<!tpu.dma_semaphore, #tpu.memory_space<semaphore_mem>>
      tpu.enqueue_dma source(%arg5 : memref<128x128xf32, #tpu.memory_space<hbm>>) target(%arg11 : memref<128x128xf32, #tpu.memory_space<vmem>>) target_semaphore(%run_scoped3A : memref<!tpu.dma_semaphore, #tpu.memory_space<semaphore_mem>>)
      tpu.wait_dma2 semaphore(%run_scoped3A : memref<!tpu.dma_semaphore, #tpu.memory_space<semaphore_mem>>) src(%arg5 : memref<128x128xf32, #tpu.memory_space<hbm>>) dst(%arg11 : memref<128x128xf32, #tpu.memory_space<vmem>>)
      tpu.yield
    }) : () -> ()
    %mul3A_1 = arith.constant 640 : i32
    %mul3A_2 = arith.muli %arg1, %mul3A_1 : i32
    %add3A_3 = arith.constant 0 : i32
    %add3A_4 = arith.addi %mul3A_2, %add3A_3 : i32
    "tpu.region"() ({
      %run_scoped3A = tpu.sem_alloc : memref<!tpu.dma_semaphore, #tpu.memory_space<semaphore_mem>>
      %dma_start3A = arith.constant 0 : i32
      %dma_start3A_71 = tpu.memref_slice %arg13[%add3A_4, %dma_start3A] : memref<10240x128xf32, #tpu.memory_space<vmem_shared>> -> memref<128x128xf32, #tpu.memory_space<vmem_shared>>
      %dma_start3A_72 = arith.constant 0 : i32
      %dma_start3A_73 = tpu.memref_slice %arg13[%add3A_4, %dma_start3A_72] : memref<10240x128xf32, #tpu.memory_space<vmem_shared>> -> memref<128x128xf32, #tpu.memory_space<vmem_shared>>
      tpu.enqueue_dma source(%arg11 : memref<128x128xf32, #tpu.memory_space<vmem>>) target(%dma_start3A_73 : memref<128x128xf32, #tpu.memory_space<vmem_shared>>) target_semaphore(%run_scoped3A : memref<!tpu.dma_semaphore, #tpu.memory_space<semaphore_mem>>)
      %dma_wait3A = arith.constant 0 : i32
      %dma_wait3A_74 = tpu.memref_slice %arg13[%add3A_4, %dma_wait3A] : memref<10240x128xf32, #tpu.memory_space<vmem_shared>> -> memref<128x128xf32, #tpu.memory_space<vmem_shared>>
      %dma_wait3A_75 = arith.constant 0 : i32
      %dma_wait3A_76 = tpu.memref_slice %arg13[%add3A_4, %dma_wait3A_75] : memref<10240x128xf32, #tpu.memory_space<vmem_shared>> -> memref<128x128xf32, #tpu.memory_space<vmem_shared>>
      tpu.wait_dma2 semaphore(%run_scoped3A : memref<!tpu.dma_semaphore, #tpu.memory_space<semaphore_mem>>) src(%arg11 : memref<128x128xf32, #tpu.memory_space<vmem>>) dst(%dma_wait3A_76 : memref<128x128xf32, #tpu.memory_space<vmem_shared>>)
      tpu.yield
    }) : () -> ()
    %mul3A_5 = arith.constant 640 : i32
    %mul3A_6 = arith.muli %arg1, %mul3A_5 : i32
    %add3A_7 = arith.constant 128 : i32
    %add3A_8 = arith.addi %mul3A_6, %add3A_7 : i32
    "tpu.region"() ({
      %run_scoped3A = tpu.sem_alloc : memref<!tpu.dma_semaphore, #tpu.memory_space<semaphore_mem>>
      %dma_start3A = arith.constant 0 : i32
      %dma_start3A_71 = tpu.memref_slice %arg13[%add3A_8, %dma_start3A] : memref<10240x128xf32, #tpu.memory_space<vmem_shared>> -> memref<128x128xf32, #tpu.memory_space<vmem_shared>>
      %dma_start3A_72 = arith.constant 0 : i32
      %dma_start3A_73 = tpu.memref_slice %arg13[%add3A_8, %dma_start3A_72] : memref<10240x128xf32, #tpu.memory_space<vmem_shared>> -> memref<128x128xf32, #tpu.memory_space<vmem_shared>>
      tpu.enqueue_dma source(%arg11 : memref<128x128xf32, #tpu.memory_space<vmem>>) target(%dma_start3A_73 : memref<128x128xf32, #tpu.memory_space<vmem_shared>>) target_semaphore(%run_scoped3A : memref<!tpu.dma_semaphore, #tpu.memory_space<semaphore_mem>>)
      %dma_wait3A = arith.constant 0 : i32
      %dma_wait3A_74 = tpu.memref_slice %arg13[%add3A_8, %dma_wait3A] : memref<10240x128xf32, #tpu.memory_space<vmem_shared>> -> memref<128x128xf32, #tpu.memory_space<vmem_shared>>
      %dma_wait3A_75 = arith.constant 0 : i32
      %dma_wait3A_76 = tpu.memref_slice %arg13[%add3A_8, %dma_wait3A_75] : memref<10240x128xf32, #tpu.memory_space<vmem_shared>> -> memref<128x128xf32, #tpu.memory_space<vmem_shared>>
      tpu.wait_dma2 semaphore(%run_scoped3A : memref<!tpu.dma_semaphore, #tpu.memory_space<semaphore_mem>>) src(%arg11 : memref<128x128xf32, #tpu.memory_space<vmem>>) dst(%dma_wait3A_76 : memref<128x128xf32, #tpu.memory_space<vmem_shared>>)
      tpu.yield
    }) : () -> ()
    %mul3A_9 = arith.constant 640 : i32
    %mul3A_10 = arith.muli %arg1, %mul3A_9 : i32
    %add3A_11 = arith.constant 256 : i32
    %add3A_12 = arith.addi %mul3A_10, %add3A_11 : i32
    "tpu.region"() ({
      %run_scoped3A = tpu.sem_alloc : memref<!tpu.dma_semaphore, #tpu.memory_space<semaphore_mem>>
      %dma_start3A = arith.constant 0 : i32
      %dma_start3A_71 = tpu.memref_slice %arg13[%add3A_12, %dma_start3A] : memref<10240x128xf32, #tpu.memory_space<vmem_shared>> -> memref<128x128xf32, #tpu.memory_space<vmem_shared>>
      %dma_start3A_72 = arith.constant 0 : i32
      %dma_start3A_73 = tpu.memref_slice %arg13[%add3A_12, %dma_start3A_72] : memref<10240x128xf32, #tpu.memory_space<vmem_shared>> -> memref<128x128xf32, #tpu.memory_space<vmem_shared>>
      tpu.enqueue_dma source(%arg11 : memref<128x128xf32, #tpu.memory_space<vmem>>) target(%dma_start3A_73 : memref<128x128xf32, #tpu.memory_space<vmem_shared>>) target_semaphore(%run_scoped3A : memref<!tpu.dma_semaphore, #tpu.memory_space<semaphore_mem>>)
      %dma_wait3A = arith.constant 0 : i32
      %dma_wait3A_74 = tpu.memref_slice %arg13[%add3A_12, %dma_wait3A] : memref<10240x128xf32, #tpu.memory_space<vmem_shared>> -> memref<128x128xf32, #tpu.memory_space<vmem_shared>>
      %dma_wait3A_75 = arith.constant 0 : i32
      %dma_wait3A_76 = tpu.memref_slice %arg13[%add3A_12, %dma_wait3A_75] : memref<10240x128xf32, #tpu.memory_space<vmem_shared>> -> memref<128x128xf32, #tpu.memory_space<vmem_shared>>
      tpu.wait_dma2 semaphore(%run_scoped3A : memref<!tpu.dma_semaphore, #tpu.memory_space<semaphore_mem>>) src(%arg11 : memref<128x128xf32, #tpu.memory_space<vmem>>) dst(%dma_wait3A_76 : memref<128x128xf32, #tpu.memory_space<vmem_shared>>)
      tpu.yield
    }) : () -> ()
    %mul3A_13 = arith.constant 640 : i32
    %mul3A_14 = arith.muli %arg1, %mul3A_13 : i32
    %add3A_15 = arith.constant 384 : i32
    %add3A_16 = arith.addi %mul3A_14, %add3A_15 : i32
    "tpu.region"() ({
      %run_scoped3A = tpu.sem_alloc : memref<!tpu.dma_semaphore, #tpu.memory_space<semaphore_mem>>
      %dma_start3A = arith.constant 0 : i32
      %dma_start3A_71 = tpu.memref_slice %arg13[%add3A_16, %dma_start3A] : memref<10240x128xf32, #tpu.memory_space<vmem_shared>> -> memref<128x128xf32, #tpu.memory_space<vmem_shared>>
      %dma_start3A_72 = arith.constant 0 : i32
      %dma_start3A_73 = tpu.memref_slice %arg13[%add3A_16, %dma_start3A_72] : memref<10240x128xf32, #tpu.memory_space<vmem_shared>> -> memref<128x128xf32, #tpu.memory_space<vmem_shared>>
      tpu.enqueue_dma source(%arg11 : memref<128x128xf32, #tpu.memory_space<vmem>>) target(%dma_start3A_73 : memref<128x128xf32, #tpu.memory_space<vmem_shared>>) target_semaphore(%run_scoped3A : memref<!tpu.dma_semaphore, #tpu.memory_space<semaphore_mem>>)
      %dma_wait3A = arith.constant 0 : i32
      %dma_wait3A_74 = tpu.memref_slice %arg13[%add3A_16, %dma_wait3A] : memref<10240x128xf32, #tpu.memory_space<vmem_shared>> -> memref<128x128xf32, #tpu.memory_space<vmem_shared>>
      %dma_wait3A_75 = arith.constant 0 : i32
      %dma_wait3A_76 = tpu.memref_slice %arg13[%add3A_16, %dma_wait3A_75] : memref<10240x128xf32, #tpu.memory_space<vmem_shared>> -> memref<128x128xf32, #tpu.memory_space<vmem_shared>>
      tpu.wait_dma2 semaphore(%run_scoped3A : memref<!tpu.dma_semaphore, #tpu.memory_space<semaphore_mem>>) src(%arg11 : memref<128x128xf32, #tpu.memory_space<vmem>>) dst(%dma_wait3A_76 : memref<128x128xf32, #tpu.memory_space<vmem_shared>>)
      tpu.yield
    }) : () -> ()
    %mul3A_17 = arith.constant 640 : i32
    %mul3A_18 = arith.muli %arg1, %mul3A_17 : i32
    %add3A_19 = arith.constant 512 : i32
    %add3A_20 = arith.addi %mul3A_18, %add3A_19 : i32
    "tpu.region"() ({
      %run_scoped3A = tpu.sem_alloc : memref<!tpu.dma_semaphore, #tpu.memory_space<semaphore_mem>>
      %dma_start3A = arith.constant 0 : i32
      %dma_start3A_71 = tpu.memref_slice %arg13[%add3A_20, %dma_start3A] : memref<10240x128xf32, #tpu.memory_space<vmem_shared>> -> memref<128x128xf32, #tpu.memory_space<vmem_shared>>
      %dma_start3A_72 = arith.constant 0 : i32
      %dma_start3A_73 = tpu.memref_slice %arg13[%add3A_20, %dma_start3A_72] : memref<10240x128xf32, #tpu.memory_space<vmem_shared>> -> memref<128x128xf32, #tpu.memory_space<vmem_shared>>
      tpu.enqueue_dma source(%arg11 : memref<128x128xf32, #tpu.memory_space<vmem>>) target(%dma_start3A_73 : memref<128x128xf32, #tpu.memory_space<vmem_shared>>) target_semaphore(%run_scoped3A : memref<!tpu.dma_semaphore, #tpu.memory_space<semaphore_mem>>)
      %dma_wait3A = arith.constant 0 : i32
      %dma_wait3A_74 = tpu.memref_slice %arg13[%add3A_20, %dma_wait3A] : memref<10240x128xf32, #tpu.memory_space<vmem_shared>> -> memref<128x128xf32, #tpu.memory_space<vmem_shared>>
      %dma_wait3A_75 = arith.constant 0 : i32
      %dma_wait3A_76 = tpu.memref_slice %arg13[%add3A_20, %dma_wait3A_75] : memref<10240x128xf32, #tpu.memory_space<vmem_shared>> -> memref<128x128xf32, #tpu.memory_space<vmem_shared>>
      tpu.wait_dma2 semaphore(%run_scoped3A : memref<!tpu.dma_semaphore, #tpu.memory_space<semaphore_mem>>) src(%arg11 : memref<128x128xf32, #tpu.memory_space<vmem>>) dst(%dma_wait3A_76 : memref<128x128xf32, #tpu.memory_space<vmem_shared>>)
      tpu.yield
    }) : () -> ()
    %barrier3A = arith.constant 0 : index
    tpu.barrier barrier_id(%barrier3A)
    %mul3A_21 = arith.constant 79 : i32
    %mul3A_22 = arith.muli %add3A, %mul3A_21 : i32
    %mul3A_23 = arith.constant 128 : i32
    %mul3A_24 = arith.muli %mul3A_22, %mul3A_23 : i32
    %scan3A = arith.constant 0 : i32
    %scan3A_25 = arith.constant 0 : i32
    %scan3A_26 = arith.constant 79 : i32
    %scan3A_27 = arith.addi %scan3A_25, %scan3A_26 : i32
    %scan3A_28 = arith.constant 1 : i32
    scf.for %scan3A_71 = %scan3A_25 to %scan3A_27 step %scan3A_28  : i32 {
      %mul3A_72 = arith.constant 128 : i32
      %mul3A_73 = arith.muli %scan3A_71, %mul3A_72 : i32
      %add3A_74 = arith.addi %mul3A_24, %mul3A_73 : i32
      %dma_start3A = tpu.memref_slice %arg3[%add3A_74] : memref<323584xi32, #tpu.memory_space<hbm>> -> memref<128xi32, #tpu.memory_space<hbm>>
      %dma_start3A_75 = tpu.memref_slice %arg3[%add3A_74] : memref<323584xi32, #tpu.memory_space<hbm>> -> memref<128xi32, #tpu.memory_space<hbm>>
      tpu.enqueue_dma source(%dma_start3A_75 : memref<128xi32, #tpu.memory_space<hbm>>) target(%arg7 : memref<128xi32, #tpu.memory_space<vmem>>) target_semaphore(%arg20 : memref<!tpu.dma_semaphore, #tpu.memory_space<semaphore_mem>>)
      %mul3A_76 = arith.constant 128 : i32
      %mul3A_77 = arith.muli %scan3A_71, %mul3A_76 : i32
      %add3A_78 = arith.addi %mul3A_24, %mul3A_77 : i32
      %dma_start3A_79 = tpu.memref_slice %arg4[%add3A_78] : memref<323584xi32, #tpu.memory_space<hbm>> -> memref<128xi32, #tpu.memory_space<hbm>>
      %dma_start3A_80 = tpu.memref_slice %arg4[%add3A_78] : memref<323584xi32, #tpu.memory_space<hbm>> -> memref<128xi32, #tpu.memory_space<hbm>>
      tpu.enqueue_dma source(%dma_start3A_80 : memref<128xi32, #tpu.memory_space<hbm>>) target(%arg9 : memref<128xi32, #tpu.memory_space<vmem>>) target_semaphore(%arg18 : memref<!tpu.dma_semaphore, #tpu.memory_space<semaphore_mem>>)
      %mul3A_81 = arith.constant 128 : i32
      %mul3A_82 = arith.muli %scan3A_71, %mul3A_81 : i32
      %add3A_83 = arith.addi %mul3A_24, %mul3A_82 : i32
      %dma_wait3A = tpu.memref_slice %arg3[%add3A_83] : memref<323584xi32, #tpu.memory_space<hbm>> -> memref<128xi32, #tpu.memory_space<hbm>>
      %dma_wait3A_84 = tpu.memref_slice %arg3[%add3A_83] : memref<323584xi32, #tpu.memory_space<hbm>> -> memref<128xi32, #tpu.memory_space<hbm>>
      tpu.wait_dma2 semaphore(%arg20 : memref<!tpu.dma_semaphore, #tpu.memory_space<semaphore_mem>>) src(%dma_wait3A_84 : memref<128xi32, #tpu.memory_space<hbm>>) dst(%arg7 : memref<128xi32, #tpu.memory_space<vmem>>)
      %mul3A_85 = arith.constant 128 : i32
      %mul3A_86 = arith.muli %scan3A_71, %mul3A_85 : i32
      %add3A_87 = arith.addi %mul3A_24, %mul3A_86 : i32
      %dma_wait3A_88 = tpu.memref_slice %arg4[%add3A_87] : memref<323584xi32, #tpu.memory_space<hbm>> -> memref<128xi32, #tpu.memory_space<hbm>>
      %dma_wait3A_89 = tpu.memref_slice %arg4[%add3A_87] : memref<323584xi32, #tpu.memory_space<hbm>> -> memref<128xi32, #tpu.memory_space<hbm>>
      tpu.wait_dma2 semaphore(%arg18 : memref<!tpu.dma_semaphore, #tpu.memory_space<semaphore_mem>>) src(%dma_wait3A_89 : memref<128xi32, #tpu.memory_space<hbm>>) dst(%arg9 : memref<128xi32, #tpu.memory_space<vmem>>)
      %dma_start3A_90 = arith.constant 0 : i32
      %dma_start3A_91 = arith.constant 0 : i32
      %dma_start3A_92 = tpu.memref_slice %arg2[%dma_start3A_90, %dma_start3A_91] : memref<10000x128xf32, #tpu.memory_space<hbm>> -> memref<10000x128xf32, #tpu.memory_space<hbm>>
      tpu.enqueue_indirect_dma source(%dma_start3A_92 : memref<10000x128xf32, #tpu.memory_space<hbm>>) target(%arg11 : memref<128x128xf32, #tpu.memory_space<vmem>>) offsets(%arg7 : memref<128xi32, #tpu.memory_space<vmem>>) semaphore(%arg14 : memref<!tpu.dma_semaphore, #tpu.memory_space<semaphore_mem>>)
      %dma_wait3A_93 = arith.constant 0 : i32
      %dma_wait3A_94 = arith.constant 0 : i32
      %dma_wait3A_95 = tpu.memref_slice %arg2[%dma_wait3A_93, %dma_wait3A_94] : memref<10000x128xf32, #tpu.memory_space<hbm>> -> memref<10000x128xf32, #tpu.memory_space<hbm>>
      tpu.wait_indirect_dma semaphore(%arg14 : memref<!tpu.dma_semaphore, #tpu.memory_space<semaphore_mem>>) src(%dma_wait3A_95 : memref<10000x128xf32, #tpu.memory_space<hbm>>) dst(%arg11 : memref<128x128xf32, #tpu.memory_space<vmem>>)
      %dma_start3A_96 = arith.constant 0 : i32
      %dma_start3A_97 = arith.constant 0 : i32
      %dma_start3A_98 = tpu.memref_slice %arg13[%dma_start3A_96, %dma_start3A_97] : memref<10240x128xf32, #tpu.memory_space<vmem_shared>> -> memref<10240x128xf32, #tpu.memory_space<vmem_shared>>
      tpu.enqueue_indirect_dma source(%arg11 : memref<128x128xf32, #tpu.memory_space<vmem>>) target(%dma_start3A_98 : memref<10240x128xf32, #tpu.memory_space<vmem_shared>>) offsets(%arg9 : memref<128xi32, #tpu.memory_space<vmem>>) semaphore(%arg16 : memref<!tpu.dma_semaphore, #tpu.memory_space<semaphore_mem>>) {add = true}
      %dma_wait3A_99 = arith.constant 0 : i32
      %dma_wait3A_100 = arith.constant 0 : i32
      %dma_wait3A_101 = tpu.memref_slice %arg13[%dma_wait3A_99, %dma_wait3A_100] : memref<10240x128xf32, #tpu.memory_space<vmem_shared>> -> memref<10240x128xf32, #tpu.memory_space<vmem_shared>>
      tpu.wait_indirect_dma semaphore(%arg16 : memref<!tpu.dma_semaphore, #tpu.memory_space<semaphore_mem>>) src(%arg11 : memref<128x128xf32, #tpu.memory_space<vmem>>) dst(%dma_wait3A_101 : memref<10240x128xf32, #tpu.memory_space<vmem_shared>>)
    }
    %scan3A_29 = arith.constant 79 : i32
    %barrier3A_30 = arith.constant 0 : index
    tpu.barrier barrier_id(%barrier3A_30)
    %mul3A_31 = arith.constant 640 : i32
    %mul3A_32 = arith.muli %arg1, %mul3A_31 : i32
    %add3A_33 = arith.constant 0 : i32
    %add3A_34 = arith.addi %mul3A_32, %add3A_33 : i32
    "tpu.region"() ({
      %run_scoped3A = tpu.sem_alloc : memref<!tpu.dma_semaphore, #tpu.memory_space<semaphore_mem>>
      %dma_start3A = arith.constant 0 : i32
      %dma_start3A_71 = tpu.memref_slice %arg13[%add3A_34, %dma_start3A] : memref<10240x128xf32, #tpu.memory_space<vmem_shared>> -> memref<128x128xf32, #tpu.memory_space<vmem_shared>>
      %dma_start3A_72 = arith.constant 0 : i32
      %dma_start3A_73 = tpu.memref_slice %arg13[%add3A_34, %dma_start3A_72] : memref<10240x128xf32, #tpu.memory_space<vmem_shared>> -> memref<128x128xf32, #tpu.memory_space<vmem_shared>>
      tpu.enqueue_dma source(%dma_start3A_73 : memref<128x128xf32, #tpu.memory_space<vmem_shared>>) target(%arg11 : memref<128x128xf32, #tpu.memory_space<vmem>>) target_semaphore(%run_scoped3A : memref<!tpu.dma_semaphore, #tpu.memory_space<semaphore_mem>>)
      %dma_wait3A = arith.constant 0 : i32
      %dma_wait3A_74 = tpu.memref_slice %arg13[%add3A_34, %dma_wait3A] : memref<10240x128xf32, #tpu.memory_space<vmem_shared>> -> memref<128x128xf32, #tpu.memory_space<vmem_shared>>
      %dma_wait3A_75 = arith.constant 0 : i32
      %dma_wait3A_76 = tpu.memref_slice %arg13[%add3A_34, %dma_wait3A_75] : memref<10240x128xf32, #tpu.memory_space<vmem_shared>> -> memref<128x128xf32, #tpu.memory_space<vmem_shared>>
      tpu.wait_dma2 semaphore(%run_scoped3A : memref<!tpu.dma_semaphore, #tpu.memory_space<semaphore_mem>>) src(%dma_wait3A_76 : memref<128x128xf32, #tpu.memory_space<vmem_shared>>) dst(%arg11 : memref<128x128xf32, #tpu.memory_space<vmem>>)
      tpu.yield
    }) : () -> ()
    %mul3A_35 = arith.constant 640 : i32
    %mul3A_36 = arith.muli %arg1, %mul3A_35 : i32
    %add3A_37 = arith.constant 0 : i32
    %add3A_38 = arith.addi %mul3A_36, %add3A_37 : i32
    "tpu.region"() ({
      %run_scoped3A = tpu.sem_alloc : memref<!tpu.dma_semaphore, #tpu.memory_space<semaphore_mem>>
      %dma_start3A = arith.constant 0 : i32
      %dma_start3A_71 = tpu.memref_slice %arg6[%arg0, %add3A_38, %dma_start3A] : memref<2x10240x128xf32, #tpu.memory_space<hbm>> -> memref<1x128x128xf32, #tpu.memory_space<hbm>>
      %dma_start3A_72 = tpu.memref_squeeze %dma_start3A_71 : memref<1x128x128xf32, #tpu.memory_space<hbm>> -> memref<128x128xf32, #tpu.memory_space<hbm>>
      %dma_start3A_73 = arith.constant 0 : i32
      %dma_start3A_74 = tpu.memref_slice %arg6[%arg0, %add3A_38, %dma_start3A_73] : memref<2x10240x128xf32, #tpu.memory_space<hbm>> -> memref<1x128x128xf32, #tpu.memory_space<hbm>>
      %dma_start3A_75 = tpu.memref_squeeze %dma_start3A_74 : memref<1x128x128xf32, #tpu.memory_space<hbm>> -> memref<128x128xf32, #tpu.memory_space<hbm>>
      tpu.enqueue_dma source(%arg11 : memref<128x128xf32, #tpu.memory_space<vmem>>) target(%dma_start3A_75 : memref<128x128xf32, #tpu.memory_space<hbm>>) target_semaphore(%run_scoped3A : memref<!tpu.dma_semaphore, #tpu.memory_space<semaphore_mem>>)
      %dma_wait3A = arith.constant 0 : i32
      %dma_wait3A_76 = tpu.memref_slice %arg6[%arg0, %add3A_38, %dma_wait3A] : memref<2x10240x128xf32, #tpu.memory_space<hbm>> -> memref<1x128x128xf32, #tpu.memory_space<hbm>>
      %dma_wait3A_77 = tpu.memref_squeeze %dma_wait3A_76 : memref<1x128x128xf32, #tpu.memory_space<hbm>> -> memref<128x128xf32, #tpu.memory_space<hbm>>
      %dma_wait3A_78 = arith.constant 0 : i32
      %dma_wait3A_79 = tpu.memref_slice %arg6[%arg0, %add3A_38, %dma_wait3A_78] : memref<2x10240x128xf32, #tpu.memory_space<hbm>> -> memref<1x128x128xf32, #tpu.memory_space<hbm>>
      %dma_wait3A_80 = tpu.memref_squeeze %dma_wait3A_79 : memref<1x128x128xf32, #tpu.memory_space<hbm>> -> memref<128x128xf32, #tpu.memory_space<hbm>>
      tpu.wait_dma2 semaphore(%run_scoped3A : memref<!tpu.dma_semaphore, #tpu.memory_space<semaphore_mem>>) src(%arg11 : memref<128x128xf32, #tpu.memory_space<vmem>>) dst(%dma_wait3A_80 : memref<128x128xf32, #tpu.memory_space<hbm>>)
      tpu.yield
    }) : () -> ()
    %mul3A_39 = arith.constant 640 : i32
    %mul3A_40 = arith.muli %arg1, %mul3A_39 : i32
    %add3A_41 = arith.constant 128 : i32
    %add3A_42 = arith.addi %mul3A_40, %add3A_41 : i32
    "tpu.region"() ({
      %run_scoped3A = tpu.sem_alloc : memref<!tpu.dma_semaphore, #tpu.memory_space<semaphore_mem>>
      %dma_start3A = arith.constant 0 : i32
      %dma_start3A_71 = tpu.memref_slice %arg13[%add3A_42, %dma_start3A] : memref<10240x128xf32, #tpu.memory_space<vmem_shared>> -> memref<128x128xf32, #tpu.memory_space<vmem_shared>>
      %dma_start3A_72 = arith.constant 0 : i32
      %dma_start3A_73 = tpu.memref_slice %arg13[%add3A_42, %dma_start3A_72] : memref<10240x128xf32, #tpu.memory_space<vmem_shared>> -> memref<128x128xf32, #tpu.memory_space<vmem_shared>>
      tpu.enqueue_dma source(%dma_start3A_73 : memref<128x128xf32, #tpu.memory_space<vmem_shared>>) target(%arg11 : memref<128x128xf32, #tpu.memory_space<vmem>>) target_semaphore(%run_scoped3A : memref<!tpu.dma_semaphore, #tpu.memory_space<semaphore_mem>>)
      %dma_wait3A = arith.constant 0 : i32
      %dma_wait3A_74 = tpu.memref_slice %arg13[%add3A_42, %dma_wait3A] : memref<10240x128xf32, #tpu.memory_space<vmem_shared>> -> memref<128x128xf32, #tpu.memory_space<vmem_shared>>
      %dma_wait3A_75 = arith.constant 0 : i32
      %dma_wait3A_76 = tpu.memref_slice %arg13[%add3A_42, %dma_wait3A_75] : memref<10240x128xf32, #tpu.memory_space<vmem_shared>> -> memref<128x128xf32, #tpu.memory_space<vmem_shared>>
      tpu.wait_dma2 semaphore(%run_scoped3A : memref<!tpu.dma_semaphore, #tpu.memory_space<semaphore_mem>>) src(%dma_wait3A_76 : memref<128x128xf32, #tpu.memory_space<vmem_shared>>) dst(%arg11 : memref<128x128xf32, #tpu.memory_space<vmem>>)
      tpu.yield
    }) : () -> ()
    %mul3A_43 = arith.constant 640 : i32
    %mul3A_44 = arith.muli %arg1, %mul3A_43 : i32
    %add3A_45 = arith.constant 128 : i32
    %add3A_46 = arith.addi %mul3A_44, %add3A_45 : i32
    "tpu.region"() ({
      %run_scoped3A = tpu.sem_alloc : memref<!tpu.dma_semaphore, #tpu.memory_space<semaphore_mem>>
      %dma_start3A = arith.constant 0 : i32
      %dma_start3A_71 = tpu.memref_slice %arg6[%arg0, %add3A_46, %dma_start3A] : memref<2x10240x128xf32, #tpu.memory_space<hbm>> -> memref<1x128x128xf32, #tpu.memory_space<hbm>>
      %dma_start3A_72 = tpu.memref_squeeze %dma_start3A_71 : memref<1x128x128xf32, #tpu.memory_space<hbm>> -> memref<128x128xf32, #tpu.memory_space<hbm>>
      %dma_start3A_73 = arith.constant 0 : i32
      %dma_start3A_74 = tpu.memref_slice %arg6[%arg0, %add3A_46, %dma_start3A_73] : memref<2x10240x128xf32, #tpu.memory_space<hbm>> -> memref<1x128x128xf32, #tpu.memory_space<hbm>>
      %dma_start3A_75 = tpu.memref_squeeze %dma_start3A_74 : memref<1x128x128xf32, #tpu.memory_space<hbm>> -> memref<128x128xf32, #tpu.memory_space<hbm>>
      tpu.enqueue_dma source(%arg11 : memref<128x128xf32, #tpu.memory_space<vmem>>) target(%dma_start3A_75 : memref<128x128xf32, #tpu.memory_space<hbm>>) target_semaphore(%run_scoped3A : memref<!tpu.dma_semaphore, #tpu.memory_space<semaphore_mem>>)
      %dma_wait3A = arith.constant 0 : i32
      %dma_wait3A_76 = tpu.memref_slice %arg6[%arg0, %add3A_46, %dma_wait3A] : memref<2x10240x128xf32, #tpu.memory_space<hbm>> -> memref<1x128x128xf32, #tpu.memory_space<hbm>>
      %dma_wait3A_77 = tpu.memref_squeeze %dma_wait3A_76 : memref<1x128x128xf32, #tpu.memory_space<hbm>> -> memref<128x128xf32, #tpu.memory_space<hbm>>
      %dma_wait3A_78 = arith.constant 0 : i32
      %dma_wait3A_79 = tpu.memref_slice %arg6[%arg0, %add3A_46, %dma_wait3A_78] : memref<2x10240x128xf32, #tpu.memory_space<hbm>> -> memref<1x128x128xf32, #tpu.memory_space<hbm>>
      %dma_wait3A_80 = tpu.memref_squeeze %dma_wait3A_79 : memref<1x128x128xf32, #tpu.memory_space<hbm>> -> memref<128x128xf32, #tpu.memory_space<hbm>>
      tpu.wait_dma2 semaphore(%run_scoped3A : memref<!tpu.dma_semaphore, #tpu.memory_space<semaphore_mem>>) src(%arg11 : memref<128x128xf32, #tpu.memory_space<vmem>>) dst(%dma_wait3A_80 : memref<128x128xf32, #tpu.memory_space<hbm>>)
      tpu.yield
    }) : () -> ()
    %mul3A_47 = arith.constant 640 : i32
    %mul3A_48 = arith.muli %arg1, %mul3A_47 : i32
    %add3A_49 = arith.constant 256 : i32
    %add3A_50 = arith.addi %mul3A_48, %add3A_49 : i32
    "tpu.region"() ({
      %run_scoped3A = tpu.sem_alloc : memref<!tpu.dma_semaphore, #tpu.memory_space<semaphore_mem>>
      %dma_start3A = arith.constant 0 : i32
      %dma_start3A_71 = tpu.memref_slice %arg13[%add3A_50, %dma_start3A] : memref<10240x128xf32, #tpu.memory_space<vmem_shared>> -> memref<128x128xf32, #tpu.memory_space<vmem_shared>>
      %dma_start3A_72 = arith.constant 0 : i32
      %dma_start3A_73 = tpu.memref_slice %arg13[%add3A_50, %dma_start3A_72] : memref<10240x128xf32, #tpu.memory_space<vmem_shared>> -> memref<128x128xf32, #tpu.memory_space<vmem_shared>>
      tpu.enqueue_dma source(%dma_start3A_73 : memref<128x128xf32, #tpu.memory_space<vmem_shared>>) target(%arg11 : memref<128x128xf32, #tpu.memory_space<vmem>>) target_semaphore(%run_scoped3A : memref<!tpu.dma_semaphore, #tpu.memory_space<semaphore_mem>>)
      %dma_wait3A = arith.constant 0 : i32
      %dma_wait3A_74 = tpu.memref_slice %arg13[%add3A_50, %dma_wait3A] : memref<10240x128xf32, #tpu.memory_space<vmem_shared>> -> memref<128x128xf32, #tpu.memory_space<vmem_shared>>
      %dma_wait3A_75 = arith.constant 0 : i32
      %dma_wait3A_76 = tpu.memref_slice %arg13[%add3A_50, %dma_wait3A_75] : memref<10240x128xf32, #tpu.memory_space<vmem_shared>> -> memref<128x128xf32, #tpu.memory_space<vmem_shared>>
      tpu.wait_dma2 semaphore(%run_scoped3A : memref<!tpu.dma_semaphore, #tpu.memory_space<semaphore_mem>>) src(%dma_wait3A_76 : memref<128x128xf32, #tpu.memory_space<vmem_shared>>) dst(%arg11 : memref<128x128xf32, #tpu.memory_space<vmem>>)
      tpu.yield
    }) : () -> ()
    %mul3A_51 = arith.constant 640 : i32
    %mul3A_52 = arith.muli %arg1, %mul3A_51 : i32
    %add3A_53 = arith.constant 256 : i32
    %add3A_54 = arith.addi %mul3A_52, %add3A_53 : i32
    "tpu.region"() ({
      %run_scoped3A = tpu.sem_alloc : memref<!tpu.dma_semaphore, #tpu.memory_space<semaphore_mem>>
      %dma_start3A = arith.constant 0 : i32
      %dma_start3A_71 = tpu.memref_slice %arg6[%arg0, %add3A_54, %dma_start3A] : memref<2x10240x128xf32, #tpu.memory_space<hbm>> -> memref<1x128x128xf32, #tpu.memory_space<hbm>>
      %dma_start3A_72 = tpu.memref_squeeze %dma_start3A_71 : memref<1x128x128xf32, #tpu.memory_space<hbm>> -> memref<128x128xf32, #tpu.memory_space<hbm>>
      %dma_start3A_73 = arith.constant 0 : i32
      %dma_start3A_74 = tpu.memref_slice %arg6[%arg0, %add3A_54, %dma_start3A_73] : memref<2x10240x128xf32, #tpu.memory_space<hbm>> -> memref<1x128x128xf32, #tpu.memory_space<hbm>>
      %dma_start3A_75 = tpu.memref_squeeze %dma_start3A_74 : memref<1x128x128xf32, #tpu.memory_space<hbm>> -> memref<128x128xf32, #tpu.memory_space<hbm>>
      tpu.enqueue_dma source(%arg11 : memref<128x128xf32, #tpu.memory_space<vmem>>) target(%dma_start3A_75 : memref<128x128xf32, #tpu.memory_space<hbm>>) target_semaphore(%run_scoped3A : memref<!tpu.dma_semaphore, #tpu.memory_space<semaphore_mem>>)
      %dma_wait3A = arith.constant 0 : i32
      %dma_wait3A_76 = tpu.memref_slice %arg6[%arg0, %add3A_54, %dma_wait3A] : memref<2x10240x128xf32, #tpu.memory_space<hbm>> -> memref<1x128x128xf32, #tpu.memory_space<hbm>>
      %dma_wait3A_77 = tpu.memref_squeeze %dma_wait3A_76 : memref<1x128x128xf32, #tpu.memory_space<hbm>> -> memref<128x128xf32, #tpu.memory_space<hbm>>
      %dma_wait3A_78 = arith.constant 0 : i32
      %dma_wait3A_79 = tpu.memref_slice %arg6[%arg0, %add3A_54, %dma_wait3A_78] : memref<2x10240x128xf32, #tpu.memory_space<hbm>> -> memref<1x128x128xf32, #tpu.memory_space<hbm>>
      %dma_wait3A_80 = tpu.memref_squeeze %dma_wait3A_79 : memref<1x128x128xf32, #tpu.memory_space<hbm>> -> memref<128x128xf32, #tpu.memory_space<hbm>>
      tpu.wait_dma2 semaphore(%run_scoped3A : memref<!tpu.dma_semaphore, #tpu.memory_space<semaphore_mem>>) src(%arg11 : memref<128x128xf32, #tpu.memory_space<vmem>>) dst(%dma_wait3A_80 : memref<128x128xf32, #tpu.memory_space<hbm>>)
      tpu.yield
    }) : () -> ()
    %mul3A_55 = arith.constant 640 : i32
    %mul3A_56 = arith.muli %arg1, %mul3A_55 : i32
    %add3A_57 = arith.constant 384 : i32
    %add3A_58 = arith.addi %mul3A_56, %add3A_57 : i32
    "tpu.region"() ({
      %run_scoped3A = tpu.sem_alloc : memref<!tpu.dma_semaphore, #tpu.memory_space<semaphore_mem>>
      %dma_start3A = arith.constant 0 : i32
      %dma_start3A_71 = tpu.memref_slice %arg13[%add3A_58, %dma_start3A] : memref<10240x128xf32, #tpu.memory_space<vmem_shared>> -> memref<128x128xf32, #tpu.memory_space<vmem_shared>>
      %dma_start3A_72 = arith.constant 0 : i32
      %dma_start3A_73 = tpu.memref_slice %arg13[%add3A_58, %dma_start3A_72] : memref<10240x128xf32, #tpu.memory_space<vmem_shared>> -> memref<128x128xf32, #tpu.memory_space<vmem_shared>>
      tpu.enqueue_dma source(%dma_start3A_73 : memref<128x128xf32, #tpu.memory_space<vmem_shared>>) target(%arg11 : memref<128x128xf32, #tpu.memory_space<vmem>>) target_semaphore(%run_scoped3A : memref<!tpu.dma_semaphore, #tpu.memory_space<semaphore_mem>>)
      %dma_wait3A = arith.constant 0 : i32
      %dma_wait3A_74 = tpu.memref_slice %arg13[%add3A_58, %dma_wait3A] : memref<10240x128xf32, #tpu.memory_space<vmem_shared>> -> memref<128x128xf32, #tpu.memory_space<vmem_shared>>
      %dma_wait3A_75 = arith.constant 0 : i32
      %dma_wait3A_76 = tpu.memref_slice %arg13[%add3A_58, %dma_wait3A_75] : memref<10240x128xf32, #tpu.memory_space<vmem_shared>> -> memref<128x128xf32, #tpu.memory_space<vmem_shared>>
      tpu.wait_dma2 semaphore(%run_scoped3A : memref<!tpu.dma_semaphore, #tpu.memory_space<semaphore_mem>>) src(%dma_wait3A_76 : memref<128x128xf32, #tpu.memory_space<vmem_shared>>) dst(%arg11 : memref<128x128xf32, #tpu.memory_space<vmem>>)
      tpu.yield
    }) : () -> ()
    %mul3A_59 = arith.constant 640 : i32
    %mul3A_60 = arith.muli %arg1, %mul3A_59 : i32
    %add3A_61 = arith.constant 384 : i32
    %add3A_62 = arith.addi %mul3A_60, %add3A_61 : i32
    "tpu.region"() ({
      %run_scoped3A = tpu.sem_alloc : memref<!tpu.dma_semaphore, #tpu.memory_space<semaphore_mem>>
      %dma_start3A = arith.constant 0 : i32
      %dma_start3A_71 = tpu.memref_slice %arg6[%arg0, %add3A_62, %dma_start3A] : memref<2x10240x128xf32, #tpu.memory_space<hbm>> -> memref<1x128x128xf32, #tpu.memory_space<hbm>>
      %dma_start3A_72 = tpu.memref_squeeze %dma_start3A_71 : memref<1x128x128xf32, #tpu.memory_space<hbm>> -> memref<128x128xf32, #tpu.memory_space<hbm>>
      %dma_start3A_73 = arith.constant 0 : i32
      %dma_start3A_74 = tpu.memref_slice %arg6[%arg0, %add3A_62, %dma_start3A_73] : memref<2x10240x128xf32, #tpu.memory_space<hbm>> -> memref<1x128x128xf32, #tpu.memory_space<hbm>>
      %dma_start3A_75 = tpu.memref_squeeze %dma_start3A_74 : memref<1x128x128xf32, #tpu.memory_space<hbm>> -> memref<128x128xf32, #tpu.memory_space<hbm>>
      tpu.enqueue_dma source(%arg11 : memref<128x128xf32, #tpu.memory_space<vmem>>) target(%dma_start3A_75 : memref<128x128xf32, #tpu.memory_space<hbm>>) target_semaphore(%run_scoped3A : memref<!tpu.dma_semaphore, #tpu.memory_space<semaphore_mem>>)
      %dma_wait3A = arith.constant 0 : i32
      %dma_wait3A_76 = tpu.memref_slice %arg6[%arg0, %add3A_62, %dma_wait3A] : memref<2x10240x128xf32, #tpu.memory_space<hbm>> -> memref<1x128x128xf32, #tpu.memory_space<hbm>>
      %dma_wait3A_77 = tpu.memref_squeeze %dma_wait3A_76 : memref<1x128x128xf32, #tpu.memory_space<hbm>> -> memref<128x128xf32, #tpu.memory_space<hbm>>
      %dma_wait3A_78 = arith.constant 0 : i32
      %dma_wait3A_79 = tpu.memref_slice %arg6[%arg0, %add3A_62, %dma_wait3A_78] : memref<2x10240x128xf32, #tpu.memory_space<hbm>> -> memref<1x128x128xf32, #tpu.memory_space<hbm>>
      %dma_wait3A_80 = tpu.memref_squeeze %dma_wait3A_79 : memref<1x128x128xf32, #tpu.memory_space<hbm>> -> memref<128x128xf32, #tpu.memory_space<hbm>>
      tpu.wait_dma2 semaphore(%run_scoped3A : memref<!tpu.dma_semaphore, #tpu.memory_space<semaphore_mem>>) src(%arg11 : memref<128x128xf32, #tpu.memory_space<vmem>>) dst(%dma_wait3A_80 : memref<128x128xf32, #tpu.memory_space<hbm>>)
      tpu.yield
    }) : () -> ()
    %mul3A_63 = arith.constant 640 : i32
    %mul3A_64 = arith.muli %arg1, %mul3A_63 : i32
    %add3A_65 = arith.constant 512 : i32
    %add3A_66 = arith.addi %mul3A_64, %add3A_65 : i32
    "tpu.region"() ({
      %run_scoped3A = tpu.sem_alloc : memref<!tpu.dma_semaphore, #tpu.memory_space<semaphore_mem>>
      %dma_start3A = arith.constant 0 : i32
      %dma_start3A_71 = tpu.memref_slice %arg13[%add3A_66, %dma_start3A] : memref<10240x128xf32, #tpu.memory_space<vmem_shared>> -> memref<128x128xf32, #tpu.memory_space<vmem_shared>>
      %dma_start3A_72 = arith.constant 0 : i32
      %dma_start3A_73 = tpu.memref_slice %arg13[%add3A_66, %dma_start3A_72] : memref<10240x128xf32, #tpu.memory_space<vmem_shared>> -> memref<128x128xf32, #tpu.memory_space<vmem_shared>>
      tpu.enqueue_dma source(%dma_start3A_73 : memref<128x128xf32, #tpu.memory_space<vmem_shared>>) target(%arg11 : memref<128x128xf32, #tpu.memory_space<vmem>>) target_semaphore(%run_scoped3A : memref<!tpu.dma_semaphore, #tpu.memory_space<semaphore_mem>>)
      %dma_wait3A = arith.constant 0 : i32
      %dma_wait3A_74 = tpu.memref_slice %arg13[%add3A_66, %dma_wait3A] : memref<10240x128xf32, #tpu.memory_space<vmem_shared>> -> memref<128x128xf32, #tpu.memory_space<vmem_shared>>
      %dma_wait3A_75 = arith.constant 0 : i32
      %dma_wait3A_76 = tpu.memref_slice %arg13[%add3A_66, %dma_wait3A_75] : memref<10240x128xf32, #tpu.memory_space<vmem_shared>> -> memref<128x128xf32, #tpu.memory_space<vmem_shared>>
      tpu.wait_dma2 semaphore(%run_scoped3A : memref<!tpu.dma_semaphore, #tpu.memory_space<semaphore_mem>>) src(%dma_wait3A_76 : memref<128x128xf32, #tpu.memory_space<vmem_shared>>) dst(%arg11 : memref<128x128xf32, #tpu.memory_space<vmem>>)
      tpu.yield
    }) : () -> ()
    %mul3A_67 = arith.constant 640 : i32
    %mul3A_68 = arith.muli %arg1, %mul3A_67 : i32
    %add3A_69 = arith.constant 512 : i32
    %add3A_70 = arith.addi %mul3A_68, %add3A_69 : i32
    "tpu.region"() ({
      %run_scoped3A = tpu.sem_alloc : memref<!tpu.dma_semaphore, #tpu.memory_space<semaphore_mem>>
      %dma_start3A = arith.constant 0 : i32
      %dma_start3A_71 = tpu.memref_slice %arg6[%arg0, %add3A_70, %dma_start3A] : memref<2x10240x128xf32, #tpu.memory_space<hbm>> -> memref<1x128x128xf32, #tpu.memory_space<hbm>>
      %dma_start3A_72 = tpu.memref_squeeze %dma_start3A_71 : memref<1x128x128xf32, #tpu.memory_space<hbm>> -> memref<128x128xf32, #tpu.memory_space<hbm>>
      %dma_start3A_73 = arith.constant 0 : i32
      %dma_start3A_74 = tpu.memref_slice %arg6[%arg0, %add3A_70, %dma_start3A_73] : memref<2x10240x128xf32, #tpu.memory_space<hbm>> -> memref<1x128x128xf32, #tpu.memory_space<hbm>>
      %dma_start3A_75 = tpu.memref_squeeze %dma_start3A_74 : memref<1x128x128xf32, #tpu.memory_space<hbm>> -> memref<128x128xf32, #tpu.memory_space<hbm>>
      tpu.enqueue_dma source(%arg11 : memref<128x128xf32, #tpu.memory_space<vmem>>) target(%dma_start3A_75 : memref<128x128xf32, #tpu.memory_space<hbm>>) target_semaphore(%run_scoped3A : memref<!tpu.dma_semaphore, #tpu.memory_space<semaphore_mem>>)
      %dma_wait3A = arith.constant 0 : i32
      %dma_wait3A_76 = tpu.memref_slice %arg6[%arg0, %add3A_70, %dma_wait3A] : memref<2x10240x128xf32, #tpu.memory_space<hbm>> -> memref<1x128x128xf32, #tpu.memory_space<hbm>>
      %dma_wait3A_77 = tpu.memref_squeeze %dma_wait3A_76 : memref<1x128x128xf32, #tpu.memory_space<hbm>> -> memref<128x128xf32, #tpu.memory_space<hbm>>
      %dma_wait3A_78 = arith.constant 0 : i32
      %dma_wait3A_79 = tpu.memref_slice %arg6[%arg0, %add3A_70, %dma_wait3A_78] : memref<2x10240x128xf32, #tpu.memory_space<hbm>> -> memref<1x128x128xf32, #tpu.memory_space<hbm>>
      %dma_wait3A_80 = tpu.memref_squeeze %dma_wait3A_79 : memref<1x128x128xf32, #tpu.memory_space<hbm>> -> memref<128x128xf32, #tpu.memory_space<hbm>>
      tpu.wait_dma2 semaphore(%run_scoped3A : memref<!tpu.dma_semaphore, #tpu.memory_space<semaphore_mem>>) src(%arg11 : memref<128x128xf32, #tpu.memory_space<vmem>>) dst(%dma_wait3A_80 : memref<128x128xf32, #tpu.memory_space<hbm>>)
      tpu.yield
    }) : () -> ()
    return
  }
}

#map = affine_map<(d0, d1) -> (0, 0)>
#map1 = affine_map<(d0, d1) -> (0)>
#map2 = affine_map<(d0, d1) -> (0, 0, 0)>
module attributes {stable_mosaic.version = 14 : i64} {
  func.func @_scat_body(%arg0: i32, %arg1: i32, %arg2: memref<10000x128xf32, #tpu.memory_space<hbm>>, %arg3: memref<323584xi32, #tpu.memory_space<hbm>>, %arg4: memref<323584xi32, #tpu.memory_space<hbm>>, %arg5: memref<128x128xf32, #tpu.memory_space<hbm>>, %arg6: memref<2x10240x128xf32, #tpu.memory_space<hbm>>, %arg7: memref<128xi32, #tpu.memory_space<vmem>>, %arg8: memref<128xi32, #tpu.memory_space<vmem>>, %arg9: memref<128xi32, #tpu.memory_space<vmem>>, %arg10: memref<128xi32, #tpu.memory_space<vmem>>, %arg11: memref<128x128xf32, #tpu.memory_space<vmem>>, %arg12: memref<128x128xf32, #tpu.memory_space<vmem>>, %arg13: memref<10240x128xf32, #tpu.memory_space<vmem_shared>>, %arg14: memref<!tpu.dma_semaphore, #tpu.memory_space<semaphore_mem>>, %arg15: memref<!tpu.dma_semaphore, #tpu.memory_space<semaphore_mem>>, %arg16: memref<!tpu.dma_semaphore, #tpu.memory_space<semaphore_mem>>, %arg17: memref<!tpu.dma_semaphore, #tpu.memory_space<semaphore_mem>>, %arg18: memref<!tpu.dma_semaphore, #tpu.memory_space<semaphore_mem>>, %arg19: memref<!tpu.dma_semaphore, #tpu.memory_space<semaphore_mem>>, %arg20: memref<!tpu.dma_semaphore, #tpu.memory_space<semaphore_mem>>, %arg21: memref<!tpu.dma_semaphore, #tpu.memory_space<semaphore_mem>>) attributes {dimension_semantics = [#tpu.dimension_semantics<core_parallel>, #tpu.dimension_semantics<subcore_parallel>], iteration_bounds = array<i64: 2, 16>, scalar_prefetch = 0 : i64, scratch_operands = 15 : i64, tpu.core_type = #tpu.core_type<sc_vector_subcore>, window_params = [{transform_indices = #map}, {transform_indices = #map1}, {transform_indices = #map1}, {transform_indices = #map}, {transform_indices = #map2}]} {
    %mul3A = arith.constant 16 : i32
    %mul3A_0 = arith.muli %arg0, %mul3A : i32
    %add3A = arith.addi %mul3A_0, %arg1 : i32
    "tpu.region"() ({
      %run_scoped3A = tpu.sem_alloc : memref<!tpu.dma_semaphore, #tpu.memory_space<semaphore_mem>>
      tpu.enqueue_dma source(%arg5 : memref<128x128xf32, #tpu.memory_space<hbm>>) target(%arg11 : memref<128x128xf32, #tpu.memory_space<vmem>>) target_semaphore(%run_scoped3A : memref<!tpu.dma_semaphore, #tpu.memory_space<semaphore_mem>>)
      tpu.wait_dma2 semaphore(%run_scoped3A : memref<!tpu.dma_semaphore, #tpu.memory_space<semaphore_mem>>) src(%arg5 : memref<128x128xf32, #tpu.memory_space<hbm>>) dst(%arg11 : memref<128x128xf32, #tpu.memory_space<vmem>>)
      tpu.yield
    }) : () -> ()
    %mul3A_1 = arith.constant 640 : i32
    %mul3A_2 = arith.muli %arg1, %mul3A_1 : i32
    %add3A_3 = arith.constant 0 : i32
    %add3A_4 = arith.addi %mul3A_2, %add3A_3 : i32
    "tpu.region"() ({
      %run_scoped3A = tpu.sem_alloc : memref<!tpu.dma_semaphore, #tpu.memory_space<semaphore_mem>>
      %dma_start3A = arith.constant 0 : i32
      %dma_start3A_71 = tpu.memref_slice %arg13[%add3A_4, %dma_start3A] : memref<10240x128xf32, #tpu.memory_space<vmem_shared>> -> memref<128x128xf32, #tpu.memory_space<vmem_shared>>
      %dma_start3A_72 = arith.constant 0 : i32
      %dma_start3A_73 = tpu.memref_slice %arg13[%add3A_4, %dma_start3A_72] : memref<10240x128xf32, #tpu.memory_space<vmem_shared>> -> memref<128x128xf32, #tpu.memory_space<vmem_shared>>
      tpu.enqueue_dma source(%arg11 : memref<128x128xf32, #tpu.memory_space<vmem>>) target(%dma_start3A_73 : memref<128x128xf32, #tpu.memory_space<vmem_shared>>) target_semaphore(%run_scoped3A : memref<!tpu.dma_semaphore, #tpu.memory_space<semaphore_mem>>)
      %dma_wait3A = arith.constant 0 : i32
      %dma_wait3A_74 = tpu.memref_slice %arg13[%add3A_4, %dma_wait3A] : memref<10240x128xf32, #tpu.memory_space<vmem_shared>> -> memref<128x128xf32, #tpu.memory_space<vmem_shared>>
      %dma_wait3A_75 = arith.constant 0 : i32
      %dma_wait3A_76 = tpu.memref_slice %arg13[%add3A_4, %dma_wait3A_75] : memref<10240x128xf32, #tpu.memory_space<vmem_shared>> -> memref<128x128xf32, #tpu.memory_space<vmem_shared>>
      tpu.wait_dma2 semaphore(%run_scoped3A : memref<!tpu.dma_semaphore, #tpu.memory_space<semaphore_mem>>) src(%arg11 : memref<128x128xf32, #tpu.memory_space<vmem>>) dst(%dma_wait3A_76 : memref<128x128xf32, #tpu.memory_space<vmem_shared>>)
      tpu.yield
    }) : () -> ()
    %mul3A_5 = arith.constant 640 : i32
    %mul3A_6 = arith.muli %arg1, %mul3A_5 : i32
    %add3A_7 = arith.constant 128 : i32
    %add3A_8 = arith.addi %mul3A_6, %add3A_7 : i32
    "tpu.region"() ({
      %run_scoped3A = tpu.sem_alloc : memref<!tpu.dma_semaphore, #tpu.memory_space<semaphore_mem>>
      %dma_start3A = arith.constant 0 : i32
      %dma_start3A_71 = tpu.memref_slice %arg13[%add3A_8, %dma_start3A] : memref<10240x128xf32, #tpu.memory_space<vmem_shared>> -> memref<128x128xf32, #tpu.memory_space<vmem_shared>>
      %dma_start3A_72 = arith.constant 0 : i32
      %dma_start3A_73 = tpu.memref_slice %arg13[%add3A_8, %dma_start3A_72] : memref<10240x128xf32, #tpu.memory_space<vmem_shared>> -> memref<128x128xf32, #tpu.memory_space<vmem_shared>>
      tpu.enqueue_dma source(%arg11 : memref<128x128xf32, #tpu.memory_space<vmem>>) target(%dma_start3A_73 : memref<128x128xf32, #tpu.memory_space<vmem_shared>>) target_semaphore(%run_scoped3A : memref<!tpu.dma_semaphore, #tpu.memory_space<semaphore_mem>>)
      %dma_wait3A = arith.constant 0 : i32
      %dma_wait3A_74 = tpu.memref_slice %arg13[%add3A_8, %dma_wait3A] : memref<10240x128xf32, #tpu.memory_space<vmem_shared>> -> memref<128x128xf32, #tpu.memory_space<vmem_shared>>
      %dma_wait3A_75 = arith.constant 0 : i32
      %dma_wait3A_76 = tpu.memref_slice %arg13[%add3A_8, %dma_wait3A_75] : memref<10240x128xf32, #tpu.memory_space<vmem_shared>> -> memref<128x128xf32, #tpu.memory_space<vmem_shared>>
      tpu.wait_dma2 semaphore(%run_scoped3A : memref<!tpu.dma_semaphore, #tpu.memory_space<semaphore_mem>>) src(%arg11 : memref<128x128xf32, #tpu.memory_space<vmem>>) dst(%dma_wait3A_76 : memref<128x128xf32, #tpu.memory_space<vmem_shared>>)
      tpu.yield
    }) : () -> ()
    %mul3A_9 = arith.constant 640 : i32
    %mul3A_10 = arith.muli %arg1, %mul3A_9 : i32
    %add3A_11 = arith.constant 256 : i32
    %add3A_12 = arith.addi %mul3A_10, %add3A_11 : i32
    "tpu.region"() ({
      %run_scoped3A = tpu.sem_alloc : memref<!tpu.dma_semaphore, #tpu.memory_space<semaphore_mem>>
      %dma_start3A = arith.constant 0 : i32
      %dma_start3A_71 = tpu.memref_slice %arg13[%add3A_12, %dma_start3A] : memref<10240x128xf32, #tpu.memory_space<vmem_shared>> -> memref<128x128xf32, #tpu.memory_space<vmem_shared>>
      %dma_start3A_72 = arith.constant 0 : i32
      %dma_start3A_73 = tpu.memref_slice %arg13[%add3A_12, %dma_start3A_72] : memref<10240x128xf32, #tpu.memory_space<vmem_shared>> -> memref<128x128xf32, #tpu.memory_space<vmem_shared>>
      tpu.enqueue_dma source(%arg11 : memref<128x128xf32, #tpu.memory_space<vmem>>) target(%dma_start3A_73 : memref<128x128xf32, #tpu.memory_space<vmem_shared>>) target_semaphore(%run_scoped3A : memref<!tpu.dma_semaphore, #tpu.memory_space<semaphore_mem>>)
      %dma_wait3A = arith.constant 0 : i32
      %dma_wait3A_74 = tpu.memref_slice %arg13[%add3A_12, %dma_wait3A] : memref<10240x128xf32, #tpu.memory_space<vmem_shared>> -> memref<128x128xf32, #tpu.memory_space<vmem_shared>>
      %dma_wait3A_75 = arith.constant 0 : i32
      %dma_wait3A_76 = tpu.memref_slice %arg13[%add3A_12, %dma_wait3A_75] : memref<10240x128xf32, #tpu.memory_space<vmem_shared>> -> memref<128x128xf32, #tpu.memory_space<vmem_shared>>
      tpu.wait_dma2 semaphore(%run_scoped3A : memref<!tpu.dma_semaphore, #tpu.memory_space<semaphore_mem>>) src(%arg11 : memref<128x128xf32, #tpu.memory_space<vmem>>) dst(%dma_wait3A_76 : memref<128x128xf32, #tpu.memory_space<vmem_shared>>)
      tpu.yield
    }) : () -> ()
    %mul3A_13 = arith.constant 640 : i32
    %mul3A_14 = arith.muli %arg1, %mul3A_13 : i32
    %add3A_15 = arith.constant 384 : i32
    %add3A_16 = arith.addi %mul3A_14, %add3A_15 : i32
    "tpu.region"() ({
      %run_scoped3A = tpu.sem_alloc : memref<!tpu.dma_semaphore, #tpu.memory_space<semaphore_mem>>
      %dma_start3A = arith.constant 0 : i32
      %dma_start3A_71 = tpu.memref_slice %arg13[%add3A_16, %dma_start3A] : memref<10240x128xf32, #tpu.memory_space<vmem_shared>> -> memref<128x128xf32, #tpu.memory_space<vmem_shared>>
      %dma_start3A_72 = arith.constant 0 : i32
      %dma_start3A_73 = tpu.memref_slice %arg13[%add3A_16, %dma_start3A_72] : memref<10240x128xf32, #tpu.memory_space<vmem_shared>> -> memref<128x128xf32, #tpu.memory_space<vmem_shared>>
      tpu.enqueue_dma source(%arg11 : memref<128x128xf32, #tpu.memory_space<vmem>>) target(%dma_start3A_73 : memref<128x128xf32, #tpu.memory_space<vmem_shared>>) target_semaphore(%run_scoped3A : memref<!tpu.dma_semaphore, #tpu.memory_space<semaphore_mem>>)
      %dma_wait3A = arith.constant 0 : i32
      %dma_wait3A_74 = tpu.memref_slice %arg13[%add3A_16, %dma_wait3A] : memref<10240x128xf32, #tpu.memory_space<vmem_shared>> -> memref<128x128xf32, #tpu.memory_space<vmem_shared>>
      %dma_wait3A_75 = arith.constant 0 : i32
      %dma_wait3A_76 = tpu.memref_slice %arg13[%add3A_16, %dma_wait3A_75] : memref<10240x128xf32, #tpu.memory_space<vmem_shared>> -> memref<128x128xf32, #tpu.memory_space<vmem_shared>>
      tpu.wait_dma2 semaphore(%run_scoped3A : memref<!tpu.dma_semaphore, #tpu.memory_space<semaphore_mem>>) src(%arg11 : memref<128x128xf32, #tpu.memory_space<vmem>>) dst(%dma_wait3A_76 : memref<128x128xf32, #tpu.memory_space<vmem_shared>>)
      tpu.yield
    }) : () -> ()
    %mul3A_17 = arith.constant 640 : i32
    %mul3A_18 = arith.muli %arg1, %mul3A_17 : i32
    %add3A_19 = arith.constant 512 : i32
    %add3A_20 = arith.addi %mul3A_18, %add3A_19 : i32
    "tpu.region"() ({
      %run_scoped3A = tpu.sem_alloc : memref<!tpu.dma_semaphore, #tpu.memory_space<semaphore_mem>>
      %dma_start3A = arith.constant 0 : i32
      %dma_start3A_71 = tpu.memref_slice %arg13[%add3A_20, %dma_start3A] : memref<10240x128xf32, #tpu.memory_space<vmem_shared>> -> memref<128x128xf32, #tpu.memory_space<vmem_shared>>
      %dma_start3A_72 = arith.constant 0 : i32
      %dma_start3A_73 = tpu.memref_slice %arg13[%add3A_20, %dma_start3A_72] : memref<10240x128xf32, #tpu.memory_space<vmem_shared>> -> memref<128x128xf32, #tpu.memory_space<vmem_shared>>
      tpu.enqueue_dma source(%arg11 : memref<128x128xf32, #tpu.memory_space<vmem>>) target(%dma_start3A_73 : memref<128x128xf32, #tpu.memory_space<vmem_shared>>) target_semaphore(%run_scoped3A : memref<!tpu.dma_semaphore, #tpu.memory_space<semaphore_mem>>)
      %dma_wait3A = arith.constant 0 : i32
      %dma_wait3A_74 = tpu.memref_slice %arg13[%add3A_20, %dma_wait3A] : memref<10240x128xf32, #tpu.memory_space<vmem_shared>> -> memref<128x128xf32, #tpu.memory_space<vmem_shared>>
      %dma_wait3A_75 = arith.constant 0 : i32
      %dma_wait3A_76 = tpu.memref_slice %arg13[%add3A_20, %dma_wait3A_75] : memref<10240x128xf32, #tpu.memory_space<vmem_shared>> -> memref<128x128xf32, #tpu.memory_space<vmem_shared>>
      tpu.wait_dma2 semaphore(%run_scoped3A : memref<!tpu.dma_semaphore, #tpu.memory_space<semaphore_mem>>) src(%arg11 : memref<128x128xf32, #tpu.memory_space<vmem>>) dst(%dma_wait3A_76 : memref<128x128xf32, #tpu.memory_space<vmem_shared>>)
      tpu.yield
    }) : () -> ()
    %barrier3A = arith.constant 0 : index
    tpu.barrier barrier_id(%barrier3A)
    %mul3A_21 = arith.constant 79 : i32
    %mul3A_22 = arith.muli %add3A, %mul3A_21 : i32
    %mul3A_23 = arith.constant 128 : i32
    %mul3A_24 = arith.muli %mul3A_22, %mul3A_23 : i32
    %scan3A = arith.constant 0 : i32
    %scan3A_25 = arith.constant 0 : i32
    %scan3A_26 = arith.constant 79 : i32
    %scan3A_27 = arith.addi %scan3A_25, %scan3A_26 : i32
    %scan3A_28 = arith.constant 1 : i32
    scf.for %scan3A_71 = %scan3A_25 to %scan3A_27 step %scan3A_28  : i32 {
      %mul3A_72 = arith.constant 128 : i32
      %mul3A_73 = arith.muli %scan3A_71, %mul3A_72 : i32
      %add3A_74 = arith.addi %mul3A_24, %mul3A_73 : i32
      %dma_start3A = tpu.memref_slice %arg3[%add3A_74] : memref<323584xi32, #tpu.memory_space<hbm>> -> memref<128xi32, #tpu.memory_space<hbm>>
      %dma_start3A_75 = tpu.memref_slice %arg3[%add3A_74] : memref<323584xi32, #tpu.memory_space<hbm>> -> memref<128xi32, #tpu.memory_space<hbm>>
      tpu.enqueue_dma source(%dma_start3A_75 : memref<128xi32, #tpu.memory_space<hbm>>) target(%arg7 : memref<128xi32, #tpu.memory_space<vmem>>) target_semaphore(%arg20 : memref<!tpu.dma_semaphore, #tpu.memory_space<semaphore_mem>>)
      %mul3A_76 = arith.constant 128 : i32
      %mul3A_77 = arith.muli %scan3A_71, %mul3A_76 : i32
      %add3A_78 = arith.addi %mul3A_24, %mul3A_77 : i32
      %dma_start3A_79 = tpu.memref_slice %arg4[%add3A_78] : memref<323584xi32, #tpu.memory_space<hbm>> -> memref<128xi32, #tpu.memory_space<hbm>>
      %dma_start3A_80 = tpu.memref_slice %arg4[%add3A_78] : memref<323584xi32, #tpu.memory_space<hbm>> -> memref<128xi32, #tpu.memory_space<hbm>>
      tpu.enqueue_dma source(%dma_start3A_80 : memref<128xi32, #tpu.memory_space<hbm>>) target(%arg9 : memref<128xi32, #tpu.memory_space<vmem>>) target_semaphore(%arg18 : memref<!tpu.dma_semaphore, #tpu.memory_space<semaphore_mem>>)
      %mul3A_81 = arith.constant 128 : i32
      %mul3A_82 = arith.muli %scan3A_71, %mul3A_81 : i32
      %add3A_83 = arith.addi %mul3A_24, %mul3A_82 : i32
      %dma_wait3A = tpu.memref_slice %arg3[%add3A_83] : memref<323584xi32, #tpu.memory_space<hbm>> -> memref<128xi32, #tpu.memory_space<hbm>>
      %dma_wait3A_84 = tpu.memref_slice %arg3[%add3A_83] : memref<323584xi32, #tpu.memory_space<hbm>> -> memref<128xi32, #tpu.memory_space<hbm>>
      tpu.wait_dma2 semaphore(%arg20 : memref<!tpu.dma_semaphore, #tpu.memory_space<semaphore_mem>>) src(%dma_wait3A_84 : memref<128xi32, #tpu.memory_space<hbm>>) dst(%arg7 : memref<128xi32, #tpu.memory_space<vmem>>)
      %mul3A_85 = arith.constant 128 : i32
      %mul3A_86 = arith.muli %scan3A_71, %mul3A_85 : i32
      %add3A_87 = arith.addi %mul3A_24, %mul3A_86 : i32
      %dma_wait3A_88 = tpu.memref_slice %arg4[%add3A_87] : memref<323584xi32, #tpu.memory_space<hbm>> -> memref<128xi32, #tpu.memory_space<hbm>>
      %dma_wait3A_89 = tpu.memref_slice %arg4[%add3A_87] : memref<323584xi32, #tpu.memory_space<hbm>> -> memref<128xi32, #tpu.memory_space<hbm>>
      tpu.wait_dma2 semaphore(%arg18 : memref<!tpu.dma_semaphore, #tpu.memory_space<semaphore_mem>>) src(%dma_wait3A_89 : memref<128xi32, #tpu.memory_space<hbm>>) dst(%arg9 : memref<128xi32, #tpu.memory_space<vmem>>)
      %dma_start3A_90 = arith.constant 0 : i32
      %dma_start3A_91 = arith.constant 0 : i32
      %dma_start3A_92 = tpu.memref_slice %arg2[%dma_start3A_90, %dma_start3A_91] : memref<10000x128xf32, #tpu.memory_space<hbm>> -> memref<10000x128xf32, #tpu.memory_space<hbm>>
      tpu.enqueue_indirect_dma source(%dma_start3A_92 : memref<10000x128xf32, #tpu.memory_space<hbm>>) target(%arg11 : memref<128x128xf32, #tpu.memory_space<vmem>>) offsets(%arg7 : memref<128xi32, #tpu.memory_space<vmem>>) semaphore(%arg14 : memref<!tpu.dma_semaphore, #tpu.memory_space<semaphore_mem>>)
      %dma_wait3A_93 = arith.constant 0 : i32
      %dma_wait3A_94 = arith.constant 0 : i32
      %dma_wait3A_95 = tpu.memref_slice %arg2[%dma_wait3A_93, %dma_wait3A_94] : memref<10000x128xf32, #tpu.memory_space<hbm>> -> memref<10000x128xf32, #tpu.memory_space<hbm>>
      tpu.wait_indirect_dma semaphore(%arg14 : memref<!tpu.dma_semaphore, #tpu.memory_space<semaphore_mem>>) src(%dma_wait3A_95 : memref<10000x128xf32, #tpu.memory_space<hbm>>) dst(%arg11 : memref<128x128xf32, #tpu.memory_space<vmem>>)
      %dma_start3A_96 = arith.constant 0 : i32
      %dma_start3A_97 = arith.constant 0 : i32
      %dma_start3A_98 = tpu.memref_slice %arg13[%dma_start3A_96, %dma_start3A_97] : memref<10240x128xf32, #tpu.memory_space<vmem_shared>> -> memref<10240x128xf32, #tpu.memory_space<vmem_shared>>
      tpu.enqueue_indirect_dma source(%arg11 : memref<128x128xf32, #tpu.memory_space<vmem>>) target(%dma_start3A_98 : memref<10240x128xf32, #tpu.memory_space<vmem_shared>>) offsets(%arg9 : memref<128xi32, #tpu.memory_space<vmem>>) semaphore(%arg16 : memref<!tpu.dma_semaphore, #tpu.memory_space<semaphore_mem>>) {add = true}
      %dma_wait3A_99 = arith.constant 0 : i32
      %dma_wait3A_100 = arith.constant 0 : i32
      %dma_wait3A_101 = tpu.memref_slice %arg13[%dma_wait3A_99, %dma_wait3A_100] : memref<10240x128xf32, #tpu.memory_space<vmem_shared>> -> memref<10240x128xf32, #tpu.memory_space<vmem_shared>>
      tpu.wait_indirect_dma semaphore(%arg16 : memref<!tpu.dma_semaphore, #tpu.memory_space<semaphore_mem>>) src(%arg11 : memref<128x128xf32, #tpu.memory_space<vmem>>) dst(%dma_wait3A_101 : memref<10240x128xf32, #tpu.memory_space<vmem_shared>>)
    }
    %scan3A_29 = arith.constant 79 : i32
    %barrier3A_30 = arith.constant 0 : index
    tpu.barrier barrier_id(%barrier3A_30)
    %mul3A_31 = arith.constant 640 : i32
    %mul3A_32 = arith.muli %arg1, %mul3A_31 : i32
    %add3A_33 = arith.constant 0 : i32
    %add3A_34 = arith.addi %mul3A_32, %add3A_33 : i32
    "tpu.region"() ({
      %run_scoped3A = tpu.sem_alloc : memref<!tpu.dma_semaphore, #tpu.memory_space<semaphore_mem>>
      %dma_start3A = arith.constant 0 : i32
      %dma_start3A_71 = tpu.memref_slice %arg13[%add3A_34, %dma_start3A] : memref<10240x128xf32, #tpu.memory_space<vmem_shared>> -> memref<128x128xf32, #tpu.memory_space<vmem_shared>>
      %dma_start3A_72 = arith.constant 0 : i32
      %dma_start3A_73 = tpu.memref_slice %arg13[%add3A_34, %dma_start3A_72] : memref<10240x128xf32, #tpu.memory_space<vmem_shared>> -> memref<128x128xf32, #tpu.memory_space<vmem_shared>>
      tpu.enqueue_dma source(%dma_start3A_73 : memref<128x128xf32, #tpu.memory_space<vmem_shared>>) target(%arg11 : memref<128x128xf32, #tpu.memory_space<vmem>>) target_semaphore(%run_scoped3A : memref<!tpu.dma_semaphore, #tpu.memory_space<semaphore_mem>>)
      %dma_wait3A = arith.constant 0 : i32
      %dma_wait3A_74 = tpu.memref_slice %arg13[%add3A_34, %dma_wait3A] : memref<10240x128xf32, #tpu.memory_space<vmem_shared>> -> memref<128x128xf32, #tpu.memory_space<vmem_shared>>
      %dma_wait3A_75 = arith.constant 0 : i32
      %dma_wait3A_76 = tpu.memref_slice %arg13[%add3A_34, %dma_wait3A_75] : memref<10240x128xf32, #tpu.memory_space<vmem_shared>> -> memref<128x128xf32, #tpu.memory_space<vmem_shared>>
      tpu.wait_dma2 semaphore(%run_scoped3A : memref<!tpu.dma_semaphore, #tpu.memory_space<semaphore_mem>>) src(%dma_wait3A_76 : memref<128x128xf32, #tpu.memory_space<vmem_shared>>) dst(%arg11 : memref<128x128xf32, #tpu.memory_space<vmem>>)
      tpu.yield
    }) : () -> ()
    %mul3A_35 = arith.constant 640 : i32
    %mul3A_36 = arith.muli %arg1, %mul3A_35 : i32
    %add3A_37 = arith.constant 0 : i32
    %add3A_38 = arith.addi %mul3A_36, %add3A_37 : i32
    "tpu.region"() ({
      %run_scoped3A = tpu.sem_alloc : memref<!tpu.dma_semaphore, #tpu.memory_space<semaphore_mem>>
      %dma_start3A = arith.constant 0 : i32
      %dma_start3A_71 = tpu.memref_slice %arg6[%arg0, %add3A_38, %dma_start3A] : memref<2x10240x128xf32, #tpu.memory_space<hbm>> -> memref<1x128x128xf32, #tpu.memory_space<hbm>>
      %dma_start3A_72 = tpu.memref_squeeze %dma_start3A_71 : memref<1x128x128xf32, #tpu.memory_space<hbm>> -> memref<128x128xf32, #tpu.memory_space<hbm>>
      %dma_start3A_73 = arith.constant 0 : i32
      %dma_start3A_74 = tpu.memref_slice %arg6[%arg0, %add3A_38, %dma_start3A_73] : memref<2x10240x128xf32, #tpu.memory_space<hbm>> -> memref<1x128x128xf32, #tpu.memory_space<hbm>>
      %dma_start3A_75 = tpu.memref_squeeze %dma_start3A_74 : memref<1x128x128xf32, #tpu.memory_space<hbm>> -> memref<128x128xf32, #tpu.memory_space<hbm>>
      tpu.enqueue_dma source(%arg11 : memref<128x128xf32, #tpu.memory_space<vmem>>) target(%dma_start3A_75 : memref<128x128xf32, #tpu.memory_space<hbm>>) target_semaphore(%run_scoped3A : memref<!tpu.dma_semaphore, #tpu.memory_space<semaphore_mem>>)
      %dma_wait3A = arith.constant 0 : i32
      %dma_wait3A_76 = tpu.memref_slice %arg6[%arg0, %add3A_38, %dma_wait3A] : memref<2x10240x128xf32, #tpu.memory_space<hbm>> -> memref<1x128x128xf32, #tpu.memory_space<hbm>>
      %dma_wait3A_77 = tpu.memref_squeeze %dma_wait3A_76 : memref<1x128x128xf32, #tpu.memory_space<hbm>> -> memref<128x128xf32, #tpu.memory_space<hbm>>
      %dma_wait3A_78 = arith.constant 0 : i32
      %dma_wait3A_79 = tpu.memref_slice %arg6[%arg0, %add3A_38, %dma_wait3A_78] : memref<2x10240x128xf32, #tpu.memory_space<hbm>> -> memref<1x128x128xf32, #tpu.memory_space<hbm>>
      %dma_wait3A_80 = tpu.memref_squeeze %dma_wait3A_79 : memref<1x128x128xf32, #tpu.memory_space<hbm>> -> memref<128x128xf32, #tpu.memory_space<hbm>>
      tpu.wait_dma2 semaphore(%run_scoped3A : memref<!tpu.dma_semaphore, #tpu.memory_space<semaphore_mem>>) src(%arg11 : memref<128x128xf32, #tpu.memory_space<vmem>>) dst(%dma_wait3A_80 : memref<128x128xf32, #tpu.memory_space<hbm>>)
      tpu.yield
    }) : () -> ()
    %mul3A_39 = arith.constant 640 : i32
    %mul3A_40 = arith.muli %arg1, %mul3A_39 : i32
    %add3A_41 = arith.constant 128 : i32
    %add3A_42 = arith.addi %mul3A_40, %add3A_41 : i32
    "tpu.region"() ({
      %run_scoped3A = tpu.sem_alloc : memref<!tpu.dma_semaphore, #tpu.memory_space<semaphore_mem>>
      %dma_start3A = arith.constant 0 : i32
      %dma_start3A_71 = tpu.memref_slice %arg13[%add3A_42, %dma_start3A] : memref<10240x128xf32, #tpu.memory_space<vmem_shared>> -> memref<128x128xf32, #tpu.memory_space<vmem_shared>>
      %dma_start3A_72 = arith.constant 0 : i32
      %dma_start3A_73 = tpu.memref_slice %arg13[%add3A_42, %dma_start3A_72] : memref<10240x128xf32, #tpu.memory_space<vmem_shared>> -> memref<128x128xf32, #tpu.memory_space<vmem_shared>>
      tpu.enqueue_dma source(%dma_start3A_73 : memref<128x128xf32, #tpu.memory_space<vmem_shared>>) target(%arg11 : memref<128x128xf32, #tpu.memory_space<vmem>>) target_semaphore(%run_scoped3A : memref<!tpu.dma_semaphore, #tpu.memory_space<semaphore_mem>>)
      %dma_wait3A = arith.constant 0 : i32
      %dma_wait3A_74 = tpu.memref_slice %arg13[%add3A_42, %dma_wait3A] : memref<10240x128xf32, #tpu.memory_space<vmem_shared>> -> memref<128x128xf32, #tpu.memory_space<vmem_shared>>
      %dma_wait3A_75 = arith.constant 0 : i32
      %dma_wait3A_76 = tpu.memref_slice %arg13[%add3A_42, %dma_wait3A_75] : memref<10240x128xf32, #tpu.memory_space<vmem_shared>> -> memref<128x128xf32, #tpu.memory_space<vmem_shared>>
      tpu.wait_dma2 semaphore(%run_scoped3A : memref<!tpu.dma_semaphore, #tpu.memory_space<semaphore_mem>>) src(%dma_wait3A_76 : memref<128x128xf32, #tpu.memory_space<vmem_shared>>) dst(%arg11 : memref<128x128xf32, #tpu.memory_space<vmem>>)
      tpu.yield
    }) : () -> ()
    %mul3A_43 = arith.constant 640 : i32
    %mul3A_44 = arith.muli %arg1, %mul3A_43 : i32
    %add3A_45 = arith.constant 128 : i32
    %add3A_46 = arith.addi %mul3A_44, %add3A_45 : i32
    "tpu.region"() ({
      %run_scoped3A = tpu.sem_alloc : memref<!tpu.dma_semaphore, #tpu.memory_space<semaphore_mem>>
      %dma_start3A = arith.constant 0 : i32
      %dma_start3A_71 = tpu.memref_slice %arg6[%arg0, %add3A_46, %dma_start3A] : memref<2x10240x128xf32, #tpu.memory_space<hbm>> -> memref<1x128x128xf32, #tpu.memory_space<hbm>>
      %dma_start3A_72 = tpu.memref_squeeze %dma_start3A_71 : memref<1x128x128xf32, #tpu.memory_space<hbm>> -> memref<128x128xf32, #tpu.memory_space<hbm>>
      %dma_start3A_73 = arith.constant 0 : i32
      %dma_start3A_74 = tpu.memref_slice %arg6[%arg0, %add3A_46, %dma_start3A_73] : memref<2x10240x128xf32, #tpu.memory_space<hbm>> -> memref<1x128x128xf32, #tpu.memory_space<hbm>>
      %dma_start3A_75 = tpu.memref_squeeze %dma_start3A_74 : memref<1x128x128xf32, #tpu.memory_space<hbm>> -> memref<128x128xf32, #tpu.memory_space<hbm>>
      tpu.enqueue_dma source(%arg11 : memref<128x128xf32, #tpu.memory_space<vmem>>) target(%dma_start3A_75 : memref<128x128xf32, #tpu.memory_space<hbm>>) target_semaphore(%run_scoped3A : memref<!tpu.dma_semaphore, #tpu.memory_space<semaphore_mem>>)
      %dma_wait3A = arith.constant 0 : i32
      %dma_wait3A_76 = tpu.memref_slice %arg6[%arg0, %add3A_46, %dma_wait3A] : memref<2x10240x128xf32, #tpu.memory_space<hbm>> -> memref<1x128x128xf32, #tpu.memory_space<hbm>>
      %dma_wait3A_77 = tpu.memref_squeeze %dma_wait3A_76 : memref<1x128x128xf32, #tpu.memory_space<hbm>> -> memref<128x128xf32, #tpu.memory_space<hbm>>
      %dma_wait3A_78 = arith.constant 0 : i32
      %dma_wait3A_79 = tpu.memref_slice %arg6[%arg0, %add3A_46, %dma_wait3A_78] : memref<2x10240x128xf32, #tpu.memory_space<hbm>> -> memref<1x128x128xf32, #tpu.memory_space<hbm>>
      %dma_wait3A_80 = tpu.memref_squeeze %dma_wait3A_79 : memref<1x128x128xf32, #tpu.memory_space<hbm>> -> memref<128x128xf32, #tpu.memory_space<hbm>>
      tpu.wait_dma2 semaphore(%run_scoped3A : memref<!tpu.dma_semaphore, #tpu.memory_space<semaphore_mem>>) src(%arg11 : memref<128x128xf32, #tpu.memory_space<vmem>>) dst(%dma_wait3A_80 : memref<128x128xf32, #tpu.memory_space<hbm>>)
      tpu.yield
    }) : () -> ()
    %mul3A_47 = arith.constant 640 : i32
    %mul3A_48 = arith.muli %arg1, %mul3A_47 : i32
    %add3A_49 = arith.constant 256 : i32
    %add3A_50 = arith.addi %mul3A_48, %add3A_49 : i32
    "tpu.region"() ({
      %run_scoped3A = tpu.sem_alloc : memref<!tpu.dma_semaphore, #tpu.memory_space<semaphore_mem>>
      %dma_start3A = arith.constant 0 : i32
      %dma_start3A_71 = tpu.memref_slice %arg13[%add3A_50, %dma_start3A] : memref<10240x128xf32, #tpu.memory_space<vmem_shared>> -> memref<128x128xf32, #tpu.memory_space<vmem_shared>>
      %dma_start3A_72 = arith.constant 0 : i32
      %dma_start3A_73 = tpu.memref_slice %arg13[%add3A_50, %dma_start3A_72] : memref<10240x128xf32, #tpu.memory_space<vmem_shared>> -> memref<128x128xf32, #tpu.memory_space<vmem_shared>>
      tpu.enqueue_dma source(%dma_start3A_73 : memref<128x128xf32, #tpu.memory_space<vmem_shared>>) target(%arg11 : memref<128x128xf32, #tpu.memory_space<vmem>>) target_semaphore(%run_scoped3A : memref<!tpu.dma_semaphore, #tpu.memory_space<semaphore_mem>>)
      %dma_wait3A = arith.constant 0 : i32
      %dma_wait3A_74 = tpu.memref_slice %arg13[%add3A_50, %dma_wait3A] : memref<10240x128xf32, #tpu.memory_space<vmem_shared>> -> memref<128x128xf32, #tpu.memory_space<vmem_shared>>
      %dma_wait3A_75 = arith.constant 0 : i32
      %dma_wait3A_76 = tpu.memref_slice %arg13[%add3A_50, %dma_wait3A_75] : memref<10240x128xf32, #tpu.memory_space<vmem_shared>> -> memref<128x128xf32, #tpu.memory_space<vmem_shared>>
      tpu.wait_dma2 semaphore(%run_scoped3A : memref<!tpu.dma_semaphore, #tpu.memory_space<semaphore_mem>>) src(%dma_wait3A_76 : memref<128x128xf32, #tpu.memory_space<vmem_shared>>) dst(%arg11 : memref<128x128xf32, #tpu.memory_space<vmem>>)
      tpu.yield
    }) : () -> ()
    %mul3A_51 = arith.constant 640 : i32
    %mul3A_52 = arith.muli %arg1, %mul3A_51 : i32
    %add3A_53 = arith.constant 256 : i32
    %add3A_54 = arith.addi %mul3A_52, %add3A_53 : i32
    "tpu.region"() ({
      %run_scoped3A = tpu.sem_alloc : memref<!tpu.dma_semaphore, #tpu.memory_space<semaphore_mem>>
      %dma_start3A = arith.constant 0 : i32
      %dma_start3A_71 = tpu.memref_slice %arg6[%arg0, %add3A_54, %dma_start3A] : memref<2x10240x128xf32, #tpu.memory_space<hbm>> -> memref<1x128x128xf32, #tpu.memory_space<hbm>>
      %dma_start3A_72 = tpu.memref_squeeze %dma_start3A_71 : memref<1x128x128xf32, #tpu.memory_space<hbm>> -> memref<128x128xf32, #tpu.memory_space<hbm>>
      %dma_start3A_73 = arith.constant 0 : i32
      %dma_start3A_74 = tpu.memref_slice %arg6[%arg0, %add3A_54, %dma_start3A_73] : memref<2x10240x128xf32, #tpu.memory_space<hbm>> -> memref<1x128x128xf32, #tpu.memory_space<hbm>>
      %dma_start3A_75 = tpu.memref_squeeze %dma_start3A_74 : memref<1x128x128xf32, #tpu.memory_space<hbm>> -> memref<128x128xf32, #tpu.memory_space<hbm>>
      tpu.enqueue_dma source(%arg11 : memref<128x128xf32, #tpu.memory_space<vmem>>) target(%dma_start3A_75 : memref<128x128xf32, #tpu.memory_space<hbm>>) target_semaphore(%run_scoped3A : memref<!tpu.dma_semaphore, #tpu.memory_space<semaphore_mem>>)
      %dma_wait3A = arith.constant 0 : i32
      %dma_wait3A_76 = tpu.memref_slice %arg6[%arg0, %add3A_54, %dma_wait3A] : memref<2x10240x128xf32, #tpu.memory_space<hbm>> -> memref<1x128x128xf32, #tpu.memory_space<hbm>>
      %dma_wait3A_77 = tpu.memref_squeeze %dma_wait3A_76 : memref<1x128x128xf32, #tpu.memory_space<hbm>> -> memref<128x128xf32, #tpu.memory_space<hbm>>
      %dma_wait3A_78 = arith.constant 0 : i32
      %dma_wait3A_79 = tpu.memref_slice %arg6[%arg0, %add3A_54, %dma_wait3A_78] : memref<2x10240x128xf32, #tpu.memory_space<hbm>> -> memref<1x128x128xf32, #tpu.memory_space<hbm>>
      %dma_wait3A_80 = tpu.memref_squeeze %dma_wait3A_79 : memref<1x128x128xf32, #tpu.memory_space<hbm>> -> memref<128x128xf32, #tpu.memory_space<hbm>>
      tpu.wait_dma2 semaphore(%run_scoped3A : memref<!tpu.dma_semaphore, #tpu.memory_space<semaphore_mem>>) src(%arg11 : memref<128x128xf32, #tpu.memory_space<vmem>>) dst(%dma_wait3A_80 : memref<128x128xf32, #tpu.memory_space<hbm>>)
      tpu.yield
    }) : () -> ()
    %mul3A_55 = arith.constant 640 : i32
    %mul3A_56 = arith.muli %arg1, %mul3A_55 : i32
    %add3A_57 = arith.constant 384 : i32
    %add3A_58 = arith.addi %mul3A_56, %add3A_57 : i32
    "tpu.region"() ({
      %run_scoped3A = tpu.sem_alloc : memref<!tpu.dma_semaphore, #tpu.memory_space<semaphore_mem>>
      %dma_start3A = arith.constant 0 : i32
      %dma_start3A_71 = tpu.memref_slice %arg13[%add3A_58, %dma_start3A] : memref<10240x128xf32, #tpu.memory_space<vmem_shared>> -> memref<128x128xf32, #tpu.memory_space<vmem_shared>>
      %dma_start3A_72 = arith.constant 0 : i32
      %dma_start3A_73 = tpu.memref_slice %arg13[%add3A_58, %dma_start3A_72] : memref<10240x128xf32, #tpu.memory_space<vmem_shared>> -> memref<128x128xf32, #tpu.memory_space<vmem_shared>>
      tpu.enqueue_dma source(%dma_start3A_73 : memref<128x128xf32, #tpu.memory_space<vmem_shared>>) target(%arg11 : memref<128x128xf32, #tpu.memory_space<vmem>>) target_semaphore(%run_scoped3A : memref<!tpu.dma_semaphore, #tpu.memory_space<semaphore_mem>>)
      %dma_wait3A = arith.constant 0 : i32
      %dma_wait3A_74 = tpu.memref_slice %arg13[%add3A_58, %dma_wait3A] : memref<10240x128xf32, #tpu.memory_space<vmem_shared>> -> memref<128x128xf32, #tpu.memory_space<vmem_shared>>
      %dma_wait3A_75 = arith.constant 0 : i32
      %dma_wait3A_76 = tpu.memref_slice %arg13[%add3A_58, %dma_wait3A_75] : memref<10240x128xf32, #tpu.memory_space<vmem_shared>> -> memref<128x128xf32, #tpu.memory_space<vmem_shared>>
      tpu.wait_dma2 semaphore(%run_scoped3A : memref<!tpu.dma_semaphore, #tpu.memory_space<semaphore_mem>>) src(%dma_wait3A_76 : memref<128x128xf32, #tpu.memory_space<vmem_shared>>) dst(%arg11 : memref<128x128xf32, #tpu.memory_space<vmem>>)
      tpu.yield
    }) : () -> ()
    %mul3A_59 = arith.constant 640 : i32
    %mul3A_60 = arith.muli %arg1, %mul3A_59 : i32
    %add3A_61 = arith.constant 384 : i32
    %add3A_62 = arith.addi %mul3A_60, %add3A_61 : i32
    "tpu.region"() ({
      %run_scoped3A = tpu.sem_alloc : memref<!tpu.dma_semaphore, #tpu.memory_space<semaphore_mem>>
      %dma_start3A = arith.constant 0 : i32
      %dma_start3A_71 = tpu.memref_slice %arg6[%arg0, %add3A_62, %dma_start3A] : memref<2x10240x128xf32, #tpu.memory_space<hbm>> -> memref<1x128x128xf32, #tpu.memory_space<hbm>>
      %dma_start3A_72 = tpu.memref_squeeze %dma_start3A_71 : memref<1x128x128xf32, #tpu.memory_space<hbm>> -> memref<128x128xf32, #tpu.memory_space<hbm>>
      %dma_start3A_73 = arith.constant 0 : i32
      %dma_start3A_74 = tpu.memref_slice %arg6[%arg0, %add3A_62, %dma_start3A_73] : memref<2x10240x128xf32, #tpu.memory_space<hbm>> -> memref<1x128x128xf32, #tpu.memory_space<hbm>>
      %dma_start3A_75 = tpu.memref_squeeze %dma_start3A_74 : memref<1x128x128xf32, #tpu.memory_space<hbm>> -> memref<128x128xf32, #tpu.memory_space<hbm>>
      tpu.enqueue_dma source(%arg11 : memref<128x128xf32, #tpu.memory_space<vmem>>) target(%dma_start3A_75 : memref<128x128xf32, #tpu.memory_space<hbm>>) target_semaphore(%run_scoped3A : memref<!tpu.dma_semaphore, #tpu.memory_space<semaphore_mem>>)
      %dma_wait3A = arith.constant 0 : i32
      %dma_wait3A_76 = tpu.memref_slice %arg6[%arg0, %add3A_62, %dma_wait3A] : memref<2x10240x128xf32, #tpu.memory_space<hbm>> -> memref<1x128x128xf32, #tpu.memory_space<hbm>>
      %dma_wait3A_77 = tpu.memref_squeeze %dma_wait3A_76 : memref<1x128x128xf32, #tpu.memory_space<hbm>> -> memref<128x128xf32, #tpu.memory_space<hbm>>
      %dma_wait3A_78 = arith.constant 0 : i32
      %dma_wait3A_79 = tpu.memref_slice %arg6[%arg0, %add3A_62, %dma_wait3A_78] : memref<2x10240x128xf32, #tpu.memory_space<hbm>> -> memref<1x128x128xf32, #tpu.memory_space<hbm>>
      %dma_wait3A_80 = tpu.memref_squeeze %dma_wait3A_79 : memref<1x128x128xf32, #tpu.memory_space<hbm>> -> memref<128x128xf32, #tpu.memory_space<hbm>>
      tpu.wait_dma2 semaphore(%run_scoped3A : memref<!tpu.dma_semaphore, #tpu.memory_space<semaphore_mem>>) src(%arg11 : memref<128x128xf32, #tpu.memory_space<vmem>>) dst(%dma_wait3A_80 : memref<128x128xf32, #tpu.memory_space<hbm>>)
      tpu.yield
    }) : () -> ()
    %mul3A_63 = arith.constant 640 : i32
    %mul3A_64 = arith.muli %arg1, %mul3A_63 : i32
    %add3A_65 = arith.constant 512 : i32
    %add3A_66 = arith.addi %mul3A_64, %add3A_65 : i32
    "tpu.region"() ({
      %run_scoped3A = tpu.sem_alloc : memref<!tpu.dma_semaphore, #tpu.memory_space<semaphore_mem>>
      %dma_start3A = arith.constant 0 : i32
      %dma_start3A_71 = tpu.memref_slice %arg13[%add3A_66, %dma_start3A] : memref<10240x128xf32, #tpu.memory_space<vmem_shared>> -> memref<128x128xf32, #tpu.memory_space<vmem_shared>>
      %dma_start3A_72 = arith.constant 0 : i32
      %dma_start3A_73 = tpu.memref_slice %arg13[%add3A_66, %dma_start3A_72] : memref<10240x128xf32, #tpu.memory_space<vmem_shared>> -> memref<128x128xf32, #tpu.memory_space<vmem_shared>>
      tpu.enqueue_dma source(%dma_start3A_73 : memref<128x128xf32, #tpu.memory_space<vmem_shared>>) target(%arg11 : memref<128x128xf32, #tpu.memory_space<vmem>>) target_semaphore(%run_scoped3A : memref<!tpu.dma_semaphore, #tpu.memory_space<semaphore_mem>>)
      %dma_wait3A = arith.constant 0 : i32
      %dma_wait3A_74 = tpu.memref_slice %arg13[%add3A_66, %dma_wait3A] : memref<10240x128xf32, #tpu.memory_space<vmem_shared>> -> memref<128x128xf32, #tpu.memory_space<vmem_shared>>
      %dma_wait3A_75 = arith.constant 0 : i32
      %dma_wait3A_76 = tpu.memref_slice %arg13[%add3A_66, %dma_wait3A_75] : memref<10240x128xf32, #tpu.memory_space<vmem_shared>> -> memref<128x128xf32, #tpu.memory_space<vmem_shared>>
      tpu.wait_dma2 semaphore(%run_scoped3A : memref<!tpu.dma_semaphore, #tpu.memory_space<semaphore_mem>>) src(%dma_wait3A_76 : memref<128x128xf32, #tpu.memory_space<vmem_shared>>) dst(%arg11 : memref<128x128xf32, #tpu.memory_space<vmem>>)
      tpu.yield
    }) : () -> ()
    %mul3A_67 = arith.constant 640 : i32
    %mul3A_68 = arith.muli %arg1, %mul3A_67 : i32
    %add3A_69 = arith.constant 512 : i32
    %add3A_70 = arith.addi %mul3A_68, %add3A_69 : i32
    "tpu.region"() ({
      %run_scoped3A = tpu.sem_alloc : memref<!tpu.dma_semaphore, #tpu.memory_space<semaphore_mem>>
      %dma_start3A = arith.constant 0 : i32
      %dma_start3A_71 = tpu.memref_slice %arg6[%arg0, %add3A_70, %dma_start3A] : memref<2x10240x128xf32, #tpu.memory_space<hbm>> -> memref<1x128x128xf32, #tpu.memory_space<hbm>>
      %dma_start3A_72 = tpu.memref_squeeze %dma_start3A_71 : memref<1x128x128xf32, #tpu.memory_space<hbm>> -> memref<128x128xf32, #tpu.memory_space<hbm>>
      %dma_start3A_73 = arith.constant 0 : i32
      %dma_start3A_74 = tpu.memref_slice %arg6[%arg0, %add3A_70, %dma_start3A_73] : memref<2x10240x128xf32, #tpu.memory_space<hbm>> -> memref<1x128x128xf32, #tpu.memory_space<hbm>>
      %dma_start3A_75 = tpu.memref_squeeze %dma_start3A_74 : memref<1x128x128xf32, #tpu.memory_space<hbm>> -> memref<128x128xf32, #tpu.memory_space<hbm>>
      tpu.enqueue_dma source(%arg11 : memref<128x128xf32, #tpu.memory_space<vmem>>) target(%dma_start3A_75 : memref<128x128xf32, #tpu.memory_space<hbm>>) target_semaphore(%run_scoped3A : memref<!tpu.dma_semaphore, #tpu.memory_space<semaphore_mem>>)
      %dma_wait3A = arith.constant 0 : i32
      %dma_wait3A_76 = tpu.memref_slice %arg6[%arg0, %add3A_70, %dma_wait3A] : memref<2x10240x128xf32, #tpu.memory_space<hbm>> -> memref<1x128x128xf32, #tpu.memory_space<hbm>>
      %dma_wait3A_77 = tpu.memref_squeeze %dma_wait3A_76 : memref<1x128x128xf32, #tpu.memory_space<hbm>> -> memref<128x128xf32, #tpu.memory_space<hbm>>
      %dma_wait3A_78 = arith.constant 0 : i32
      %dma_wait3A_79 = tpu.memref_slice %arg6[%arg0, %add3A_70, %dma_wait3A_78] : memref<2x10240x128xf32, #tpu.memory_space<hbm>> -> memref<1x128x128xf32, #tpu.memory_space<hbm>>
      %dma_wait3A_80 = tpu.memref_squeeze %dma_wait3A_79 : memref<1x128x128xf32, #tpu.memory_space<hbm>> -> memref<128x128xf32, #tpu.memory_space<hbm>>
      tpu.wait_dma2 semaphore(%run_scoped3A : memref<!tpu.dma_semaphore, #tpu.memory_space<semaphore_mem>>) src(%arg11 : memref<128x128xf32, #tpu.memory_space<vmem>>) dst(%dma_wait3A_80 : memref<128x128xf32, #tpu.memory_space<hbm>>)
      tpu.yield
    }) : () -> ()
    return
  }
}

#map = affine_map<(d0, d1) -> (0)>
#map1 = affine_map<(d0, d1) -> (0, 0)>
module attributes {stable_mosaic.version = 14 : i64} {
  func.func @_deg_body(%arg0: i32, %arg1: i32, %arg2: memref<323584xi32, #tpu.memory_space<hbm>>, %arg3: memref<128xf32, #tpu.memory_space<hbm>>, %arg4: memref<640xf32, #tpu.memory_space<hbm>>, %arg5: memref<2x10240xf32, #tpu.memory_space<hbm>>, %arg6: memref<128xi32, #tpu.memory_space<vmem>>, %arg7: memref<128xf32, #tpu.memory_space<vmem>>, %arg8: memref<640xf32, #tpu.memory_space<vmem>>, %arg9: memref<10240xf32, #tpu.memory_space<vmem_shared>>, %arg10: memref<!tpu.dma_semaphore, #tpu.memory_space<semaphore_mem>>) attributes {dimension_semantics = [#tpu.dimension_semantics<core_parallel>, #tpu.dimension_semantics<subcore_parallel>], iteration_bounds = array<i64: 2, 16>, scalar_prefetch = 0 : i64, scratch_operands = 5 : i64, tpu.core_type = #tpu.core_type<sc_vector_subcore>, window_params = [{transform_indices = #map}, {transform_indices = #map}, {transform_indices = #map}, {transform_indices = #map1}]} {
    %mul3A = arith.constant 16 : i32
    %mul3A_0 = arith.muli %arg0, %mul3A : i32
    %add3A = arith.addi %mul3A_0, %arg1 : i32
    "tpu.region"() ({
      %run_scoped3A = tpu.sem_alloc : memref<!tpu.dma_semaphore, #tpu.memory_space<semaphore_mem>>
      tpu.enqueue_dma source(%arg4 : memref<640xf32, #tpu.memory_space<hbm>>) target(%arg8 : memref<640xf32, #tpu.memory_space<vmem>>) target_semaphore(%run_scoped3A : memref<!tpu.dma_semaphore, #tpu.memory_space<semaphore_mem>>)
      tpu.wait_dma2 semaphore(%run_scoped3A : memref<!tpu.dma_semaphore, #tpu.memory_space<semaphore_mem>>) src(%arg4 : memref<640xf32, #tpu.memory_space<hbm>>) dst(%arg8 : memref<640xf32, #tpu.memory_space<vmem>>)
      tpu.yield
    }) : () -> ()
    %mul3A_1 = arith.constant 640 : i32
    %mul3A_2 = arith.muli %arg1, %mul3A_1 : i32
    "tpu.region"() ({
      %run_scoped3A = tpu.sem_alloc : memref<!tpu.dma_semaphore, #tpu.memory_space<semaphore_mem>>
      %dma_start3A = tpu.memref_slice %arg9[%mul3A_2] : memref<10240xf32, #tpu.memory_space<vmem_shared>> -> memref<640xf32, #tpu.memory_space<vmem_shared>>
      %dma_start3A_15 = tpu.memref_slice %arg9[%mul3A_2] : memref<10240xf32, #tpu.memory_space<vmem_shared>> -> memref<640xf32, #tpu.memory_space<vmem_shared>>
      tpu.enqueue_dma source(%arg8 : memref<640xf32, #tpu.memory_space<vmem>>) target(%dma_start3A_15 : memref<640xf32, #tpu.memory_space<vmem_shared>>) target_semaphore(%run_scoped3A : memref<!tpu.dma_semaphore, #tpu.memory_space<semaphore_mem>>)
      %dma_wait3A = tpu.memref_slice %arg9[%mul3A_2] : memref<10240xf32, #tpu.memory_space<vmem_shared>> -> memref<640xf32, #tpu.memory_space<vmem_shared>>
      %dma_wait3A_16 = tpu.memref_slice %arg9[%mul3A_2] : memref<10240xf32, #tpu.memory_space<vmem_shared>> -> memref<640xf32, #tpu.memory_space<vmem_shared>>
      tpu.wait_dma2 semaphore(%run_scoped3A : memref<!tpu.dma_semaphore, #tpu.memory_space<semaphore_mem>>) src(%arg8 : memref<640xf32, #tpu.memory_space<vmem>>) dst(%dma_wait3A_16 : memref<640xf32, #tpu.memory_space<vmem_shared>>)
      tpu.yield
    }) : () -> ()
    "tpu.region"() ({
      %run_scoped3A = tpu.sem_alloc : memref<!tpu.dma_semaphore, #tpu.memory_space<semaphore_mem>>
      tpu.enqueue_dma source(%arg3 : memref<128xf32, #tpu.memory_space<hbm>>) target(%arg7 : memref<128xf32, #tpu.memory_space<vmem>>) target_semaphore(%run_scoped3A : memref<!tpu.dma_semaphore, #tpu.memory_space<semaphore_mem>>)
      tpu.wait_dma2 semaphore(%run_scoped3A : memref<!tpu.dma_semaphore, #tpu.memory_space<semaphore_mem>>) src(%arg3 : memref<128xf32, #tpu.memory_space<hbm>>) dst(%arg7 : memref<128xf32, #tpu.memory_space<vmem>>)
      tpu.yield
    }) : () -> ()
    %barrier3A = arith.constant 0 : index
    tpu.barrier barrier_id(%barrier3A)
    %mul3A_3 = arith.constant 10112 : i32
    %mul3A_4 = arith.muli %add3A, %mul3A_3 : i32
    %scan3A = arith.constant 0 : i32
    %scan3A_5 = arith.constant 0 : i32
    %scan3A_6 = arith.constant 79 : i32
    %scan3A_7 = arith.addi %scan3A_5, %scan3A_6 : i32
    %scan3A_8 = arith.constant 1 : i32
    scf.for %scan3A_15 = %scan3A_5 to %scan3A_7 step %scan3A_8  : i32 {
      %mul3A_16 = arith.constant 128 : i32
      %mul3A_17 = arith.muli %scan3A_15, %mul3A_16 : i32
      %add3A_18 = arith.addi %mul3A_4, %mul3A_17 : i32
      "tpu.region"() ({
        %run_scoped3A = tpu.sem_alloc : memref<!tpu.dma_semaphore, #tpu.memory_space<semaphore_mem>>
        %dma_start3A = tpu.memref_slice %arg2[%add3A_18] : memref<323584xi32, #tpu.memory_space<hbm>> -> memref<128xi32, #tpu.memory_space<hbm>>
        %dma_start3A_19 = tpu.memref_slice %arg2[%add3A_18] : memref<323584xi32, #tpu.memory_space<hbm>> -> memref<128xi32, #tpu.memory_space<hbm>>
        tpu.enqueue_dma source(%dma_start3A_19 : memref<128xi32, #tpu.memory_space<hbm>>) target(%arg6 : memref<128xi32, #tpu.memory_space<vmem>>) target_semaphore(%run_scoped3A : memref<!tpu.dma_semaphore, #tpu.memory_space<semaphore_mem>>)
        %dma_wait3A = tpu.memref_slice %arg2[%add3A_18] : memref<323584xi32, #tpu.memory_space<hbm>> -> memref<128xi32, #tpu.memory_space<hbm>>
        %dma_wait3A_20 = tpu.memref_slice %arg2[%add3A_18] : memref<323584xi32, #tpu.memory_space<hbm>> -> memref<128xi32, #tpu.memory_space<hbm>>
        tpu.wait_dma2 semaphore(%run_scoped3A : memref<!tpu.dma_semaphore, #tpu.memory_space<semaphore_mem>>) src(%dma_wait3A_20 : memref<128xi32, #tpu.memory_space<hbm>>) dst(%arg6 : memref<128xi32, #tpu.memory_space<vmem>>)
        tpu.yield
      }) : () -> ()
      "tpu.region"() ({
        %run_scoped3A = tpu.sem_alloc : memref<!tpu.dma_semaphore, #tpu.memory_space<semaphore_mem>>
        %dma_start3A = arith.constant 0 : i32
        %dma_start3A_19 = tpu.memref_slice %arg9[%dma_start3A] : memref<10240xf32, #tpu.memory_space<vmem_shared>> -> memref<10240xf32, #tpu.memory_space<vmem_shared>>
        tpu.enqueue_indirect_dma source(%arg7 : memref<128xf32, #tpu.memory_space<vmem>>) target(%dma_start3A_19 : memref<10240xf32, #tpu.memory_space<vmem_shared>>) offsets(%arg6 : memref<128xi32, #tpu.memory_space<vmem>>) semaphore(%run_scoped3A : memref<!tpu.dma_semaphore, #tpu.memory_space<semaphore_mem>>) {add = true}
        %dma_wait3A = arith.constant 0 : i32
        %dma_wait3A_20 = tpu.memref_slice %arg9[%dma_wait3A] : memref<10240xf32, #tpu.memory_space<vmem_shared>> -> memref<10240xf32, #tpu.memory_space<vmem_shared>>
        tpu.wait_indirect_dma semaphore(%run_scoped3A : memref<!tpu.dma_semaphore, #tpu.memory_space<semaphore_mem>>) src(%arg7 : memref<128xf32, #tpu.memory_space<vmem>>) dst(%dma_wait3A_20 : memref<10240xf32, #tpu.memory_space<vmem_shared>>)
        tpu.yield
      }) : () -> ()
    }
    %scan3A_9 = arith.constant 79 : i32
    %barrier3A_10 = arith.constant 0 : index
    tpu.barrier barrier_id(%barrier3A_10)
    %mul3A_11 = arith.constant 640 : i32
    %mul3A_12 = arith.muli %arg1, %mul3A_11 : i32
    "tpu.region"() ({
      %run_scoped3A = tpu.sem_alloc : memref<!tpu.dma_semaphore, #tpu.memory_space<semaphore_mem>>
      %dma_start3A = tpu.memref_slice %arg9[%mul3A_12] : memref<10240xf32, #tpu.memory_space<vmem_shared>> -> memref<640xf32, #tpu.memory_space<vmem_shared>>
      %dma_start3A_15 = tpu.memref_slice %arg9[%mul3A_12] : memref<10240xf32, #tpu.memory_space<vmem_shared>> -> memref<640xf32, #tpu.memory_space<vmem_shared>>
      tpu.enqueue_dma source(%dma_start3A_15 : memref<640xf32, #tpu.memory_space<vmem_shared>>) target(%arg8 : memref<640xf32, #tpu.memory_space<vmem>>) target_semaphore(%run_scoped3A : memref<!tpu.dma_semaphore, #tpu.memory_space<semaphore_mem>>)
      %dma_wait3A = tpu.memref_slice %arg9[%mul3A_12] : memref<10240xf32, #tpu.memory_space<vmem_shared>> -> memref<640xf32, #tpu.memory_space<vmem_shared>>
      %dma_wait3A_16 = tpu.memref_slice %arg9[%mul3A_12] : memref<10240xf32, #tpu.memory_space<vmem_shared>> -> memref<640xf32, #tpu.memory_space<vmem_shared>>
      tpu.wait_dma2 semaphore(%run_scoped3A : memref<!tpu.dma_semaphore, #tpu.memory_space<semaphore_mem>>) src(%dma_wait3A_16 : memref<640xf32, #tpu.memory_space<vmem_shared>>) dst(%arg8 : memref<640xf32, #tpu.memory_space<vmem>>)
      tpu.yield
    }) : () -> ()
    %mul3A_13 = arith.constant 640 : i32
    %mul3A_14 = arith.muli %arg1, %mul3A_13 : i32
    "tpu.region"() ({
      %run_scoped3A = tpu.sem_alloc : memref<!tpu.dma_semaphore, #tpu.memory_space<semaphore_mem>>
      %dma_start3A = tpu.memref_slice %arg5[%arg0, %mul3A_14] : memref<2x10240xf32, #tpu.memory_space<hbm>> -> memref<1x640xf32, #tpu.memory_space<hbm>>
      %dma_start3A_15 = tpu.memref_squeeze %dma_start3A : memref<1x640xf32, #tpu.memory_space<hbm>> -> memref<640xf32, #tpu.memory_space<hbm>>
      %dma_start3A_16 = tpu.memref_slice %arg5[%arg0, %mul3A_14] : memref<2x10240xf32, #tpu.memory_space<hbm>> -> memref<1x640xf32, #tpu.memory_space<hbm>>
      %dma_start3A_17 = tpu.memref_squeeze %dma_start3A_16 : memref<1x640xf32, #tpu.memory_space<hbm>> -> memref<640xf32, #tpu.memory_space<hbm>>
      tpu.enqueue_dma source(%arg8 : memref<640xf32, #tpu.memory_space<vmem>>) target(%dma_start3A_17 : memref<640xf32, #tpu.memory_space<hbm>>) target_semaphore(%run_scoped3A : memref<!tpu.dma_semaphore, #tpu.memory_space<semaphore_mem>>)
      %dma_wait3A = tpu.memref_slice %arg5[%arg0, %mul3A_14] : memref<2x10240xf32, #tpu.memory_space<hbm>> -> memref<1x640xf32, #tpu.memory_space<hbm>>
      %dma_wait3A_18 = tpu.memref_squeeze %dma_wait3A : memref<1x640xf32, #tpu.memory_space<hbm>> -> memref<640xf32, #tpu.memory_space<hbm>>
      %dma_wait3A_19 = tpu.memref_slice %arg5[%arg0, %mul3A_14] : memref<2x10240xf32, #tpu.memory_space<hbm>> -> memref<1x640xf32, #tpu.memory_space<hbm>>
      %dma_wait3A_20 = tpu.memref_squeeze %dma_wait3A_19 : memref<1x640xf32, #tpu.memory_space<hbm>> -> memref<640xf32, #tpu.memory_space<hbm>>
      tpu.wait_dma2 semaphore(%run_scoped3A : memref<!tpu.dma_semaphore, #tpu.memory_space<semaphore_mem>>) src(%arg8 : memref<640xf32, #tpu.memory_space<vmem>>) dst(%dma_wait3A_20 : memref<640xf32, #tpu.memory_space<hbm>>)
      tpu.yield
    }) : () -> ()
    return
  }
}

#map = affine_map<(d0, d1) -> (0, 0)>
#map1 = affine_map<(d0, d1) -> (0)>
#map2 = affine_map<(d0, d1) -> (0, 0, 0)>
module attributes {stable_mosaic.version = 14 : i64} {
  func.func @_scat_body(%arg0: i32, %arg1: i32, %arg2: memref<10000x128xf32, #tpu.memory_space<hbm>>, %arg3: memref<323584xi32, #tpu.memory_space<hbm>>, %arg4: memref<323584xi32, #tpu.memory_space<hbm>>, %arg5: memref<128x128xf32, #tpu.memory_space<hbm>>, %arg6: memref<2x10240x128xf32, #tpu.memory_space<hbm>>, %arg7: memref<128xi32, #tpu.memory_space<vmem>>, %arg8: memref<128xi32, #tpu.memory_space<vmem>>, %arg9: memref<128xi32, #tpu.memory_space<vmem>>, %arg10: memref<128xi32, #tpu.memory_space<vmem>>, %arg11: memref<128x128xf32, #tpu.memory_space<vmem>>, %arg12: memref<128x128xf32, #tpu.memory_space<vmem>>, %arg13: memref<10240x128xf32, #tpu.memory_space<vmem_shared>>, %arg14: memref<!tpu.dma_semaphore, #tpu.memory_space<semaphore_mem>>, %arg15: memref<!tpu.dma_semaphore, #tpu.memory_space<semaphore_mem>>, %arg16: memref<!tpu.dma_semaphore, #tpu.memory_space<semaphore_mem>>, %arg17: memref<!tpu.dma_semaphore, #tpu.memory_space<semaphore_mem>>, %arg18: memref<!tpu.dma_semaphore, #tpu.memory_space<semaphore_mem>>, %arg19: memref<!tpu.dma_semaphore, #tpu.memory_space<semaphore_mem>>, %arg20: memref<!tpu.dma_semaphore, #tpu.memory_space<semaphore_mem>>, %arg21: memref<!tpu.dma_semaphore, #tpu.memory_space<semaphore_mem>>) attributes {dimension_semantics = [#tpu.dimension_semantics<core_parallel>, #tpu.dimension_semantics<subcore_parallel>], iteration_bounds = array<i64: 2, 16>, scalar_prefetch = 0 : i64, scratch_operands = 15 : i64, tpu.core_type = #tpu.core_type<sc_vector_subcore>, window_params = [{transform_indices = #map}, {transform_indices = #map1}, {transform_indices = #map1}, {transform_indices = #map}, {transform_indices = #map2}]} {
    %mul3A = arith.constant 16 : i32
    %mul3A_0 = arith.muli %arg0, %mul3A : i32
    %add3A = arith.addi %mul3A_0, %arg1 : i32
    "tpu.region"() ({
      %run_scoped3A = tpu.sem_alloc : memref<!tpu.dma_semaphore, #tpu.memory_space<semaphore_mem>>
      tpu.enqueue_dma source(%arg5 : memref<128x128xf32, #tpu.memory_space<hbm>>) target(%arg11 : memref<128x128xf32, #tpu.memory_space<vmem>>) target_semaphore(%run_scoped3A : memref<!tpu.dma_semaphore, #tpu.memory_space<semaphore_mem>>)
      tpu.wait_dma2 semaphore(%run_scoped3A : memref<!tpu.dma_semaphore, #tpu.memory_space<semaphore_mem>>) src(%arg5 : memref<128x128xf32, #tpu.memory_space<hbm>>) dst(%arg11 : memref<128x128xf32, #tpu.memory_space<vmem>>)
      tpu.yield
    }) : () -> ()
    %mul3A_1 = arith.constant 640 : i32
    %mul3A_2 = arith.muli %arg1, %mul3A_1 : i32
    %add3A_3 = arith.constant 0 : i32
    %add3A_4 = arith.addi %mul3A_2, %add3A_3 : i32
    "tpu.region"() ({
      %run_scoped3A = tpu.sem_alloc : memref<!tpu.dma_semaphore, #tpu.memory_space<semaphore_mem>>
      %dma_start3A = arith.constant 0 : i32
      %dma_start3A_71 = tpu.memref_slice %arg13[%add3A_4, %dma_start3A] : memref<10240x128xf32, #tpu.memory_space<vmem_shared>> -> memref<128x128xf32, #tpu.memory_space<vmem_shared>>
      %dma_start3A_72 = arith.constant 0 : i32
      %dma_start3A_73 = tpu.memref_slice %arg13[%add3A_4, %dma_start3A_72] : memref<10240x128xf32, #tpu.memory_space<vmem_shared>> -> memref<128x128xf32, #tpu.memory_space<vmem_shared>>
      tpu.enqueue_dma source(%arg11 : memref<128x128xf32, #tpu.memory_space<vmem>>) target(%dma_start3A_73 : memref<128x128xf32, #tpu.memory_space<vmem_shared>>) target_semaphore(%run_scoped3A : memref<!tpu.dma_semaphore, #tpu.memory_space<semaphore_mem>>)
      %dma_wait3A = arith.constant 0 : i32
      %dma_wait3A_74 = tpu.memref_slice %arg13[%add3A_4, %dma_wait3A] : memref<10240x128xf32, #tpu.memory_space<vmem_shared>> -> memref<128x128xf32, #tpu.memory_space<vmem_shared>>
      %dma_wait3A_75 = arith.constant 0 : i32
      %dma_wait3A_76 = tpu.memref_slice %arg13[%add3A_4, %dma_wait3A_75] : memref<10240x128xf32, #tpu.memory_space<vmem_shared>> -> memref<128x128xf32, #tpu.memory_space<vmem_shared>>
      tpu.wait_dma2 semaphore(%run_scoped3A : memref<!tpu.dma_semaphore, #tpu.memory_space<semaphore_mem>>) src(%arg11 : memref<128x128xf32, #tpu.memory_space<vmem>>) dst(%dma_wait3A_76 : memref<128x128xf32, #tpu.memory_space<vmem_shared>>)
      tpu.yield
    }) : () -> ()
    %mul3A_5 = arith.constant 640 : i32
    %mul3A_6 = arith.muli %arg1, %mul3A_5 : i32
    %add3A_7 = arith.constant 128 : i32
    %add3A_8 = arith.addi %mul3A_6, %add3A_7 : i32
    "tpu.region"() ({
      %run_scoped3A = tpu.sem_alloc : memref<!tpu.dma_semaphore, #tpu.memory_space<semaphore_mem>>
      %dma_start3A = arith.constant 0 : i32
      %dma_start3A_71 = tpu.memref_slice %arg13[%add3A_8, %dma_start3A] : memref<10240x128xf32, #tpu.memory_space<vmem_shared>> -> memref<128x128xf32, #tpu.memory_space<vmem_shared>>
      %dma_start3A_72 = arith.constant 0 : i32
      %dma_start3A_73 = tpu.memref_slice %arg13[%add3A_8, %dma_start3A_72] : memref<10240x128xf32, #tpu.memory_space<vmem_shared>> -> memref<128x128xf32, #tpu.memory_space<vmem_shared>>
      tpu.enqueue_dma source(%arg11 : memref<128x128xf32, #tpu.memory_space<vmem>>) target(%dma_start3A_73 : memref<128x128xf32, #tpu.memory_space<vmem_shared>>) target_semaphore(%run_scoped3A : memref<!tpu.dma_semaphore, #tpu.memory_space<semaphore_mem>>)
      %dma_wait3A = arith.constant 0 : i32
      %dma_wait3A_74 = tpu.memref_slice %arg13[%add3A_8, %dma_wait3A] : memref<10240x128xf32, #tpu.memory_space<vmem_shared>> -> memref<128x128xf32, #tpu.memory_space<vmem_shared>>
      %dma_wait3A_75 = arith.constant 0 : i32
      %dma_wait3A_76 = tpu.memref_slice %arg13[%add3A_8, %dma_wait3A_75] : memref<10240x128xf32, #tpu.memory_space<vmem_shared>> -> memref<128x128xf32, #tpu.memory_space<vmem_shared>>
      tpu.wait_dma2 semaphore(%run_scoped3A : memref<!tpu.dma_semaphore, #tpu.memory_space<semaphore_mem>>) src(%arg11 : memref<128x128xf32, #tpu.memory_space<vmem>>) dst(%dma_wait3A_76 : memref<128x128xf32, #tpu.memory_space<vmem_shared>>)
      tpu.yield
    }) : () -> ()
    %mul3A_9 = arith.constant 640 : i32
    %mul3A_10 = arith.muli %arg1, %mul3A_9 : i32
    %add3A_11 = arith.constant 256 : i32
    %add3A_12 = arith.addi %mul3A_10, %add3A_11 : i32
    "tpu.region"() ({
      %run_scoped3A = tpu.sem_alloc : memref<!tpu.dma_semaphore, #tpu.memory_space<semaphore_mem>>
      %dma_start3A = arith.constant 0 : i32
      %dma_start3A_71 = tpu.memref_slice %arg13[%add3A_12, %dma_start3A] : memref<10240x128xf32, #tpu.memory_space<vmem_shared>> -> memref<128x128xf32, #tpu.memory_space<vmem_shared>>
      %dma_start3A_72 = arith.constant 0 : i32
      %dma_start3A_73 = tpu.memref_slice %arg13[%add3A_12, %dma_start3A_72] : memref<10240x128xf32, #tpu.memory_space<vmem_shared>> -> memref<128x128xf32, #tpu.memory_space<vmem_shared>>
      tpu.enqueue_dma source(%arg11 : memref<128x128xf32, #tpu.memory_space<vmem>>) target(%dma_start3A_73 : memref<128x128xf32, #tpu.memory_space<vmem_shared>>) target_semaphore(%run_scoped3A : memref<!tpu.dma_semaphore, #tpu.memory_space<semaphore_mem>>)
      %dma_wait3A = arith.constant 0 : i32
      %dma_wait3A_74 = tpu.memref_slice %arg13[%add3A_12, %dma_wait3A] : memref<10240x128xf32, #tpu.memory_space<vmem_shared>> -> memref<128x128xf32, #tpu.memory_space<vmem_shared>>
      %dma_wait3A_75 = arith.constant 0 : i32
      %dma_wait3A_76 = tpu.memref_slice %arg13[%add3A_12, %dma_wait3A_75] : memref<10240x128xf32, #tpu.memory_space<vmem_shared>> -> memref<128x128xf32, #tpu.memory_space<vmem_shared>>
      tpu.wait_dma2 semaphore(%run_scoped3A : memref<!tpu.dma_semaphore, #tpu.memory_space<semaphore_mem>>) src(%arg11 : memref<128x128xf32, #tpu.memory_space<vmem>>) dst(%dma_wait3A_76 : memref<128x128xf32, #tpu.memory_space<vmem_shared>>)
      tpu.yield
    }) : () -> ()
    %mul3A_13 = arith.constant 640 : i32
    %mul3A_14 = arith.muli %arg1, %mul3A_13 : i32
    %add3A_15 = arith.constant 384 : i32
    %add3A_16 = arith.addi %mul3A_14, %add3A_15 : i32
    "tpu.region"() ({
      %run_scoped3A = tpu.sem_alloc : memref<!tpu.dma_semaphore, #tpu.memory_space<semaphore_mem>>
      %dma_start3A = arith.constant 0 : i32
      %dma_start3A_71 = tpu.memref_slice %arg13[%add3A_16, %dma_start3A] : memref<10240x128xf32, #tpu.memory_space<vmem_shared>> -> memref<128x128xf32, #tpu.memory_space<vmem_shared>>
      %dma_start3A_72 = arith.constant 0 : i32
      %dma_start3A_73 = tpu.memref_slice %arg13[%add3A_16, %dma_start3A_72] : memref<10240x128xf32, #tpu.memory_space<vmem_shared>> -> memref<128x128xf32, #tpu.memory_space<vmem_shared>>
      tpu.enqueue_dma source(%arg11 : memref<128x128xf32, #tpu.memory_space<vmem>>) target(%dma_start3A_73 : memref<128x128xf32, #tpu.memory_space<vmem_shared>>) target_semaphore(%run_scoped3A : memref<!tpu.dma_semaphore, #tpu.memory_space<semaphore_mem>>)
      %dma_wait3A = arith.constant 0 : i32
      %dma_wait3A_74 = tpu.memref_slice %arg13[%add3A_16, %dma_wait3A] : memref<10240x128xf32, #tpu.memory_space<vmem_shared>> -> memref<128x128xf32, #tpu.memory_space<vmem_shared>>
      %dma_wait3A_75 = arith.constant 0 : i32
      %dma_wait3A_76 = tpu.memref_slice %arg13[%add3A_16, %dma_wait3A_75] : memref<10240x128xf32, #tpu.memory_space<vmem_shared>> -> memref<128x128xf32, #tpu.memory_space<vmem_shared>>
      tpu.wait_dma2 semaphore(%run_scoped3A : memref<!tpu.dma_semaphore, #tpu.memory_space<semaphore_mem>>) src(%arg11 : memref<128x128xf32, #tpu.memory_space<vmem>>) dst(%dma_wait3A_76 : memref<128x128xf32, #tpu.memory_space<vmem_shared>>)
      tpu.yield
    }) : () -> ()
    %mul3A_17 = arith.constant 640 : i32
    %mul3A_18 = arith.muli %arg1, %mul3A_17 : i32
    %add3A_19 = arith.constant 512 : i32
    %add3A_20 = arith.addi %mul3A_18, %add3A_19 : i32
    "tpu.region"() ({
      %run_scoped3A = tpu.sem_alloc : memref<!tpu.dma_semaphore, #tpu.memory_space<semaphore_mem>>
      %dma_start3A = arith.constant 0 : i32
      %dma_start3A_71 = tpu.memref_slice %arg13[%add3A_20, %dma_start3A] : memref<10240x128xf32, #tpu.memory_space<vmem_shared>> -> memref<128x128xf32, #tpu.memory_space<vmem_shared>>
      %dma_start3A_72 = arith.constant 0 : i32
      %dma_start3A_73 = tpu.memref_slice %arg13[%add3A_20, %dma_start3A_72] : memref<10240x128xf32, #tpu.memory_space<vmem_shared>> -> memref<128x128xf32, #tpu.memory_space<vmem_shared>>
      tpu.enqueue_dma source(%arg11 : memref<128x128xf32, #tpu.memory_space<vmem>>) target(%dma_start3A_73 : memref<128x128xf32, #tpu.memory_space<vmem_shared>>) target_semaphore(%run_scoped3A : memref<!tpu.dma_semaphore, #tpu.memory_space<semaphore_mem>>)
      %dma_wait3A = arith.constant 0 : i32
      %dma_wait3A_74 = tpu.memref_slice %arg13[%add3A_20, %dma_wait3A] : memref<10240x128xf32, #tpu.memory_space<vmem_shared>> -> memref<128x128xf32, #tpu.memory_space<vmem_shared>>
      %dma_wait3A_75 = arith.constant 0 : i32
      %dma_wait3A_76 = tpu.memref_slice %arg13[%add3A_20, %dma_wait3A_75] : memref<10240x128xf32, #tpu.memory_space<vmem_shared>> -> memref<128x128xf32, #tpu.memory_space<vmem_shared>>
      tpu.wait_dma2 semaphore(%run_scoped3A : memref<!tpu.dma_semaphore, #tpu.memory_space<semaphore_mem>>) src(%arg11 : memref<128x128xf32, #tpu.memory_space<vmem>>) dst(%dma_wait3A_76 : memref<128x128xf32, #tpu.memory_space<vmem_shared>>)
      tpu.yield
    }) : () -> ()
    %barrier3A = arith.constant 0 : index
    tpu.barrier barrier_id(%barrier3A)
    %mul3A_21 = arith.constant 79 : i32
    %mul3A_22 = arith.muli %add3A, %mul3A_21 : i32
    %mul3A_23 = arith.constant 128 : i32
    %mul3A_24 = arith.muli %mul3A_22, %mul3A_23 : i32
    %scan3A = arith.constant 0 : i32
    %scan3A_25 = arith.constant 0 : i32
    %scan3A_26 = arith.constant 79 : i32
    %scan3A_27 = arith.addi %scan3A_25, %scan3A_26 : i32
    %scan3A_28 = arith.constant 1 : i32
    scf.for %scan3A_71 = %scan3A_25 to %scan3A_27 step %scan3A_28  : i32 {
      %mul3A_72 = arith.constant 128 : i32
      %mul3A_73 = arith.muli %scan3A_71, %mul3A_72 : i32
      %add3A_74 = arith.addi %mul3A_24, %mul3A_73 : i32
      %dma_start3A = tpu.memref_slice %arg3[%add3A_74] : memref<323584xi32, #tpu.memory_space<hbm>> -> memref<128xi32, #tpu.memory_space<hbm>>
      %dma_start3A_75 = tpu.memref_slice %arg3[%add3A_74] : memref<323584xi32, #tpu.memory_space<hbm>> -> memref<128xi32, #tpu.memory_space<hbm>>
      tpu.enqueue_dma source(%dma_start3A_75 : memref<128xi32, #tpu.memory_space<hbm>>) target(%arg7 : memref<128xi32, #tpu.memory_space<vmem>>) target_semaphore(%arg20 : memref<!tpu.dma_semaphore, #tpu.memory_space<semaphore_mem>>)
      %mul3A_76 = arith.constant 128 : i32
      %mul3A_77 = arith.muli %scan3A_71, %mul3A_76 : i32
      %add3A_78 = arith.addi %mul3A_24, %mul3A_77 : i32
      %dma_start3A_79 = tpu.memref_slice %arg4[%add3A_78] : memref<323584xi32, #tpu.memory_space<hbm>> -> memref<128xi32, #tpu.memory_space<hbm>>
      %dma_start3A_80 = tpu.memref_slice %arg4[%add3A_78] : memref<323584xi32, #tpu.memory_space<hbm>> -> memref<128xi32, #tpu.memory_space<hbm>>
      tpu.enqueue_dma source(%dma_start3A_80 : memref<128xi32, #tpu.memory_space<hbm>>) target(%arg9 : memref<128xi32, #tpu.memory_space<vmem>>) target_semaphore(%arg18 : memref<!tpu.dma_semaphore, #tpu.memory_space<semaphore_mem>>)
      %mul3A_81 = arith.constant 128 : i32
      %mul3A_82 = arith.muli %scan3A_71, %mul3A_81 : i32
      %add3A_83 = arith.addi %mul3A_24, %mul3A_82 : i32
      %dma_wait3A = tpu.memref_slice %arg3[%add3A_83] : memref<323584xi32, #tpu.memory_space<hbm>> -> memref<128xi32, #tpu.memory_space<hbm>>
      %dma_wait3A_84 = tpu.memref_slice %arg3[%add3A_83] : memref<323584xi32, #tpu.memory_space<hbm>> -> memref<128xi32, #tpu.memory_space<hbm>>
      tpu.wait_dma2 semaphore(%arg20 : memref<!tpu.dma_semaphore, #tpu.memory_space<semaphore_mem>>) src(%dma_wait3A_84 : memref<128xi32, #tpu.memory_space<hbm>>) dst(%arg7 : memref<128xi32, #tpu.memory_space<vmem>>)
      %mul3A_85 = arith.constant 128 : i32
      %mul3A_86 = arith.muli %scan3A_71, %mul3A_85 : i32
      %add3A_87 = arith.addi %mul3A_24, %mul3A_86 : i32
      %dma_wait3A_88 = tpu.memref_slice %arg4[%add3A_87] : memref<323584xi32, #tpu.memory_space<hbm>> -> memref<128xi32, #tpu.memory_space<hbm>>
      %dma_wait3A_89 = tpu.memref_slice %arg4[%add3A_87] : memref<323584xi32, #tpu.memory_space<hbm>> -> memref<128xi32, #tpu.memory_space<hbm>>
      tpu.wait_dma2 semaphore(%arg18 : memref<!tpu.dma_semaphore, #tpu.memory_space<semaphore_mem>>) src(%dma_wait3A_89 : memref<128xi32, #tpu.memory_space<hbm>>) dst(%arg9 : memref<128xi32, #tpu.memory_space<vmem>>)
      %dma_start3A_90 = arith.constant 0 : i32
      %dma_start3A_91 = arith.constant 0 : i32
      %dma_start3A_92 = tpu.memref_slice %arg2[%dma_start3A_90, %dma_start3A_91] : memref<10000x128xf32, #tpu.memory_space<hbm>> -> memref<10000x128xf32, #tpu.memory_space<hbm>>
      tpu.enqueue_indirect_dma source(%dma_start3A_92 : memref<10000x128xf32, #tpu.memory_space<hbm>>) target(%arg11 : memref<128x128xf32, #tpu.memory_space<vmem>>) offsets(%arg7 : memref<128xi32, #tpu.memory_space<vmem>>) semaphore(%arg14 : memref<!tpu.dma_semaphore, #tpu.memory_space<semaphore_mem>>)
      %dma_wait3A_93 = arith.constant 0 : i32
      %dma_wait3A_94 = arith.constant 0 : i32
      %dma_wait3A_95 = tpu.memref_slice %arg2[%dma_wait3A_93, %dma_wait3A_94] : memref<10000x128xf32, #tpu.memory_space<hbm>> -> memref<10000x128xf32, #tpu.memory_space<hbm>>
      tpu.wait_indirect_dma semaphore(%arg14 : memref<!tpu.dma_semaphore, #tpu.memory_space<semaphore_mem>>) src(%dma_wait3A_95 : memref<10000x128xf32, #tpu.memory_space<hbm>>) dst(%arg11 : memref<128x128xf32, #tpu.memory_space<vmem>>)
      %dma_start3A_96 = arith.constant 0 : i32
      %dma_start3A_97 = arith.constant 0 : i32
      %dma_start3A_98 = tpu.memref_slice %arg13[%dma_start3A_96, %dma_start3A_97] : memref<10240x128xf32, #tpu.memory_space<vmem_shared>> -> memref<10240x128xf32, #tpu.memory_space<vmem_shared>>
      tpu.enqueue_indirect_dma source(%arg11 : memref<128x128xf32, #tpu.memory_space<vmem>>) target(%dma_start3A_98 : memref<10240x128xf32, #tpu.memory_space<vmem_shared>>) offsets(%arg9 : memref<128xi32, #tpu.memory_space<vmem>>) semaphore(%arg16 : memref<!tpu.dma_semaphore, #tpu.memory_space<semaphore_mem>>) {add = true}
      %dma_wait3A_99 = arith.constant 0 : i32
      %dma_wait3A_100 = arith.constant 0 : i32
      %dma_wait3A_101 = tpu.memref_slice %arg13[%dma_wait3A_99, %dma_wait3A_100] : memref<10240x128xf32, #tpu.memory_space<vmem_shared>> -> memref<10240x128xf32, #tpu.memory_space<vmem_shared>>
      tpu.wait_indirect_dma semaphore(%arg16 : memref<!tpu.dma_semaphore, #tpu.memory_space<semaphore_mem>>) src(%arg11 : memref<128x128xf32, #tpu.memory_space<vmem>>) dst(%dma_wait3A_101 : memref<10240x128xf32, #tpu.memory_space<vmem_shared>>)
    }
    %scan3A_29 = arith.constant 79 : i32
    %barrier3A_30 = arith.constant 0 : index
    tpu.barrier barrier_id(%barrier3A_30)
    %mul3A_31 = arith.constant 640 : i32
    %mul3A_32 = arith.muli %arg1, %mul3A_31 : i32
    %add3A_33 = arith.constant 0 : i32
    %add3A_34 = arith.addi %mul3A_32, %add3A_33 : i32
    "tpu.region"() ({
      %run_scoped3A = tpu.sem_alloc : memref<!tpu.dma_semaphore, #tpu.memory_space<semaphore_mem>>
      %dma_start3A = arith.constant 0 : i32
      %dma_start3A_71 = tpu.memref_slice %arg13[%add3A_34, %dma_start3A] : memref<10240x128xf32, #tpu.memory_space<vmem_shared>> -> memref<128x128xf32, #tpu.memory_space<vmem_shared>>
      %dma_start3A_72 = arith.constant 0 : i32
      %dma_start3A_73 = tpu.memref_slice %arg13[%add3A_34, %dma_start3A_72] : memref<10240x128xf32, #tpu.memory_space<vmem_shared>> -> memref<128x128xf32, #tpu.memory_space<vmem_shared>>
      tpu.enqueue_dma source(%dma_start3A_73 : memref<128x128xf32, #tpu.memory_space<vmem_shared>>) target(%arg11 : memref<128x128xf32, #tpu.memory_space<vmem>>) target_semaphore(%run_scoped3A : memref<!tpu.dma_semaphore, #tpu.memory_space<semaphore_mem>>)
      %dma_wait3A = arith.constant 0 : i32
      %dma_wait3A_74 = tpu.memref_slice %arg13[%add3A_34, %dma_wait3A] : memref<10240x128xf32, #tpu.memory_space<vmem_shared>> -> memref<128x128xf32, #tpu.memory_space<vmem_shared>>
      %dma_wait3A_75 = arith.constant 0 : i32
      %dma_wait3A_76 = tpu.memref_slice %arg13[%add3A_34, %dma_wait3A_75] : memref<10240x128xf32, #tpu.memory_space<vmem_shared>> -> memref<128x128xf32, #tpu.memory_space<vmem_shared>>
      tpu.wait_dma2 semaphore(%run_scoped3A : memref<!tpu.dma_semaphore, #tpu.memory_space<semaphore_mem>>) src(%dma_wait3A_76 : memref<128x128xf32, #tpu.memory_space<vmem_shared>>) dst(%arg11 : memref<128x128xf32, #tpu.memory_space<vmem>>)
      tpu.yield
    }) : () -> ()
    %mul3A_35 = arith.constant 640 : i32
    %mul3A_36 = arith.muli %arg1, %mul3A_35 : i32
    %add3A_37 = arith.constant 0 : i32
    %add3A_38 = arith.addi %mul3A_36, %add3A_37 : i32
    "tpu.region"() ({
      %run_scoped3A = tpu.sem_alloc : memref<!tpu.dma_semaphore, #tpu.memory_space<semaphore_mem>>
      %dma_start3A = arith.constant 0 : i32
      %dma_start3A_71 = tpu.memref_slice %arg6[%arg0, %add3A_38, %dma_start3A] : memref<2x10240x128xf32, #tpu.memory_space<hbm>> -> memref<1x128x128xf32, #tpu.memory_space<hbm>>
      %dma_start3A_72 = tpu.memref_squeeze %dma_start3A_71 : memref<1x128x128xf32, #tpu.memory_space<hbm>> -> memref<128x128xf32, #tpu.memory_space<hbm>>
      %dma_start3A_73 = arith.constant 0 : i32
      %dma_start3A_74 = tpu.memref_slice %arg6[%arg0, %add3A_38, %dma_start3A_73] : memref<2x10240x128xf32, #tpu.memory_space<hbm>> -> memref<1x128x128xf32, #tpu.memory_space<hbm>>
      %dma_start3A_75 = tpu.memref_squeeze %dma_start3A_74 : memref<1x128x128xf32, #tpu.memory_space<hbm>> -> memref<128x128xf32, #tpu.memory_space<hbm>>
      tpu.enqueue_dma source(%arg11 : memref<128x128xf32, #tpu.memory_space<vmem>>) target(%dma_start3A_75 : memref<128x128xf32, #tpu.memory_space<hbm>>) target_semaphore(%run_scoped3A : memref<!tpu.dma_semaphore, #tpu.memory_space<semaphore_mem>>)
      %dma_wait3A = arith.constant 0 : i32
      %dma_wait3A_76 = tpu.memref_slice %arg6[%arg0, %add3A_38, %dma_wait3A] : memref<2x10240x128xf32, #tpu.memory_space<hbm>> -> memref<1x128x128xf32, #tpu.memory_space<hbm>>
      %dma_wait3A_77 = tpu.memref_squeeze %dma_wait3A_76 : memref<1x128x128xf32, #tpu.memory_space<hbm>> -> memref<128x128xf32, #tpu.memory_space<hbm>>
      %dma_wait3A_78 = arith.constant 0 : i32
      %dma_wait3A_79 = tpu.memref_slice %arg6[%arg0, %add3A_38, %dma_wait3A_78] : memref<2x10240x128xf32, #tpu.memory_space<hbm>> -> memref<1x128x128xf32, #tpu.memory_space<hbm>>
      %dma_wait3A_80 = tpu.memref_squeeze %dma_wait3A_79 : memref<1x128x128xf32, #tpu.memory_space<hbm>> -> memref<128x128xf32, #tpu.memory_space<hbm>>
      tpu.wait_dma2 semaphore(%run_scoped3A : memref<!tpu.dma_semaphore, #tpu.memory_space<semaphore_mem>>) src(%arg11 : memref<128x128xf32, #tpu.memory_space<vmem>>) dst(%dma_wait3A_80 : memref<128x128xf32, #tpu.memory_space<hbm>>)
      tpu.yield
    }) : () -> ()
    %mul3A_39 = arith.constant 640 : i32
    %mul3A_40 = arith.muli %arg1, %mul3A_39 : i32
    %add3A_41 = arith.constant 128 : i32
    %add3A_42 = arith.addi %mul3A_40, %add3A_41 : i32
    "tpu.region"() ({
      %run_scoped3A = tpu.sem_alloc : memref<!tpu.dma_semaphore, #tpu.memory_space<semaphore_mem>>
      %dma_start3A = arith.constant 0 : i32
      %dma_start3A_71 = tpu.memref_slice %arg13[%add3A_42, %dma_start3A] : memref<10240x128xf32, #tpu.memory_space<vmem_shared>> -> memref<128x128xf32, #tpu.memory_space<vmem_shared>>
      %dma_start3A_72 = arith.constant 0 : i32
      %dma_start3A_73 = tpu.memref_slice %arg13[%add3A_42, %dma_start3A_72] : memref<10240x128xf32, #tpu.memory_space<vmem_shared>> -> memref<128x128xf32, #tpu.memory_space<vmem_shared>>
      tpu.enqueue_dma source(%dma_start3A_73 : memref<128x128xf32, #tpu.memory_space<vmem_shared>>) target(%arg11 : memref<128x128xf32, #tpu.memory_space<vmem>>) target_semaphore(%run_scoped3A : memref<!tpu.dma_semaphore, #tpu.memory_space<semaphore_mem>>)
      %dma_wait3A = arith.constant 0 : i32
      %dma_wait3A_74 = tpu.memref_slice %arg13[%add3A_42, %dma_wait3A] : memref<10240x128xf32, #tpu.memory_space<vmem_shared>> -> memref<128x128xf32, #tpu.memory_space<vmem_shared>>
      %dma_wait3A_75 = arith.constant 0 : i32
      %dma_wait3A_76 = tpu.memref_slice %arg13[%add3A_42, %dma_wait3A_75] : memref<10240x128xf32, #tpu.memory_space<vmem_shared>> -> memref<128x128xf32, #tpu.memory_space<vmem_shared>>
      tpu.wait_dma2 semaphore(%run_scoped3A : memref<!tpu.dma_semaphore, #tpu.memory_space<semaphore_mem>>) src(%dma_wait3A_76 : memref<128x128xf32, #tpu.memory_space<vmem_shared>>) dst(%arg11 : memref<128x128xf32, #tpu.memory_space<vmem>>)
      tpu.yield
    }) : () -> ()
    %mul3A_43 = arith.constant 640 : i32
    %mul3A_44 = arith.muli %arg1, %mul3A_43 : i32
    %add3A_45 = arith.constant 128 : i32
    %add3A_46 = arith.addi %mul3A_44, %add3A_45 : i32
    "tpu.region"() ({
      %run_scoped3A = tpu.sem_alloc : memref<!tpu.dma_semaphore, #tpu.memory_space<semaphore_mem>>
      %dma_start3A = arith.constant 0 : i32
      %dma_start3A_71 = tpu.memref_slice %arg6[%arg0, %add3A_46, %dma_start3A] : memref<2x10240x128xf32, #tpu.memory_space<hbm>> -> memref<1x128x128xf32, #tpu.memory_space<hbm>>
      %dma_start3A_72 = tpu.memref_squeeze %dma_start3A_71 : memref<1x128x128xf32, #tpu.memory_space<hbm>> -> memref<128x128xf32, #tpu.memory_space<hbm>>
      %dma_start3A_73 = arith.constant 0 : i32
      %dma_start3A_74 = tpu.memref_slice %arg6[%arg0, %add3A_46, %dma_start3A_73] : memref<2x10240x128xf32, #tpu.memory_space<hbm>> -> memref<1x128x128xf32, #tpu.memory_space<hbm>>
      %dma_start3A_75 = tpu.memref_squeeze %dma_start3A_74 : memref<1x128x128xf32, #tpu.memory_space<hbm>> -> memref<128x128xf32, #tpu.memory_space<hbm>>
      tpu.enqueue_dma source(%arg11 : memref<128x128xf32, #tpu.memory_space<vmem>>) target(%dma_start3A_75 : memref<128x128xf32, #tpu.memory_space<hbm>>) target_semaphore(%run_scoped3A : memref<!tpu.dma_semaphore, #tpu.memory_space<semaphore_mem>>)
      %dma_wait3A = arith.constant 0 : i32
      %dma_wait3A_76 = tpu.memref_slice %arg6[%arg0, %add3A_46, %dma_wait3A] : memref<2x10240x128xf32, #tpu.memory_space<hbm>> -> memref<1x128x128xf32, #tpu.memory_space<hbm>>
      %dma_wait3A_77 = tpu.memref_squeeze %dma_wait3A_76 : memref<1x128x128xf32, #tpu.memory_space<hbm>> -> memref<128x128xf32, #tpu.memory_space<hbm>>
      %dma_wait3A_78 = arith.constant 0 : i32
      %dma_wait3A_79 = tpu.memref_slice %arg6[%arg0, %add3A_46, %dma_wait3A_78] : memref<2x10240x128xf32, #tpu.memory_space<hbm>> -> memref<1x128x128xf32, #tpu.memory_space<hbm>>
      %dma_wait3A_80 = tpu.memref_squeeze %dma_wait3A_79 : memref<1x128x128xf32, #tpu.memory_space<hbm>> -> memref<128x128xf32, #tpu.memory_space<hbm>>
      tpu.wait_dma2 semaphore(%run_scoped3A : memref<!tpu.dma_semaphore, #tpu.memory_space<semaphore_mem>>) src(%arg11 : memref<128x128xf32, #tpu.memory_space<vmem>>) dst(%dma_wait3A_80 : memref<128x128xf32, #tpu.memory_space<hbm>>)
      tpu.yield
    }) : () -> ()
    %mul3A_47 = arith.constant 640 : i32
    %mul3A_48 = arith.muli %arg1, %mul3A_47 : i32
    %add3A_49 = arith.constant 256 : i32
    %add3A_50 = arith.addi %mul3A_48, %add3A_49 : i32
    "tpu.region"() ({
      %run_scoped3A = tpu.sem_alloc : memref<!tpu.dma_semaphore, #tpu.memory_space<semaphore_mem>>
      %dma_start3A = arith.constant 0 : i32
      %dma_start3A_71 = tpu.memref_slice %arg13[%add3A_50, %dma_start3A] : memref<10240x128xf32, #tpu.memory_space<vmem_shared>> -> memref<128x128xf32, #tpu.memory_space<vmem_shared>>
      %dma_start3A_72 = arith.constant 0 : i32
      %dma_start3A_73 = tpu.memref_slice %arg13[%add3A_50, %dma_start3A_72] : memref<10240x128xf32, #tpu.memory_space<vmem_shared>> -> memref<128x128xf32, #tpu.memory_space<vmem_shared>>
      tpu.enqueue_dma source(%dma_start3A_73 : memref<128x128xf32, #tpu.memory_space<vmem_shared>>) target(%arg11 : memref<128x128xf32, #tpu.memory_space<vmem>>) target_semaphore(%run_scoped3A : memref<!tpu.dma_semaphore, #tpu.memory_space<semaphore_mem>>)
      %dma_wait3A = arith.constant 0 : i32
      %dma_wait3A_74 = tpu.memref_slice %arg13[%add3A_50, %dma_wait3A] : memref<10240x128xf32, #tpu.memory_space<vmem_shared>> -> memref<128x128xf32, #tpu.memory_space<vmem_shared>>
      %dma_wait3A_75 = arith.constant 0 : i32
      %dma_wait3A_76 = tpu.memref_slice %arg13[%add3A_50, %dma_wait3A_75] : memref<10240x128xf32, #tpu.memory_space<vmem_shared>> -> memref<128x128xf32, #tpu.memory_space<vmem_shared>>
      tpu.wait_dma2 semaphore(%run_scoped3A : memref<!tpu.dma_semaphore, #tpu.memory_space<semaphore_mem>>) src(%dma_wait3A_76 : memref<128x128xf32, #tpu.memory_space<vmem_shared>>) dst(%arg11 : memref<128x128xf32, #tpu.memory_space<vmem>>)
      tpu.yield
    }) : () -> ()
    %mul3A_51 = arith.constant 640 : i32
    %mul3A_52 = arith.muli %arg1, %mul3A_51 : i32
    %add3A_53 = arith.constant 256 : i32
    %add3A_54 = arith.addi %mul3A_52, %add3A_53 : i32
    "tpu.region"() ({
      %run_scoped3A = tpu.sem_alloc : memref<!tpu.dma_semaphore, #tpu.memory_space<semaphore_mem>>
      %dma_start3A = arith.constant 0 : i32
      %dma_start3A_71 = tpu.memref_slice %arg6[%arg0, %add3A_54, %dma_start3A] : memref<2x10240x128xf32, #tpu.memory_space<hbm>> -> memref<1x128x128xf32, #tpu.memory_space<hbm>>
      %dma_start3A_72 = tpu.memref_squeeze %dma_start3A_71 : memref<1x128x128xf32, #tpu.memory_space<hbm>> -> memref<128x128xf32, #tpu.memory_space<hbm>>
      %dma_start3A_73 = arith.constant 0 : i32
      %dma_start3A_74 = tpu.memref_slice %arg6[%arg0, %add3A_54, %dma_start3A_73] : memref<2x10240x128xf32, #tpu.memory_space<hbm>> -> memref<1x128x128xf32, #tpu.memory_space<hbm>>
      %dma_start3A_75 = tpu.memref_squeeze %dma_start3A_74 : memref<1x128x128xf32, #tpu.memory_space<hbm>> -> memref<128x128xf32, #tpu.memory_space<hbm>>
      tpu.enqueue_dma source(%arg11 : memref<128x128xf32, #tpu.memory_space<vmem>>) target(%dma_start3A_75 : memref<128x128xf32, #tpu.memory_space<hbm>>) target_semaphore(%run_scoped3A : memref<!tpu.dma_semaphore, #tpu.memory_space<semaphore_mem>>)
      %dma_wait3A = arith.constant 0 : i32
      %dma_wait3A_76 = tpu.memref_slice %arg6[%arg0, %add3A_54, %dma_wait3A] : memref<2x10240x128xf32, #tpu.memory_space<hbm>> -> memref<1x128x128xf32, #tpu.memory_space<hbm>>
      %dma_wait3A_77 = tpu.memref_squeeze %dma_wait3A_76 : memref<1x128x128xf32, #tpu.memory_space<hbm>> -> memref<128x128xf32, #tpu.memory_space<hbm>>
      %dma_wait3A_78 = arith.constant 0 : i32
      %dma_wait3A_79 = tpu.memref_slice %arg6[%arg0, %add3A_54, %dma_wait3A_78] : memref<2x10240x128xf32, #tpu.memory_space<hbm>> -> memref<1x128x128xf32, #tpu.memory_space<hbm>>
      %dma_wait3A_80 = tpu.memref_squeeze %dma_wait3A_79 : memref<1x128x128xf32, #tpu.memory_space<hbm>> -> memref<128x128xf32, #tpu.memory_space<hbm>>
      tpu.wait_dma2 semaphore(%run_scoped3A : memref<!tpu.dma_semaphore, #tpu.memory_space<semaphore_mem>>) src(%arg11 : memref<128x128xf32, #tpu.memory_space<vmem>>) dst(%dma_wait3A_80 : memref<128x128xf32, #tpu.memory_space<hbm>>)
      tpu.yield
    }) : () -> ()
    %mul3A_55 = arith.constant 640 : i32
    %mul3A_56 = arith.muli %arg1, %mul3A_55 : i32
    %add3A_57 = arith.constant 384 : i32
    %add3A_58 = arith.addi %mul3A_56, %add3A_57 : i32
    "tpu.region"() ({
      %run_scoped3A = tpu.sem_alloc : memref<!tpu.dma_semaphore, #tpu.memory_space<semaphore_mem>>
      %dma_start3A = arith.constant 0 : i32
      %dma_start3A_71 = tpu.memref_slice %arg13[%add3A_58, %dma_start3A] : memref<10240x128xf32, #tpu.memory_space<vmem_shared>> -> memref<128x128xf32, #tpu.memory_space<vmem_shared>>
      %dma_start3A_72 = arith.constant 0 : i32
      %dma_start3A_73 = tpu.memref_slice %arg13[%add3A_58, %dma_start3A_72] : memref<10240x128xf32, #tpu.memory_space<vmem_shared>> -> memref<128x128xf32, #tpu.memory_space<vmem_shared>>
      tpu.enqueue_dma source(%dma_start3A_73 : memref<128x128xf32, #tpu.memory_space<vmem_shared>>) target(%arg11 : memref<128x128xf32, #tpu.memory_space<vmem>>) target_semaphore(%run_scoped3A : memref<!tpu.dma_semaphore, #tpu.memory_space<semaphore_mem>>)
      %dma_wait3A = arith.constant 0 : i32
      %dma_wait3A_74 = tpu.memref_slice %arg13[%add3A_58, %dma_wait3A] : memref<10240x128xf32, #tpu.memory_space<vmem_shared>> -> memref<128x128xf32, #tpu.memory_space<vmem_shared>>
      %dma_wait3A_75 = arith.constant 0 : i32
      %dma_wait3A_76 = tpu.memref_slice %arg13[%add3A_58, %dma_wait3A_75] : memref<10240x128xf32, #tpu.memory_space<vmem_shared>> -> memref<128x128xf32, #tpu.memory_space<vmem_shared>>
      tpu.wait_dma2 semaphore(%run_scoped3A : memref<!tpu.dma_semaphore, #tpu.memory_space<semaphore_mem>>) src(%dma_wait3A_76 : memref<128x128xf32, #tpu.memory_space<vmem_shared>>) dst(%arg11 : memref<128x128xf32, #tpu.memory_space<vmem>>)
      tpu.yield
    }) : () -> ()
    %mul3A_59 = arith.constant 640 : i32
    %mul3A_60 = arith.muli %arg1, %mul3A_59 : i32
    %add3A_61 = arith.constant 384 : i32
    %add3A_62 = arith.addi %mul3A_60, %add3A_61 : i32
    "tpu.region"() ({
      %run_scoped3A = tpu.sem_alloc : memref<!tpu.dma_semaphore, #tpu.memory_space<semaphore_mem>>
      %dma_start3A = arith.constant 0 : i32
      %dma_start3A_71 = tpu.memref_slice %arg6[%arg0, %add3A_62, %dma_start3A] : memref<2x10240x128xf32, #tpu.memory_space<hbm>> -> memref<1x128x128xf32, #tpu.memory_space<hbm>>
      %dma_start3A_72 = tpu.memref_squeeze %dma_start3A_71 : memref<1x128x128xf32, #tpu.memory_space<hbm>> -> memref<128x128xf32, #tpu.memory_space<hbm>>
      %dma_start3A_73 = arith.constant 0 : i32
      %dma_start3A_74 = tpu.memref_slice %arg6[%arg0, %add3A_62, %dma_start3A_73] : memref<2x10240x128xf32, #tpu.memory_space<hbm>> -> memref<1x128x128xf32, #tpu.memory_space<hbm>>
      %dma_start3A_75 = tpu.memref_squeeze %dma_start3A_74 : memref<1x128x128xf32, #tpu.memory_space<hbm>> -> memref<128x128xf32, #tpu.memory_space<hbm>>
      tpu.enqueue_dma source(%arg11 : memref<128x128xf32, #tpu.memory_space<vmem>>) target(%dma_start3A_75 : memref<128x128xf32, #tpu.memory_space<hbm>>) target_semaphore(%run_scoped3A : memref<!tpu.dma_semaphore, #tpu.memory_space<semaphore_mem>>)
      %dma_wait3A = arith.constant 0 : i32
      %dma_wait3A_76 = tpu.memref_slice %arg6[%arg0, %add3A_62, %dma_wait3A] : memref<2x10240x128xf32, #tpu.memory_space<hbm>> -> memref<1x128x128xf32, #tpu.memory_space<hbm>>
      %dma_wait3A_77 = tpu.memref_squeeze %dma_wait3A_76 : memref<1x128x128xf32, #tpu.memory_space<hbm>> -> memref<128x128xf32, #tpu.memory_space<hbm>>
      %dma_wait3A_78 = arith.constant 0 : i32
      %dma_wait3A_79 = tpu.memref_slice %arg6[%arg0, %add3A_62, %dma_wait3A_78] : memref<2x10240x128xf32, #tpu.memory_space<hbm>> -> memref<1x128x128xf32, #tpu.memory_space<hbm>>
      %dma_wait3A_80 = tpu.memref_squeeze %dma_wait3A_79 : memref<1x128x128xf32, #tpu.memory_space<hbm>> -> memref<128x128xf32, #tpu.memory_space<hbm>>
      tpu.wait_dma2 semaphore(%run_scoped3A : memref<!tpu.dma_semaphore, #tpu.memory_space<semaphore_mem>>) src(%arg11 : memref<128x128xf32, #tpu.memory_space<vmem>>) dst(%dma_wait3A_80 : memref<128x128xf32, #tpu.memory_space<hbm>>)
      tpu.yield
    }) : () -> ()
    %mul3A_63 = arith.constant 640 : i32
    %mul3A_64 = arith.muli %arg1, %mul3A_63 : i32
    %add3A_65 = arith.constant 512 : i32
    %add3A_66 = arith.addi %mul3A_64, %add3A_65 : i32
    "tpu.region"() ({
      %run_scoped3A = tpu.sem_alloc : memref<!tpu.dma_semaphore, #tpu.memory_space<semaphore_mem>>
      %dma_start3A = arith.constant 0 : i32
      %dma_start3A_71 = tpu.memref_slice %arg13[%add3A_66, %dma_start3A] : memref<10240x128xf32, #tpu.memory_space<vmem_shared>> -> memref<128x128xf32, #tpu.memory_space<vmem_shared>>
      %dma_start3A_72 = arith.constant 0 : i32
      %dma_start3A_73 = tpu.memref_slice %arg13[%add3A_66, %dma_start3A_72] : memref<10240x128xf32, #tpu.memory_space<vmem_shared>> -> memref<128x128xf32, #tpu.memory_space<vmem_shared>>
      tpu.enqueue_dma source(%dma_start3A_73 : memref<128x128xf32, #tpu.memory_space<vmem_shared>>) target(%arg11 : memref<128x128xf32, #tpu.memory_space<vmem>>) target_semaphore(%run_scoped3A : memref<!tpu.dma_semaphore, #tpu.memory_space<semaphore_mem>>)
      %dma_wait3A = arith.constant 0 : i32
      %dma_wait3A_74 = tpu.memref_slice %arg13[%add3A_66, %dma_wait3A] : memref<10240x128xf32, #tpu.memory_space<vmem_shared>> -> memref<128x128xf32, #tpu.memory_space<vmem_shared>>
      %dma_wait3A_75 = arith.constant 0 : i32
      %dma_wait3A_76 = tpu.memref_slice %arg13[%add3A_66, %dma_wait3A_75] : memref<10240x128xf32, #tpu.memory_space<vmem_shared>> -> memref<128x128xf32, #tpu.memory_space<vmem_shared>>
      tpu.wait_dma2 semaphore(%run_scoped3A : memref<!tpu.dma_semaphore, #tpu.memory_space<semaphore_mem>>) src(%dma_wait3A_76 : memref<128x128xf32, #tpu.memory_space<vmem_shared>>) dst(%arg11 : memref<128x128xf32, #tpu.memory_space<vmem>>)
      tpu.yield
    }) : () -> ()
    %mul3A_67 = arith.constant 640 : i32
    %mul3A_68 = arith.muli %arg1, %mul3A_67 : i32
    %add3A_69 = arith.constant 512 : i32
    %add3A_70 = arith.addi %mul3A_68, %add3A_69 : i32
    "tpu.region"() ({
      %run_scoped3A = tpu.sem_alloc : memref<!tpu.dma_semaphore, #tpu.memory_space<semaphore_mem>>
      %dma_start3A = arith.constant 0 : i32
      %dma_start3A_71 = tpu.memref_slice %arg6[%arg0, %add3A_70, %dma_start3A] : memref<2x10240x128xf32, #tpu.memory_space<hbm>> -> memref<1x128x128xf32, #tpu.memory_space<hbm>>
      %dma_start3A_72 = tpu.memref_squeeze %dma_start3A_71 : memref<1x128x128xf32, #tpu.memory_space<hbm>> -> memref<128x128xf32, #tpu.memory_space<hbm>>
      %dma_start3A_73 = arith.constant 0 : i32
      %dma_start3A_74 = tpu.memref_slice %arg6[%arg0, %add3A_70, %dma_start3A_73] : memref<2x10240x128xf32, #tpu.memory_space<hbm>> -> memref<1x128x128xf32, #tpu.memory_space<hbm>>
      %dma_start3A_75 = tpu.memref_squeeze %dma_start3A_74 : memref<1x128x128xf32, #tpu.memory_space<hbm>> -> memref<128x128xf32, #tpu.memory_space<hbm>>
      tpu.enqueue_dma source(%arg11 : memref<128x128xf32, #tpu.memory_space<vmem>>) target(%dma_start3A_75 : memref<128x128xf32, #tpu.memory_space<hbm>>) target_semaphore(%run_scoped3A : memref<!tpu.dma_semaphore, #tpu.memory_space<semaphore_mem>>)
      %dma_wait3A = arith.constant 0 : i32
      %dma_wait3A_76 = tpu.memref_slice %arg6[%arg0, %add3A_70, %dma_wait3A] : memref<2x10240x128xf32, #tpu.memory_space<hbm>> -> memref<1x128x128xf32, #tpu.memory_space<hbm>>
      %dma_wait3A_77 = tpu.memref_squeeze %dma_wait3A_76 : memref<1x128x128xf32, #tpu.memory_space<hbm>> -> memref<128x128xf32, #tpu.memory_space<hbm>>
      %dma_wait3A_78 = arith.constant 0 : i32
      %dma_wait3A_79 = tpu.memref_slice %arg6[%arg0, %add3A_70, %dma_wait3A_78] : memref<2x10240x128xf32, #tpu.memory_space<hbm>> -> memref<1x128x128xf32, #tpu.memory_space<hbm>>
      %dma_wait3A_80 = tpu.memref_squeeze %dma_wait3A_79 : memref<1x128x128xf32, #tpu.memory_space<hbm>> -> memref<128x128xf32, #tpu.memory_space<hbm>>
      tpu.wait_dma2 semaphore(%run_scoped3A : memref<!tpu.dma_semaphore, #tpu.memory_space<semaphore_mem>>) src(%arg11 : memref<128x128xf32, #tpu.memory_space<vmem>>) dst(%dma_wait3A_80 : memref<128x128xf32, #tpu.memory_space<hbm>>)
      tpu.yield
    }) : () -> ()
    return
  }
}

module attributes {stable_mosaic.version = 14 : i64} {
  func.func @_mm1_body(%arg0: memref<10000x128xf32, #tpu.memory_space<vmem>>, %arg1: memref<128x128xf32, #tpu.memory_space<vmem>>, %arg2: memref<10000x1xf32, #tpu.memory_space<vmem>>, %arg3: memref<10000x128xf32, #tpu.memory_space<vmem>>) attributes {dimension_semantics = [], scalar_prefetch = 0 : i64, scratch_operands = 0 : i64, tpu.core_type = #tpu.core_type<tc>} {
    %get3A = arith.constant 0 : index
    %get3A_0 = arith.constant 0 : index
    %get3A_1 = vector.load %arg0[%get3A, %get3A_0] : memref<10000x128xf32, #tpu.memory_space<vmem>>, vector<10000x128xf32>
    %get3A_2 = arith.constant 0 : index
    %get3A_3 = arith.constant 0 : index
    %get3A_4 = vector.load %arg1[%get3A_2, %get3A_3] : memref<128x128xf32, #tpu.memory_space<vmem>>, vector<128x128xf32>
    %dot_general3A = arith.constant dense<0.000000e+00> : vector<10000x128xf32>
    %dot_general3A_5 = tpu.matmul %get3A_1, %get3A_4, %dot_general3A {dimension_numbers = #tpu.dot_dimension_numbers<[1], [0], [0], [1], [0, 0, 1, 1], [], []>, transpose_lhs_hint = false} : vector<10000x128xf32>, vector<128x128xf32>, vector<10000x128xf32> -> vector<10000x128xf32>
    %get3A_6 = arith.constant 0 : index
    %get3A_7 = arith.constant 0 : index
    %get3A_8 = vector.load %arg2[%get3A_6, %get3A_7] : memref<10000x1xf32, #tpu.memory_space<vmem>>, vector<10000x1xf32>
    %mul3A = vector.broadcast %get3A_8 : vector<10000x1xf32> to vector<10000x128xf32>
    %mul3A_9 = arith.mulf %dot_general3A_5, %mul3A : vector<10000x128xf32>
    %swap3A = arith.constant 0 : index
    %swap3A_10 = arith.constant 0 : index
    %swap3A_11 = vector.load %arg3[%swap3A, %swap3A_10] : memref<10000x128xf32, #tpu.memory_space<vmem>>, vector<10000x128xf32>
    tpu.vector_store %arg3[%swap3A, %swap3A_10], %mul3A_9 {strides = array<i32>} : memref<10000x128xf32, #tpu.memory_space<vmem>>, vector<10000x128xf32>,
    return
  }
}

module attributes {stable_mosaic.version = 14 : i64} {
  func.func @_mmc_body(%arg0: memref<10000x128xf32, #tpu.memory_space<vmem>>, %arg1: memref<10000x128xf32, #tpu.memory_space<vmem>>, %arg2: memref<10000x128xf32, #tpu.memory_space<vmem>>, %arg3: memref<10000x1xf32, #tpu.memory_space<vmem>>, %arg4: memref<1x128xf32, #tpu.memory_space<vmem>>, %arg5: memref<128x128xf32, #tpu.memory_space<vmem>>, %arg6: memref<10000x128xf32, #tpu.memory_space<vmem>>) attributes {dimension_semantics = [], scalar_prefetch = 0 : i64, scratch_operands = 0 : i64, tpu.core_type = #tpu.core_type<tc>} {
    %get3A = arith.constant 0 : index
    %get3A_0 = arith.constant 0 : index
    %get3A_1 = vector.load %arg0[%get3A, %get3A_0] : memref<10000x128xf32, #tpu.memory_space<vmem>>, vector<10000x128xf32>
    %get3A_2 = arith.constant 0 : index
    %get3A_3 = arith.constant 0 : index
    %get3A_4 = vector.load %arg1[%get3A_2, %get3A_3] : memref<10000x128xf32, #tpu.memory_space<vmem>>, vector<10000x128xf32>
    %add3A = arith.addf %get3A_1, %get3A_4 : vector<10000x128xf32>
    %get3A_5 = arith.constant 0 : index
    %get3A_6 = arith.constant 0 : index
    %get3A_7 = vector.load %arg2[%get3A_5, %get3A_6] : memref<10000x128xf32, #tpu.memory_space<vmem>>, vector<10000x128xf32>
    %add3A_8 = arith.addf %add3A, %get3A_7 : vector<10000x128xf32>
    %get3A_9 = arith.constant 0 : index
    %get3A_10 = arith.constant 0 : index
    %get3A_11 = vector.load %arg3[%get3A_9, %get3A_10] : memref<10000x1xf32, #tpu.memory_space<vmem>>, vector<10000x1xf32>
    %mul3A = vector.broadcast %get3A_11 : vector<10000x1xf32> to vector<10000x128xf32>
    %mul3A_12 = arith.mulf %add3A_8, %mul3A : vector<10000x128xf32>
    %get3A_13 = arith.constant 0 : index
    %get3A_14 = arith.constant 0 : index
    %get3A_15 = vector.load %arg4[%get3A_13, %get3A_14] : memref<1x128xf32, #tpu.memory_space<vmem>>, vector<1x128xf32>
    %add3A_16 = vector.broadcast %get3A_15 : vector<1x128xf32> to vector<10000x128xf32>
    %add3A_17 = arith.addf %mul3A_12, %add3A_16 : vector<10000x128xf32>
    %max3A = arith.constant 0.000000e+00 : f32
    %max3A_18 = vector.broadcast %max3A : f32 to vector<10000x128xf32>
    %max3A_19 = arith.maximumf %add3A_17, %max3A_18 : vector<10000x128xf32>
    %get3A_20 = arith.constant 0 : index
    %get3A_21 = arith.constant 0 : index
    %get3A_22 = vector.load %arg5[%get3A_20, %get3A_21] : memref<128x128xf32, #tpu.memory_space<vmem>>, vector<128x128xf32>
    %dot_general3A = arith.constant dense<0.000000e+00> : vector<10000x128xf32>
    %dot_general3A_23 = tpu.matmul %max3A_19, %get3A_22, %dot_general3A {dimension_numbers = #tpu.dot_dimension_numbers<[1], [0], [0], [1], [0, 0, 1, 1], [], []>, transpose_lhs_hint = false} : vector<10000x128xf32>, vector<128x128xf32>, vector<10000x128xf32> -> vector<10000x128xf32>
    %get3A_24 = arith.constant 0 : index
    %get3A_25 = arith.constant 0 : index
    %get3A_26 = vector.load %arg3[%get3A_24, %get3A_25] : memref<10000x1xf32, #tpu.memory_space<vmem>>, vector<10000x1xf32>
    %mul3A_27 = vector.broadcast %get3A_26 : vector<10000x1xf32> to vector<10000x128xf32>
    %mul3A_28 = arith.mulf %dot_general3A_23, %mul3A_27 : vector<10000x128xf32>
    %swap3A = arith.constant 0 : index
    %swap3A_29 = arith.constant 0 : index
    %swap3A_30 = vector.load %arg6[%swap3A, %swap3A_29] : memref<10000x128xf32, #tpu.memory_space<vmem>>, vector<10000x128xf32>
    tpu.vector_store %arg6[%swap3A, %swap3A_29], %mul3A_28 {strides = array<i32>} : memref<10000x128xf32, #tpu.memory_space<vmem>>, vector<10000x128xf32>,
    return
  }
}

module attributes {stable_mosaic.version = 14 : i64} {
  func.func @_head_body(%arg0: memref<65xi32, #tpu.memory_space<smem>>, %arg1: memref<10000x128xf32, #tpu.memory_space<vmem>>, %arg2: memref<10000x128xf32, #tpu.memory_space<vmem>>, %arg3: memref<10000x128xf32, #tpu.memory_space<vmem>>, %arg4: memref<10000x1xf32, #tpu.memory_space<vmem>>, %arg5: memref<1x128xf32, #tpu.memory_space<vmem>>, %arg6: memref<256x64xf32, #tpu.memory_space<vmem>>, %arg7: memref<1x64xf32, #tpu.memory_space<vmem>>, %arg8: memref<64x64xf32, #tpu.memory_space<vmem>>, %arg9: memref<1x64xf32, #tpu.memory_space<vmem>>, %arg10: memref<64x1xf32, #tpu.memory_space<vmem>>, %arg11: memref<1x1xf32, #tpu.memory_space<vmem>>, %arg12: memref<64x1xf32, #tpu.memory_space<vmem>>, %arg13: memref<10000x128xf32, #tpu.memory_space<vmem>>, %arg14: memref<64x128xf32, #tpu.memory_space<vmem>>, %arg15: memref<64x128xf32, #tpu.memory_space<vmem>>) attributes {dimension_semantics = [], scalar_prefetch = 0 : i64, scratch_operands = 3 : i64, tpu.core_type = #tpu.core_type<tc>} {
    %scan3A = arith.constant 0 : i32
    %scan3A_0 = arith.constant 125 : i32
    %scan3A_1 = arith.addi %scan3A, %scan3A_0 : i32
    %scan3A_2 = arith.constant 1 : i32
    scf.for %scan3A_49 = %scan3A to %scan3A_1 step %scan3A_2  : i32 {
      %mul3A = arith.constant 80 : i32
      %mul3A_50 = arith.muli %scan3A_49, %mul3A : i32
      %get3A_51 = arith.index_cast %mul3A_50 : i32 to index
      %get3A_52 = arith.constant 0 : index
      %get3A_53 = vector.load %arg1[%get3A_51, %get3A_52] : memref<10000x128xf32, #tpu.memory_space<vmem>>, vector<80x128xf32>
      %get3A_54 = arith.index_cast %mul3A_50 : i32 to index
      %get3A_55 = arith.constant 0 : index
      %get3A_56 = vector.load %arg2[%get3A_54, %get3A_55] : memref<10000x128xf32, #tpu.memory_space<vmem>>, vector<80x128xf32>
      %add3A_57 = arith.addf %get3A_53, %get3A_56 : vector<80x128xf32>
      %get3A_58 = arith.index_cast %mul3A_50 : i32 to index
      %get3A_59 = arith.constant 0 : index
      %get3A_60 = vector.load %arg3[%get3A_58, %get3A_59] : memref<10000x128xf32, #tpu.memory_space<vmem>>, vector<80x128xf32>
      %add3A_61 = arith.addf %add3A_57, %get3A_60 : vector<80x128xf32>
      %get3A_62 = arith.index_cast %mul3A_50 : i32 to index
      %get3A_63 = arith.constant 0 : index
      %get3A_64 = vector.load %arg4[%get3A_62, %get3A_63] : memref<10000x1xf32, #tpu.memory_space<vmem>>, vector<80x1xf32>
      %mul3A_65 = vector.broadcast %get3A_64 : vector<80x1xf32> to vector<80x128xf32>
      %mul3A_66 = arith.mulf %add3A_61, %mul3A_65 : vector<80x128xf32>
      %get3A_67 = arith.constant 0 : index
      %get3A_68 = arith.constant 0 : index
      %get3A_69 = vector.load %arg5[%get3A_67, %get3A_68] : memref<1x128xf32, #tpu.memory_space<vmem>>, vector<1x128xf32>
      %add3A_70 = vector.broadcast %get3A_69 : vector<1x128xf32> to vector<80x128xf32>
      %add3A_71 = arith.addf %mul3A_66, %add3A_70 : vector<80x128xf32>
      %swap3A_72 = arith.index_cast %mul3A_50 : i32 to index
      %swap3A_73 = arith.constant 0 : index
      %swap3A_74 = vector.load %arg13[%swap3A_72, %swap3A_73] : memref<10000x128xf32, #tpu.memory_space<vmem>>, vector<80x128xf32>
      tpu.vector_store %arg13[%swap3A_72, %swap3A_73], %add3A_71 {strides = array<i32>} : memref<10000x128xf32, #tpu.memory_space<vmem>>, vector<80x128xf32>,
    }
    %scan3A_3 = arith.constant 125 : i32
    %scan3A_4 = arith.constant 0 : i32
    %scan3A_5 = arith.constant 64 : i32
    %scan3A_6 = arith.addi %scan3A_4, %scan3A_5 : i32
    %scan3A_7 = arith.constant 1 : i32
    scf.for %scan3A_49 = %scan3A_4 to %scan3A_6 step %scan3A_7  : i32 {
      %get3A_50 = arith.index_cast %scan3A_49 : i32 to index
      %get3A_51 = memref.load %arg0[%get3A_50] : memref<65xi32, #tpu.memory_space<smem>>
      %add3A_52 = arith.constant 1 : i32
      %add3A_53 = arith.addi %scan3A_49, %add3A_52 : i32
      %get3A_54 = arith.index_cast %add3A_53 : i32 to index
      %get3A_55 = memref.load %arg0[%get3A_54] : memref<65xi32, #tpu.memory_space<smem>>
      %div3A = arith.constant 8 : i32
      %div3A_56 = arith.divsi %get3A_51, %div3A : i32
      %add3A_57 = arith.constant 7 : i32
      %add3A_58 = arith.addi %get3A_55, %add3A_57 : i32
      %div3A_59 = arith.constant 8 : i32
      %div3A_60 = arith.divsi %add3A_58, %div3A_59 : i32
      %broadcast_in_dim3A = arith.constant 0.000000e+00 : f32
      %broadcast_in_dim3A_61 = vector.broadcast %broadcast_in_dim3A : f32 to vector<1x128xf32>
      %broadcast_in_dim3A_62 = arith.constant 0xFF800000 : f32
      %broadcast_in_dim3A_63 = vector.broadcast %broadcast_in_dim3A_62 : f32 to vector<1x128xf32>
      %while3A = arith.subi %div3A_60, %div3A_56 : i32
      %while3A_64 = arith.addi %div3A_56, %while3A : i32
      %while3A_65 = arith.constant 1 : i32
      %while3A_66 = arith.divsi %while3A, %while3A_65 : i32
      %while3A_67 = arith.muli %while3A_66, %while3A_65 : i32
      %while3A_68 = arith.addi %div3A_56, %while3A_67 : i32
      %while3A_69 = arith.constant 1 : i32
      %while3A_70:2 = scf.for %while3A_82 = %div3A_56 to %while3A_68 step %while3A_69 iter_args(%while3A_83 = %broadcast_in_dim3A_61, %while3A_84 = %broadcast_in_dim3A_63) -> (vector<1x128xf32>, vector<1x128xf32>)  : i32 {
        %mul3A = arith.constant 8 : i32
        %mul3A_85 = arith.muli %while3A_82, %mul3A : i32
        %get3A_86 = arith.index_cast %mul3A_85 : i32 to index
        %get3A_87 = arith.constant 0 : index
        %get3A_88 = vector.load %arg13[%get3A_86, %get3A_87] : memref<10000x128xf32, #tpu.memory_space<vmem>>, vector<8x128xf32>
        %mul3A_89 = arith.constant 8 : i32
        %mul3A_90 = arith.muli %while3A_82, %mul3A_89 : i32
        %iota3A = tpu.iota {dimensions = array<i32: 0>} : vector<8x1xi32>
        %add3A_91 = vector.broadcast %mul3A_90 : i32 to vector<8x1xi32>
        %add3A_92 = arith.addi %add3A_91, %iota3A : vector<8x1xi32>
        %ge3A = vector.broadcast %get3A_51 : i32 to vector<8x1xi32>
        %ge3A_93 = arith.cmpi sge, %add3A_92, %ge3A : vector<8x1xi32>
        %lt3A = vector.broadcast %get3A_55 : i32 to vector<8x1xi32>
        %lt3A_94 = arith.cmpi slt, %add3A_92, %lt3A : vector<8x1xi32>
        %and3A = arith.andi %ge3A_93, %lt3A_94 : vector<8x1xi1>
        %jit3A_95 = arith.constant 0.000000e+00 : f32
        %broadcast_in_dim3A_96 = vector.shape_cast %and3A : vector<8x1xi1> to vector<8x1xi1>
        %broadcast_in_dim3A_97 = vector.broadcast %broadcast_in_dim3A_96 : vector<8x1xi1> to vector<8x128xi1>
        %broadcast_in_dim3A_98 = vector.broadcast %jit3A_95 : f32 to vector<8x128xf32>
        %select_n3A_99 = arith.select %broadcast_in_dim3A_97, %get3A_88, %broadcast_in_dim3A_98 : vector<8x128xi1>, vector<8x128xf32>
        %reduce_sum3A = arith.constant dense<0.000000e+00> : vector<128xf32>
        %reduce_sum3A_100 = vector.multi_reduction <add>, %select_n3A_99, %reduce_sum3A [0] : vector<8x128xf32> to vector<128xf32>
        %broadcast_in_dim3A_101 = vector.shape_cast %reduce_sum3A_100 : vector<128xf32> to vector<1x128xf32>
        %add3A_102 = arith.addf %while3A_83, %broadcast_in_dim3A_101 : vector<1x128xf32>
        %jit3A_103 = arith.constant 0xFF800000 : f32
        %broadcast_in_dim3A_104 = vector.shape_cast %and3A : vector<8x1xi1> to vector<8x1xi1>
        %broadcast_in_dim3A_105 = vector.broadcast %broadcast_in_dim3A_104 : vector<8x1xi1> to vector<8x128xi1>
        %broadcast_in_dim3A_106 = vector.broadcast %jit3A_103 : f32 to vector<8x128xf32>
        %select_n3A_107 = arith.select %broadcast_in_dim3A_105, %get3A_88, %broadcast_in_dim3A_106 : vector<8x128xi1>, vector<8x128xf32>
        %reduce_max3A = arith.constant dense<0xFF800000> : vector<128xf32>
        %reduce_max3A_108 = vector.multi_reduction <maximumf>, %select_n3A_107, %reduce_max3A [0] : vector<8x128xf32> to vector<128xf32>
        %broadcast_in_dim3A_109 = vector.shape_cast %reduce_max3A_108 : vector<128xf32> to vector<1x128xf32>
        %max3A_110 = arith.maximumf %while3A_84, %broadcast_in_dim3A_109 : vector<1x128xf32>
        scf.yield %add3A_102, %max3A_110 : vector<1x128xf32>, vector<1x128xf32>
      }
      %while3A_71 = arith.constant 1 : i32
      %while3A_72:2 = scf.for %while3A_82 = %while3A_68 to %while3A_64 step %while3A_71 iter_args(%while3A_83 = %while3A_70#0, %while3A_84 = %while3A_70#1) -> (vector<1x128xf32>, vector<1x128xf32>)  : i32 {
        %mul3A = arith.constant 8 : i32
        %mul3A_85 = arith.muli %while3A_82, %mul3A : i32
        %get3A_86 = arith.index_cast %mul3A_85 : i32 to index
        %get3A_87 = arith.constant 0 : index
        %get3A_88 = vector.load %arg13[%get3A_86, %get3A_87] : memref<10000x128xf32, #tpu.memory_space<vmem>>, vector<8x128xf32>
        %mul3A_89 = arith.constant 8 : i32
        %mul3A_90 = arith.muli %while3A_82, %mul3A_89 : i32
        %iota3A = tpu.iota {dimensions = array<i32: 0>} : vector<8x1xi32>
        %add3A_91 = vector.broadcast %mul3A_90 : i32 to vector<8x1xi32>
        %add3A_92 = arith.addi %add3A_91, %iota3A : vector<8x1xi32>
        %ge3A = vector.broadcast %get3A_51 : i32 to vector<8x1xi32>
        %ge3A_93 = arith.cmpi sge, %add3A_92, %ge3A : vector<8x1xi32>
        %lt3A = vector.broadcast %get3A_55 : i32 to vector<8x1xi32>
        %lt3A_94 = arith.cmpi slt, %add3A_92, %lt3A : vector<8x1xi32>
        %and3A = arith.andi %ge3A_93, %lt3A_94 : vector<8x1xi1>
        %jit3A_95 = arith.constant 0.000000e+00 : f32
        %broadcast_in_dim3A_96 = vector.shape_cast %and3A : vector<8x1xi1> to vector<8x1xi1>
        %broadcast_in_dim3A_97 = vector.broadcast %broadcast_in_dim3A_96 : vector<8x1xi1> to vector<8x128xi1>
        %broadcast_in_dim3A_98 = vector.broadcast %jit3A_95 : f32 to vector<8x128xf32>
        %select_n3A_99 = arith.select %broadcast_in_dim3A_97, %get3A_88, %broadcast_in_dim3A_98 : vector<8x128xi1>, vector<8x128xf32>
        %reduce_sum3A = arith.constant dense<0.000000e+00> : vector<128xf32>
        %reduce_sum3A_100 = vector.multi_reduction <add>, %select_n3A_99, %reduce_sum3A [0] : vector<8x128xf32> to vector<128xf32>
        %broadcast_in_dim3A_101 = vector.shape_cast %reduce_sum3A_100 : vector<128xf32> to vector<1x128xf32>
        %add3A_102 = arith.addf %while3A_83, %broadcast_in_dim3A_101 : vector<1x128xf32>
        %jit3A_103 = arith.constant 0xFF800000 : f32
        %broadcast_in_dim3A_104 = vector.shape_cast %and3A : vector<8x1xi1> to vector<8x1xi1>
        %broadcast_in_dim3A_105 = vector.broadcast %broadcast_in_dim3A_104 : vector<8x1xi1> to vector<8x128xi1>
        %broadcast_in_dim3A_106 = vector.broadcast %jit3A_103 : f32 to vector<8x128xf32>
        %select_n3A_107 = arith.select %broadcast_in_dim3A_105, %get3A_88, %broadcast_in_dim3A_106 : vector<8x128xi1>, vector<8x128xf32>
        %reduce_max3A = arith.constant dense<0xFF800000> : vector<128xf32>
        %reduce_max3A_108 = vector.multi_reduction <maximumf>, %select_n3A_107, %reduce_max3A [0] : vector<8x128xf32> to vector<128xf32>
        %broadcast_in_dim3A_109 = vector.shape_cast %reduce_max3A_108 : vector<128xf32> to vector<1x128xf32>
        %max3A_110 = arith.maximumf %while3A_84, %broadcast_in_dim3A_109 : vector<1x128xf32>
        scf.yield %add3A_102, %max3A_110 : vector<1x128xf32>, vector<1x128xf32>
      }
      %swap3A_73 = arith.index_cast %scan3A_49 : i32 to index
      %swap3A_74 = arith.constant 0 : index
      %swap3A_75 = vector.load %arg14[%swap3A_73, %swap3A_74] : memref<64x128xf32, #tpu.memory_space<vmem>>, vector<1x128xf32>
      tpu.vector_store %arg14[%swap3A_73, %swap3A_74], %while3A_72#0 {strides = array<i32>} : memref<64x128xf32, #tpu.memory_space<vmem>>, vector<1x128xf32>,
      %eq3A = arith.constant 0xFF800000 : f32
      %eq3A_76 = vector.broadcast %eq3A : f32 to vector<1x128xf32>
      %eq3A_77 = arith.cmpf oeq, %while3A_72#1, %eq3A_76 : vector<1x128xf32>
      %jit3A = arith.constant 0.000000e+00 : f32
      %broadcast_in_dim3A_78 = vector.broadcast %jit3A : f32 to vector<1x128xf32>
      %select_n3A = arith.select %eq3A_77, %broadcast_in_dim3A_78, %while3A_72#1 : vector<1x128xi1>, vector<1x128xf32>
      %swap3A_79 = arith.index_cast %scan3A_49 : i32 to index
      %swap3A_80 = arith.constant 0 : index
      %swap3A_81 = vector.load %arg15[%swap3A_79, %swap3A_80] : memref<64x128xf32, #tpu.memory_space<vmem>>, vector<1x128xf32>
      tpu.vector_store %arg15[%swap3A_79, %swap3A_80], %select_n3A {strides = array<i32>} : memref<64x128xf32, #tpu.memory_space<vmem>>, vector<1x128xf32>,
    }
    %scan3A_8 = arith.constant 64 : i32
    %get3A = arith.constant 0 : index
    %get3A_9 = arith.constant 0 : index
    %get3A_10 = vector.load %arg14[%get3A, %get3A_9] : memref<64x128xf32, #tpu.memory_space<vmem>>, vector<64x128xf32>
    %get3A_11 = arith.constant 0 : index
    %get3A_12 = arith.constant 0 : index
    %get3A_13 = vector.load %arg15[%get3A_11, %get3A_12] : memref<64x128xf32, #tpu.memory_space<vmem>>, vector<64x128xf32>
    %concatenate3A = tpu.concatenate %get3A_10, %get3A_13 in 1 : vector<64x128xf32>, vector<64x128xf32> -> vector<64x256xf32>
    %get3A_14 = arith.constant 0 : index
    %get3A_15 = arith.constant 0 : index
    %get3A_16 = vector.load %arg6[%get3A_14, %get3A_15] : memref<256x64xf32, #tpu.memory_space<vmem>>, vector<256x64xf32>
    %dot_general3A = arith.constant dense<0.000000e+00> : vector<64x64xf32>
    %dot_general3A_17 = tpu.matmul %concatenate3A, %get3A_16, %dot_general3A {dimension_numbers = #tpu.dot_dimension_numbers<[1], [0], [0], [1], [0, 0, 1, 1], [], []>, transpose_lhs_hint = false} : vector<64x256xf32>, vector<256x64xf32>, vector<64x64xf32> -> vector<64x64xf32>
    %get3A_18 = arith.constant 0 : index
    %get3A_19 = arith.constant 0 : index
    %get3A_20 = vector.load %arg7[%get3A_18, %get3A_19] : memref<1x64xf32, #tpu.memory_space<vmem>>, vector<1x64xf32>
    %add3A = vector.broadcast %get3A_20 : vector<1x64xf32> to vector<64x64xf32>
    %add3A_21 = arith.addf %dot_general3A_17, %add3A : vector<64x64xf32>
    %max3A = arith.constant 0.000000e+00 : f32
    %max3A_22 = vector.broadcast %max3A : f32 to vector<64x64xf32>
    %max3A_23 = arith.maximumf %add3A_21, %max3A_22 : vector<64x64xf32>
    %get3A_24 = arith.constant 0 : index
    %get3A_25 = arith.constant 0 : index
    %get3A_26 = vector.load %arg8[%get3A_24, %get3A_25] : memref<64x64xf32, #tpu.memory_space<vmem>>, vector<64x64xf32>
    %dot_general3A_27 = arith.constant dense<0.000000e+00> : vector<64x64xf32>
    %dot_general3A_28 = tpu.matmul %max3A_23, %get3A_26, %dot_general3A_27 {dimension_numbers = #tpu.dot_dimension_numbers<[1], [0], [0], [1], [0, 0, 1, 1], [], []>, transpose_lhs_hint = false} : vector<64x64xf32>, vector<64x64xf32>, vector<64x64xf32> -> vector<64x64xf32>
    %get3A_29 = arith.constant 0 : index
    %get3A_30 = arith.constant 0 : index
    %get3A_31 = vector.load %arg9[%get3A_29, %get3A_30] : memref<1x64xf32, #tpu.memory_space<vmem>>, vector<1x64xf32>
    %add3A_32 = vector.broadcast %get3A_31 : vector<1x64xf32> to vector<64x64xf32>
    %add3A_33 = arith.addf %dot_general3A_28, %add3A_32 : vector<64x64xf32>
    %max3A_34 = arith.constant 0.000000e+00 : f32
    %max3A_35 = vector.broadcast %max3A_34 : f32 to vector<64x64xf32>
    %max3A_36 = arith.maximumf %add3A_33, %max3A_35 : vector<64x64xf32>
    %get3A_37 = arith.constant 0 : index
    %get3A_38 = arith.constant 0 : index
    %get3A_39 = vector.load %arg10[%get3A_37, %get3A_38] : memref<64x1xf32, #tpu.memory_space<vmem>>, vector<64x1xf32>
    %dot_general3A_40 = arith.constant dense<0.000000e+00> : vector<64x1xf32>
    %dot_general3A_41 = tpu.matmul %max3A_36, %get3A_39, %dot_general3A_40 {dimension_numbers = #tpu.dot_dimension_numbers<[1], [0], [0], [1], [0, 0, 1, 1], [], []>, transpose_lhs_hint = false} : vector<64x64xf32>, vector<64x1xf32>, vector<64x1xf32> -> vector<64x1xf32>
    %get3A_42 = arith.constant 0 : index
    %get3A_43 = arith.constant 0 : index
    %get3A_44 = vector.load %arg11[%get3A_42, %get3A_43] : memref<1x1xf32, #tpu.memory_space<vmem>>, vector<1x1xf32>
    %add3A_45 = vector.broadcast %get3A_44 : vector<1x1xf32> to vector<64x1xf32>
    %add3A_46 = arith.addf %dot_general3A_41, %add3A_45 : vector<64x1xf32>
    %swap3A = arith.constant 0 : index
    %swap3A_47 = arith.constant 0 : index
    %swap3A_48 = vector.load %arg12[%swap3A, %swap3A_47] : memref<64x1xf32, #tpu.memory_space<vmem>>, vector<64x1xf32>
    tpu.vector_store %arg12[%swap3A, %swap3A_47], %add3A_46 {strides = array<i32>} : memref<64x1xf32, #tpu.memory_space<vmem>>, vector<64x1xf32>,
    return
  }
}

</mosaic_0001>

<sc_bundles>
// kernel: kernel.10.cloned.1.call-start
scs
__scs_entry_jumppad:
0x0: {  	(pc) =	sbr.rel $0x88, $3  }
0x1: {  	(tag) =	ssettag $0x0;
	lr =	simm.s32 $0x1  }
0x2: {  	[smem:$0x3F92] =	sst lr;
	_ =	strace $0xD0000000  }
0x3: {  	_ = 	snop  }
0x4: {  	_ = 	snop  }
0x5: {  	_ = 	snop  }
0x6: {  	_ = 	snop  }
0x7: {  	_ = 	snop  }
__scs_overlays_trampoline_lowered:
0x8: {  	[smem:$0x3FA1] =	sst s0  }
0x9: {  	[smem:$0x3FA2] =	sst s1  }
0xa: {  	[smem:$0x3FA3] =	sst s2  }
0xb: {  	[smem:$0x3FA4] =	sst s3  }
0xc: {  	[smem:$0x3FA5] =	sst s4  }
0xd: {  	[smem:$0x3FA6] =	sst s5  }
0xe: {  	[smem:$0x3FA7] =	sst s6  }
0xf: {  	[smem:$0x3FA8] =	sst s7  }
0x10: {  	[smem:$0x3FA9] =	sst s8  }
0x11: {  	[smem:$0x3FAA] =	sst s9;
	s0 =	simm.s32 @!p0 $0x0  }
0x12: {  	s1 =	sld [smem:$0x3F90];
	s0 =	simm.s32 @p0 $0x1  }
0x13: {  	[smem:$0x3FAB] =	sst s0;
	s0 =	simm.s32 @!p1 $0x0  }
0x14: {  	s2 =	sld [smem:$0x3F8F];
	s0 =	simm.s32 @p1 $0x1  }
0x15: {  	[smem:$0x3FAC] =	sst s0;
	s0 =	simm.s32 @!p2 $0x0  }
0x16: {  	s3 =	sld [smem:$0x3FDB];
	s0 =	simm.s32 @p2 $0x1  }
0x17: {  	s4 =	simm.s32 $0x1BF5;
	[smem:$0x3FAE] =	sst s0  }
0x18: {  	s0 =	sld [smem:$0x3F91];
	_ =	swait.ge [sflag:s4], $0x0  }
0x19: {  	s7 =	sld [smem:$0x3F92]  }
0x1a: {  	s8 =	sadd.s32 $0xFFFFE003, lr  }
0x1b: {  	s9 =	sadd.s32 $0xFFFFFEF7, lr;
	s5 =	simm.s32 $0xFFFFFFFF;
	p2 =	slt.u32 s8, $0xFFFFF086  }
0x1c: {  	p1 =	slt.u32 s9, $0xF7A;
	s5 =	simm.s32 @!p2 $0x0  }
0x1d: {  	s5 =	simm.s32 @p1 $0x1;
	p0 =	seq.s32 s7, s2  }
0x1e: {  	s7 =	smul.u32 @!p0 $0xF7A, s2;
	p2 =	seq.s32 @!p0 s5, $0x0  }
0x1f: {  	s9 =	smul.u32 $0xF7A, s1;
	s8 =	simm.s32 @!p0 $0x1BF5;
	p2 =	por !p2, p0  }
0x20: {  	[sflag:s8] =	ssyncset.s32 @!p0 $0xFFFFF086;
	s6 =	sadd.s32 @!p0 s3, s7;
	s7 =	simm.s32 @!p0 $0x108  }
0x21: {  	s3 =	sadd.s32 s3, s9;
	s6 =	sadd.s32 @!p0 $0x88, s6;
	s7 =	simm.s32 @p2 $0x1082  }
0x22: {  	[simem:s7], [sflag:s8] =	dma.local @!p0 [hbm:s6], $0xF7A  }
0x23: {  	s9 =	sor.u32 $0xD0000000, s2;
	s6 =	simm.s32 $0x108;
	_ =	swait.ge @!p0 [sflag:s8], $0x0  }
0x24: {  	s3 =	sadd.s32 $0x88, s3;
	s6 =	simm.s32 @!p1 $0x1082;
	[sflag:s4] =	ssyncset.s32 $0xFFFFF086  }
0x25: {  	[simem:s6], [sflag:s4] =	dma.local [hbm:s3], $0xF7A  }
0x26: {  	[smem:$0x3F92] =	sst s1;
	(tag) =	ssettag s2;
	_ =	strace s9  }
0x27: {  	s1 =	sld [smem:$0x3FA2]  }
0x28: {  	s2 =	sld [smem:$0x3FA3]  }
0x29: {  	s4 =	sld [smem:$0x3FA5]  }
0x2a: {  	p0 =	seq.s32 s5, $0x0;
	s5 =	sld [smem:$0x3FA6]  }
0x2b: {  	s6 =	sld [smem:$0x3FA7]  }
0x2c: {  	s7 =	sld [smem:$0x3FA8]  }
0x2d: {  	s3 =	simm.s32 $0x108;
	s8 =	sld [smem:$0x3FA9]  }
0x2e: {  	s3 =	simm.s32 @!p0 $0x1082;
	s9 =	sld [smem:$0x3FAA]  }
0x2f: {  	lr =	sadd.s32 s0, s3;
	s0 =	sld [smem:$0x3FA1]  }
0x30: {  	s3 =	sld [smem:$0x3FA4]  }
0x31: {  	[smem:$0x3FAD] =	sst s10  }
0x32: {  	s10 =	sld [smem:$0x3FAB];
	_ =	sdelay $0x3  }
0x33: {  	p0 =	seq.s32 s10, $0x1;
	s10 =	sld [smem:$0x3FAD];
	_ =	sdelay $0x3  }
0x34: {  	[smem:$0x3FAD] =	sst s10  }
0x35: {  	s10 =	sld [smem:$0x3FAC];
	_ =	sdelay $0x3  }
0x36: {  	p1 =	seq.s32 s10, $0x1;
	s10 =	sld [smem:$0x3FAD];
	_ =	sdelay $0x3  }
0x37: {  	[smem:$0x3FAD] =	sst s10  }
0x38: {  	s10 =	sld [smem:$0x3FAE]  }
0x39: {  	_ = 	snop;
	(pc) =	sbr.ind lr, $3  }
0x3a: {  	_ = 	snop  }
0x3b: {  	_ = 	snop  }
0x3c: {  	p2 =	seq.s32 s10, $0x1;
	s10 =	sld [smem:$0x3FAD]  }
0x3d: {  	_ =	shalt  }
0x3e: {  	_ =	shalt  }
0x3f: {  	_ =	shalt  }
0x40: {  	_ =	shalt  }
0x41: {  	_ =	shalt  }
0x42: {  	_ =	shalt  }
0x43: {  	_ =	shalt  }
0x44: {  	_ =	shalt  }
0x45: {  	_ =	shalt  }
0x46: {  	_ =	shalt  }
0x47: {  	_ =	shalt  }
0x48: {  	_ =	shalt  }
0x49: {  	_ =	shalt  }
0x4a: {  	_ =	shalt  }
0x4b: {  	_ =	shalt  }
0x4c: {  	_ =	shalt  }
0x4d: {  	_ =	shalt  }
0x4e: {  	_ =	shalt  }
0x4f: {  	_ =	shalt  }
0x50: {  	_ =	shalt  }
0x51: {  	_ =	shalt  }
0x52: {  	_ =	shalt  }
0x53: {  	_ =	shalt  }
0x54: {  	_ =	shalt  }
0x55: {  	_ =	shalt  }
0x56: {  	_ =	shalt  }
0x57: {  	_ =	shalt  }
0x58: {  	_ =	shalt  }
0x59: {  	_ =	shalt  }
0x5a: {  	_ =	shalt  }
0x5b: {  	_ =	shalt  }
0x5c: {  	_ =	shalt  }
0x5d: {  	_ =	shalt  }
0x5e: {  	_ =	shalt  }
0x5f: {  	_ =	shalt  }
0x60: {  	_ =	shalt  }
0x61: {  	_ =	shalt  }
0x62: {  	_ =	shalt  }
0x63: {  	_ =	shalt  }
0x64: {  	_ =	shalt  }
0x65: {  	_ =	shalt  }
0x66: {  	_ =	shalt  }
0x67: {  	_ =	shalt  }
0x68: {  	_ =	shalt  }
0x69: {  	_ =	shalt  }
0x6a: {  	_ =	shalt  }
0x6b: {  	_ =	shalt  }
0x6c: {  	_ =	shalt  }
0x6d: {  	_ =	shalt  }
0x6e: {  	_ =	shalt  }
0x6f: {  	_ =	shalt  }
0x70: {  	_ =	shalt  }
0x71: {  	_ =	shalt  }
0x72: {  	_ =	shalt  }
0x73: {  	_ =	shalt  }
0x74: {  	_ =	shalt  }
0x75: {  	_ =	shalt  }
0x76: {  	_ =	shalt  }
0x77: {  	_ =	shalt  }
0x78: {  	_ =	shalt  }
0x79: {  	_ =	shalt  }
0x7a: {  	_ =	shalt  }
0x7b: {  	_ =	shalt  }
0x7c: {  	_ =	shalt  }
0x7d: {  	_ =	shalt  }
0x7e: {  	_ =	shalt  }
0x7f: {  	_ =	shalt  }
0x80: {  	_ =	shalt  }
0x81: {  	_ =	shalt  }
0x82: {  	_ =	shalt  }
0x83: {  	_ =	shalt  }
0x84: {  	_ =	shalt  }
0x85: {  	_ =	shalt  }
0x86: {  	_ =	shalt  }
0x87: {  	_ =	shalt  }
.Lfunc_end0:
.L_simem_size_0:
called_computation_lowered:
.L_overlay_start_0:
0x88: {  	s2 =	sld [smem:$0x3FD9]  }
0x89: {  	s3 =	sld [smem:$0x3FFE];
	_ =	sdelay $0x1  }
0x8a: {  	s1 =	srdreg.scid  }
0x8b: {  	s0 =	sand.u32 $0x1, s1  }
0x8c: {  	s17 =	sshll.u32 s0, $0xA;
	s2 =	sadd.s32 s3, s2  }
0x8d: {  	s2 =	sadd.s32 s2, s17  }
0x8e: {  	[smem:$0x3FB9] =	sst s2  }
0x8f: {  	_ = 	snop  }
0x90: {  	s2 =	sld [smem:$0x3FD0];
	(tm) =	ssettm $0x1  }
0x91: {  	s18 =	sld [smem:$0x3FFB];
	_ =	sdelay $0x3  }
0x92: {  	_ =	strace s18  }
0x93: {  	s3 =	sld [smem:$0x3FFC];
	_ =	sdelay $0x3  }
0x94: {  	_ =	strace s3  }
0x95: {  	s3 =	sld [smem:$0x3FFD];
	_ =	sdelay $0x3  }
0x96: {  	_ =	strace s3  }
0x97: {  	_ =	strace $0x8FFFFFFF  }
0x98: {  	s19 =	sld [smem:$0x3FDB];
	_ =	sdelay $0x1  }
0x99: {  	s4 =	simm.s32 $_scs_section_size  }
0x9a: {  	s5 =	simm.s32 $_size__tile_overlayer_lowered;
	s6 =	simm.s32 $_tile_overlayer_lowered  }
0x9b: {  	s22 =	simm.s32 $0x1BFF;
	s21 =	sshll.u32 s6, $0x1;
	s3 =	sadd.s32 s4, s19  }
0x9c: {  	s7 =	simm.s32 $0x0;
	s20 =	sshll.u32 s5, $0x1;
	s5 =	sadd.s32 s21, s3  }
0x9d: {  	[timem:s7], [sflag:s22] =	dma.local [hbm:s5], s20  }
0x9e: {  	_ =	swait.ge [sflag:s22], s20  }
0x9f: {  	s4 =	ssub.s32 $0x0, s20;
	[sflag:s22] =	ssyncset.done $0x0  }
0xa0: {  	[sflag:s22] =	ssyncadd.s32 s4;
	_ =	sdelay $0x1  }
0xa1: {  	s23 =	simm.s32 $0x1B8B  }
0xa2: {  	_ =	swait.ge [sflag:s23], $0x1  }
0xa3: {  	[sflag:s23] =	ssyncset.done $0x0  }
0xa4: {  	s25 =	simm.s32 $0x1B8E;
	s24 =	sld [smem:$0x3FFE];
	[sflag:s23] =	ssyncadd.s32 $0xFFFFFFFF  }
0xa5: {  	s26 =	simm.s32 $execute0_lowered;
	[smem:$0x3FD2] =	sst s25  }
0xa6: {  	s5 =	sshll.u32 s26, $0x1;
	_ =	strace $0x80000046;
	[dreg:$0x1] =	wrdreg $0xFFFFFFFF  }
0xa7: {  	s28 =	simm.s32 $_size_execute0_lowered;
	s3 =	sadd.s32 s3, s5;
	[dreg:$0x0] =	wrdreg $0x0  }
0xa8: {  	s5 =	sshll.u32 s28, $0x1;
	[dreg:$0x2] =	wrdreg s3  }
0xa9: {  	[dreg:$0x3] =	wrdreg s5  }
0xaa: {  	[dreg:$0x4] =	wrdreg $0xC0  }
0xab: {  	_ =	task [dreg:s7], $0x5FFFF  }
0xac: {  	[dreg:$0x1] =	wrdreg $0xFFFFFFFF  }
0xad: {  	[dreg:$0x0] =	wrdreg $0x60  }
0xae: {  	[dreg:$0x2] =	wrdreg s24  }
0xaf: {  	[dreg:$0x3] =	wrdreg s2  }
0xb0: {  	[dreg:$0x4] =	wrdreg $0x3800  }
0xb1: {  	[dreg:$0x5] =	wrdreg $0x9  }
0xb2: {  	_ =	task.clear_ibuf [dreg:s7], $0x6FFFF;
	_ =	strace $0x90000046  }
0xb3: {  	s29 =	simm.s32 $0x9;
	_ =	strace $0x80000048  }
0xb4: {  	_ =	swait.ge [sflag:s29], $0x1  }
0xb5: {  	[sflag:s29] =	ssyncadd.s32 $0xFFFFFFFF  }
0xb6: {  	_ =	strace $0x90000048  }
0xb7: {  	_ =	sfence  }
0xb8: {  	s30 =	sld [smem:$0x0];
	_ =	sdelay $0x2  }
0xb9: {  	s31 =	sshll.u32 s1, $0xD;
	s1 =	sshrl.u32 s1, $0x2  }
0xba: {  	s3 =	sand.u32 $0x4000, s31;
	s1 =	sadd.s32 s1, s30  }
0xbb: {  	s0 =	sor.u32 s3, s0;
	s1 =	sshll.u32 s1, $0x11  }
0xbc: {  	s0 =	sor.u32 s1, s0  }
0xbd: {  	s0 =	sadd.s32 $0x8F2B, s0  }
0xbe: {  	[sflag:s0] =	ssyncadd.remote.s32 $0x1  }
0xbf: {  	_ =	sfence.sel $0xFFFF  }
0xc0: {  	[dreg:$0x0] =	wrdreg $0xFFFFFFFF;
	(pc) =	sbr.abs _section_cstart, $3  }
0xc1: {  	[dreg:$0x1] =	wrdreg $0xFFFFFFFF  }
0xc2: {  	_ =	task.clear_ibuf [dreg:s7], $0x2FFFF;
	_ =	strace $0x9FFFFFFF  }
0xc3: {  	(tm) =	ssettm $0x7FFFFFFF  }
tec
execute0_lowered:
.L_overlay_start_1:
0x0: {  	(tag) =	ssettag $0x1  }
0x1: {  	s6 =	rddreg [dreg:$0x0]  }
0x2: {  	s1 =	rddreg [dreg:$0x1]  }
0x3: {  	s2 =	rddreg [dreg:$0x2];
	s4 =	srdreg.scid  }
0x4: {  	s0 =	rddreg [dreg:$0x3];
	s7 =	sand.u32 $0x1, s4  }
0x5: {  	s3 =	simm.s32 $0x0;
	s4 =	stileid.u32;
	s5 =	smul.u32 $0x4F00, s7  }
0x6: {  	s13 =	simm.s32 $0x0;
	[smem:$0x7FF] =	sst s3;
	s8 =	smul.u32 $0x500, s4  }
0x7: {  	s10 =	sshll.u32 s7, $0x7;
	s7 =	ssub.s32 $0x2, s7;
	s30 =	smul.u32 $0xA00, s4  }
0x8: {  	_ =	strace $0x80000047;
	s12 =	smul.u32 $0x4F0, s4;
	s11 =	sshrl.u32 s7, $0x1  }
0x9: {  	s9 =	sadd.s32 s5, s6;
	s5 =	sadd.s32 $0xF800, s6;
	s8 =	sor.u32 s10, s8  }
0xa: {  	s11 =	ssub.s32 s7, s11;
	s31 =	sshrl.u32 s30, $0x2;
	s10 =	simm.s32 $0x100  }
0xb: {  	s8 =	sshrl.u32 s8, $0x3;
	s9 =	sadd.s32 s12, s9;
	s12 =	simm.s32 $0x80  }
0xc: {  	s8 =	sadd.s32 s8, s6;
	s6 =	sadd.s32 s31, s2;
	s9 =	sadd.s32 $0x5A00, s9  }
0xd: {  	s7 =	sadd.s32 $0xFA00, s8;
	s8 =	smax.u32 s11, $0x1;
	s11 =	simm.s32 $0x1  }
.LBB2_1:
0xe: {  	[tilespmem:s10], [sflag:$0x1] =	stream.linear.gather [hbm4b:s5+s3], $0x280, $0x38;
	[tilespmem:$0x600] =	vst v63  }
0xf: {  	_ =	swait.ge [sflag:s11], $0x280  }
0x10: {  	[sflag:s11] =	ssyncset.done $0x0  }
0x11: {  	[sflag:s11] =	ssyncadd.s32 $0xFFFFFD80  }
0x12: {  	[spmem:s6] =	stream.linear.scatter [tilespmem:s10], [sflag:$0x1], $0x280, $0x38;
	[tilespmem:$0x600] =	vst v63  }
0x13: {  	_ =	swait.ge [sflag:s11], $0x280  }
0x14: {  	[sflag:s11] =	ssyncset.done $0x0  }
0x15: {  	[sflag:s11] =	ssyncadd.s32 $0xFFFFFD80  }
0x16: {  	[tilespmem:s12], [sflag:$0x1] =	stream.linear.gather [hbm4b:s1+s3], $0x80, $0x38;
	[tilespmem:$0x600] =	vst v63  }
0x17: {  	_ =	swait.ge [sflag:s11], $0x80  }
0x18: {  	[sflag:s11] =	ssyncset.done $0x0  }
0x19: {  	[sflag:s11] =	ssyncadd.s32 $0xFFFFFF80  }
0x1a: {  	s14 =	sadd.s32 $0x0, s9;
	[bflag:$0x0] =	sbarrier.arrive $0xFFFF  }
0x1b: {  	[tilespmem:s3], [sflag:$0x1] =	stream.linear.gather [hbm4b:s14+s3], $0x80, $0x38;
	[tilespmem:$0x600] =	vst v63  }
0x1c: {  	_ =	swait.ge [sflag:s11], $0x80  }
0x1d: {  	[sflag:s11] =	ssyncset.done $0x0  }
0x1e: {  	[sflag:s11] =	ssyncadd.s32 $0xFFFFFF80  }
0x1f: {  	[spmem:s2] =	stream.indirect.scatter.add.f32 [tilespmem:s12], [sflag:$0x1], $0x1, s3, s12, $0xb8;
	[tilespmem:$0x600] =	vst v63  }
0x20: {  	_ =	swait.ge [sflag:s11], $0x80  }
0x21: {  	s15 =	simm.s32 $0x20;
	s14 =	simm.s32 $0x10;
	[sflag:s11] =	ssyncset.done $0x0  }
.LBB2_2:
0x22: {  	s16 =	sadd.s32 s14, s9  }
0x23: {  	[sflag:s11] =	ssyncadd.s32 $0xFFFFFF80;
	s14 =	smov.u32 s15;
	s17 =	sadd.s32 $0x10, s15  }
0x24: {  	[tilespmem:s3], [sflag:$0x1] =	stream.linear.gather [hbm4b:s16+s3], $0x80, $0x38;
	[tilespmem:$0x600] =	vst v63  }
0x25: {  	p0 =	sne.s32 s15, $0x4E0;
	_ =	swait.ge [sflag:s11], $0x80  }
.Ltmp0:
0x26: {  	[sflag:s11] =	ssyncset.done $0x0;
	(pc) =	sbr.rel @p0 .LBB2_2-.Ltmp0, $4  }
0x27: {  	[sflag:s11] =	ssyncadd.s32 $0xFFFFFF80  }
0x28: {  	[spmem:s2] =	stream.indirect.scatter.add.f32 [tilespmem:s12], [sflag:$0x1], $0x1, s3, s12, $0xb8;
	[tilespmem:$0x600] =	vst v63  }
0x29: {  	_ =	swait.ge [sflag:s11], $0x80  }
0x2a: {  	s15 =	smov.u32 s17;
	[sflag:s11] =	ssyncset.done $0x0  }
0x2b: {  	s14 =	sadd.s32 s14, s9;
	[sflag:s11] =	ssyncadd.s32 $0xFFFFFF80  }
0x2c: {  	[tilespmem:s3], [sflag:$0x1] =	stream.linear.gather [hbm4b:s14+s3], $0x80, $0x38;
	[tilespmem:$0x600] =	vst v63  }
0x2d: {  	_ =	swait.ge [sflag:s11], $0x80  }
0x2e: {  	[sflag:s11] =	ssyncset.done $0x0  }
0x2f: {  	[sflag:s11] =	ssyncadd.s32 $0xFFFFFF80  }
0x30: {  	[spmem:s2] =	stream.indirect.scatter.add.f32 [tilespmem:s12], [sflag:$0x1], $0x1, s3, s12, $0xb8;
	[tilespmem:$0x600] =	vst v63  }
0x31: {  	_ =	swait.ge [sflag:s11], $0x80  }
0x32: {  	[sflag:s11] =	ssyncset.done $0x0  }
0x33: {  	[sflag:s11] =	ssyncadd.s32 $0xFFFFFF80  }
0x34: {  	[bflag:$0x0] =	sbarrier.arrive $0xFFFF  }
0x35: {  	[tilespmem:s10], [sflag:$0x1] =	stream.linear.gather [spmem:s6], $0x280, $0x38;
	[tilespmem:$0x600] =	vst v63  }
0x36: {  	s13 =	sadd.s32 $0x1, s13;
	_ =	swait.ge [sflag:s11], $0x280  }
0x37: {  	p0 =	sne.s32 s13, s8;
	[sflag:s11] =	ssyncset.done $0x0  }
.Ltmp1:
0x38: {  	[sflag:s11] =	ssyncadd.s32 $0xFFFFFD80;
	(pc) =	sbr.rel @p0 .LBB2_1-.Ltmp1, $4  }
0x39: {  	[hbm4b:s7+s12] =	stream.strided.scatter [tilespmem:s10], [sflag:$0x1], $0x280, s10, s12, $0x38;
	[tilespmem:$0x600] =	vst v63  }
0x3a: {  	_ =	swait.ge [sflag:s11], $0x280  }
0x3b: {  	[sflag:s11] =	ssyncset.done $0x0  }
0x3c: {  	[sflag:s11] =	ssyncadd.s32 $0xFFFFFD80  }
0x3d: {  	_ =	sfence.sel $0x180000  }
0x3e: {  	[bflag:$0x0] =	sbarrier.arrive $0xFFFF  }
0x3f: {  	p0 =	sne.s32 s4, $0x0;
	_ =	strace $0x90000047  }
0x40: {  	s0 =	sadd.s32 @!p0 $0x100000, s0;
	[bflag:$0x2] =	sbarrier.arrive $0xFFFF  }
0x41: {  	[sflag:s0] =	ssyncadd.tile.s32 @!p0 $0x1;
	_ =	shalt  }
.Lfunc_end2:
_tile_overlayer_lowered:
.L_overlay_start_2:
0x42: {  	(tag) =	ssettag $0x2  }
0x43: {  	s0 =	rddreg [dreg:$0x0];
	s2 =	stileid.u32  }
0x44: {  	s1 =	rddreg [dreg:$0x1];
	p0 =	sne.s32 s2, $0x0  }
0x45: {  	s3 =	rddreg [dreg:$0x2];
	[bflag:$0x3] =	sbarrier.arrive $0xFFFF;
	s2 =	simm.s32 @!p0 $0x1C01  }
0x46: {  	[timem:s3], [sflag:s2] =	dma.local @!p0 [hbm:s0], s1  }
0x47: {  	s0 =	simm.s32 @!p0 $0x1  }
0x48: {  	_ =	swait.ge @!p0 [sflag:s0], s1  }
0x49: {  	s1 =	ssub.s32 @!p0 $0x0, s1;
	[sflag:s0] =	ssyncset.done @!p0 $0x0  }
0x4a: {  	[sflag:s0] =	ssyncadd.s32 @!p0 s1  }
0x4b: {  	[bflag:$0x3] =	sbarrier.arrive $0xFFFF  }
0x4c: {  	_ =	shalt  }

// kernel: kernel.13.cloned.1.call-start
scs
__scs_entry_jumppad:
0x0: {  	(pc) =	sbr.rel $0x88, $3  }
0x1: {  	(tag) =	ssettag $0x0;
	lr =	simm.s32 $0x1  }
0x2: {  	[smem:$0x3F92] =	sst lr;
	_ =	strace $0xD0000000  }
0x3: {  	_ = 	snop  }
0x4: {  	_ = 	snop  }
0x5: {  	_ = 	snop  }
0x6: {  	_ = 	snop  }
0x7: {  	_ = 	snop  }
__scs_overlays_trampoline_lowered:
0x8: {  	[smem:$0x3FA1] =	sst s0  }
0x9: {  	[smem:$0x3FA2] =	sst s1  }
0xa: {  	[smem:$0x3FA3] =	sst s2  }
0xb: {  	[smem:$0x3FA4] =	sst s3  }
0xc: {  	[smem:$0x3FA5] =	sst s4  }
0xd: {  	[smem:$0x3FA6] =	sst s5  }
0xe: {  	[smem:$0x3FA7] =	sst s6  }
0xf: {  	[smem:$0x3FA8] =	sst s7  }
0x10: {  	[smem:$0x3FA9] =	sst s8  }
0x11: {  	[smem:$0x3FAA] =	sst s9;
	s0 =	simm.s32 @!p0 $0x0  }
0x12: {  	s1 =	sld [smem:$0x3F90];
	s0 =	simm.s32 @p0 $0x1  }
0x13: {  	[smem:$0x3FAB] =	sst s0;
	s0 =	simm.s32 @!p1 $0x0  }
0x14: {  	s2 =	sld [smem:$0x3F8F];
	s0 =	simm.s32 @p1 $0x1  }
0x15: {  	[smem:$0x3FAC] =	sst s0;
	s0 =	simm.s32 @!p2 $0x0  }
0x16: {  	s3 =	sld [smem:$0x3FDB];
	s0 =	simm.s32 @p2 $0x1  }
0x17: {  	s4 =	simm.s32 $0x1BF5;
	[smem:$0x3FAE] =	sst s0  }
0x18: {  	s0 =	sld [smem:$0x3F91];
	_ =	swait.ge [sflag:s4], $0x0  }
0x19: {  	s7 =	sld [smem:$0x3F92]  }
0x1a: {  	s8 =	sadd.s32 $0xFFFFE003, lr  }
0x1b: {  	s9 =	sadd.s32 $0xFFFFFEF7, lr;
	s5 =	simm.s32 $0xFFFFFFFF;
	p2 =	slt.u32 s8, $0xFFFFF086  }
0x1c: {  	p1 =	slt.u32 s9, $0xF7A;
	s5 =	simm.s32 @!p2 $0x0  }
0x1d: {  	s5 =	simm.s32 @p1 $0x1;
	p0 =	seq.s32 s7, s2  }
0x1e: {  	s7 =	smul.u32 @!p0 $0xF7A, s2;
	p2 =	seq.s32 @!p0 s5, $0x0  }
0x1f: {  	s9 =	smul.u32 $0xF7A, s1;
	s8 =	simm.s32 @!p0 $0x1BF5;
	p2 =	por !p2, p0  }
0x20: {  	[sflag:s8] =	ssyncset.s32 @!p0 $0xFFFFF086;
	s6 =	sadd.s32 @!p0 s3, s7;
	s7 =	simm.s32 @!p0 $0x108  }
0x21: {  	s3 =	sadd.s32 s3, s9;
	s6 =	sadd.s32 @!p0 $0x88, s6;
	s7 =	simm.s32 @p2 $0x1082  }
0x22: {  	[simem:s7], [sflag:s8] =	dma.local @!p0 [hbm:s6], $0xF7A  }
0x23: {  	s9 =	sor.u32 $0xD0000000, s2;
	s6 =	simm.s32 $0x108;
	_ =	swait.ge @!p0 [sflag:s8], $0x0  }
0x24: {  	s3 =	sadd.s32 $0x88, s3;
	s6 =	simm.s32 @!p1 $0x1082;
	[sflag:s4] =	ssyncset.s32 $0xFFFFF086  }
0x25: {  	[simem:s6], [sflag:s4] =	dma.local [hbm:s3], $0xF7A  }
0x26: {  	[smem:$0x3F92] =	sst s1;
	(tag) =	ssettag s2;
	_ =	strace s9  }
0x27: {  	s1 =	sld [smem:$0x3FA2]  }
0x28: {  	s2 =	sld [smem:$0x3FA3]  }
0x29: {  	s4 =	sld [smem:$0x3FA5]  }
0x2a: {  	p0 =	seq.s32 s5, $0x0;
	s5 =	sld [smem:$0x3FA6]  }
0x2b: {  	s6 =	sld [smem:$0x3FA7]  }
0x2c: {  	s7 =	sld [smem:$0x3FA8]  }
0x2d: {  	s3 =	simm.s32 $0x108;
	s8 =	sld [smem:$0x3FA9]  }
0x2e: {  	s3 =	simm.s32 @!p0 $0x1082;
	s9 =	sld [smem:$0x3FAA]  }
0x2f: {  	lr =	sadd.s32 s0, s3;
	s0 =	sld [smem:$0x3FA1]  }
0x30: {  	s3 =	sld [smem:$0x3FA4]  }
0x31: {  	[smem:$0x3FAD] =	sst s10  }
0x32: {  	s10 =	sld [smem:$0x3FAB];
	_ =	sdelay $0x3  }
0x33: {  	p0 =	seq.s32 s10, $0x1;
	s10 =	sld [smem:$0x3FAD];
	_ =	sdelay $0x3  }
0x34: {  	[smem:$0x3FAD] =	sst s10  }
0x35: {  	s10 =	sld [smem:$0x3FAC];
	_ =	sdelay $0x3  }
0x36: {  	p1 =	seq.s32 s10, $0x1;
	s10 =	sld [smem:$0x3FAD];
	_ =	sdelay $0x3  }
0x37: {  	[smem:$0x3FAD] =	sst s10  }
0x38: {  	s10 =	sld [smem:$0x3FAE]  }
0x39: {  	_ = 	snop;
	(pc) =	sbr.ind lr, $3  }
0x3a: {  	_ = 	snop  }
0x3b: {  	_ = 	snop  }
0x3c: {  	p2 =	seq.s32 s10, $0x1;
	s10 =	sld [smem:$0x3FAD]  }
0x3d: {  	_ =	shalt  }
0x3e: {  	_ =	shalt  }
0x3f: {  	_ =	shalt  }
0x40: {  	_ =	shalt  }
0x41: {  	_ =	shalt  }
0x42: {  	_ =	shalt  }
0x43: {  	_ =	shalt  }
0x44: {  	_ =	shalt  }
0x45: {  	_ =	shalt  }
0x46: {  	_ =	shalt  }
0x47: {  	_ =	shalt  }
0x48: {  	_ =	shalt  }
0x49: {  	_ =	shalt  }
0x4a: {  	_ =	shalt  }
0x4b: {  	_ =	shalt  }
0x4c: {  	_ =	shalt  }
0x4d: {  	_ =	shalt  }
0x4e: {  	_ =	shalt  }
0x4f: {  	_ =	shalt  }
0x50: {  	_ =	shalt  }
0x51: {  	_ =	shalt  }
0x52: {  	_ =	shalt  }
0x53: {  	_ =	shalt  }
0x54: {  	_ =	shalt  }
0x55: {  	_ =	shalt  }
0x56: {  	_ =	shalt  }
0x57: {  	_ =	shalt  }
0x58: {  	_ =	shalt  }
0x59: {  	_ =	shalt  }
0x5a: {  	_ =	shalt  }
0x5b: {  	_ =	shalt  }
0x5c: {  	_ =	shalt  }
0x5d: {  	_ =	shalt  }
0x5e: {  	_ =	shalt  }
0x5f: {  	_ =	shalt  }
0x60: {  	_ =	shalt  }
0x61: {  	_ =	shalt  }
0x62: {  	_ =	shalt  }
0x63: {  	_ =	shalt  }
0x64: {  	_ =	shalt  }
0x65: {  	_ =	shalt  }
0x66: {  	_ =	shalt  }
0x67: {  	_ =	shalt  }
0x68: {  	_ =	shalt  }
0x69: {  	_ =	shalt  }
0x6a: {  	_ =	shalt  }
0x6b: {  	_ =	shalt  }
0x6c: {  	_ =	shalt  }
0x6d: {  	_ =	shalt  }
0x6e: {  	_ =	shalt  }
0x6f: {  	_ =	shalt  }
0x70: {  	_ =	shalt  }
0x71: {  	_ =	shalt  }
0x72: {  	_ =	shalt  }
0x73: {  	_ =	shalt  }
0x74: {  	_ =	shalt  }
0x75: {  	_ =	shalt  }
0x76: {  	_ =	shalt  }
0x77: {  	_ =	shalt  }
0x78: {  	_ =	shalt  }
0x79: {  	_ =	shalt  }
0x7a: {  	_ =	shalt  }
0x7b: {  	_ =	shalt  }
0x7c: {  	_ =	shalt  }
0x7d: {  	_ =	shalt  }
0x7e: {  	_ =	shalt  }
0x7f: {  	_ =	shalt  }
0x80: {  	_ =	shalt  }
0x81: {  	_ =	shalt  }
0x82: {  	_ =	shalt  }
0x83: {  	_ =	shalt  }
0x84: {  	_ =	shalt  }
0x85: {  	_ =	shalt  }
0x86: {  	_ =	shalt  }
0x87: {  	_ =	shalt  }
.Lfunc_end0:
.L_simem_size_0:
called_computation.1_lowered:
.L_overlay_start_0:
0x88: {  	s2 =	sld [smem:$0x3FD9]  }
0x89: {  	s3 =	sld [smem:$0x3FFE];
	_ =	sdelay $0x1  }
0x8a: {  	s1 =	srdreg.scid  }
0x8b: {  	s0 =	sand.u32 $0x1, s1  }
0x8c: {  	s16 =	sshll.u32 s0, $0xA;
	s2 =	sadd.s32 s3, s2  }
0x8d: {  	s2 =	sadd.s32 s2, s16  }
0x8e: {  	[smem:$0x3FB9] =	sst s2  }
0x8f: {  	_ = 	snop  }
0x90: {  	(tm) =	ssettm $0x1  }
0x91: {  	s17 =	sld [smem:$0x3FFB];
	_ =	sdelay $0x3  }
0x92: {  	_ =	strace s17  }
0x93: {  	s2 =	sld [smem:$0x3FFC];
	_ =	sdelay $0x3  }
0x94: {  	_ =	strace s2  }
0x95: {  	s2 =	sld [smem:$0x3FFD];
	_ =	sdelay $0x3  }
0x96: {  	_ =	strace s2  }
0x97: {  	_ =	strace $0x8FFFFFFF  }
0x98: {  	s18 =	sld [smem:$0x3FDB];
	_ =	sdelay $0x1  }
0x99: {  	s19 =	simm.s32 $_scs_section_size  }
0x9a: {  	s4 =	simm.s32 $_size__tile_overlayer_lowered;
	s5 =	simm.s32 $_tile_overlayer_lowered  }
0x9b: {  	s22 =	simm.s32 $0x1BFF;
	s21 =	sshll.u32 s5, $0x1;
	s2 =	sadd.s32 s19, s18  }
0x9c: {  	s6 =	simm.s32 $0x0;
	s20 =	sshll.u32 s4, $0x1;
	s4 =	sadd.s32 s21, s2  }
0x9d: {  	[timem:s6], [sflag:s22] =	dma.local [hbm:s4], s20  }
0x9e: {  	_ =	swait.ge [sflag:s22], s20  }
0x9f: {  	s3 =	ssub.s32 $0x0, s20;
	[sflag:s22] =	ssyncset.done $0x0  }
0xa0: {  	[sflag:s22] =	ssyncadd.s32 s3;
	_ =	sdelay $0x1  }
0xa1: {  	s23 =	simm.s32 $0x1B8B  }
0xa2: {  	_ =	swait.ge [sflag:s23], $0x1  }
0xa3: {  	[sflag:s23] =	ssyncset.done $0x0  }
0xa4: {  	s25 =	simm.s32 $0x1B8E;
	s24 =	sld [smem:$0x3FFE];
	[sflag:s23] =	ssyncadd.s32 $0xFFFFFFFF  }
0xa5: {  	s26 =	simm.s32 $execute0_lowered;
	[smem:$0x3FD2] =	sst s25  }
0xa6: {  	s4 =	sshll.u32 s26, $0x1;
	_ =	strace $0x80000049;
	[dreg:$0x1] =	wrdreg $0xFFFFFFFF  }
0xa7: {  	s28 =	simm.s32 $_size_execute0_lowered;
	s2 =	sadd.s32 s2, s4;
	[dreg:$0x0] =	wrdreg $0x0  }
0xa8: {  	s4 =	sshll.u32 s28, $0x1;
	[dreg:$0x2] =	wrdreg s2  }
0xa9: {  	[dreg:$0x3] =	wrdreg s4  }
0xaa: {  	[dreg:$0x4] =	wrdreg $0xC0  }
0xab: {  	_ =	task [dreg:s6], $0x5FFFF  }
0xac: {  	[dreg:$0x1] =	wrdreg $0xFFFFFFFF  }
0xad: {  	[dreg:$0x0] =	wrdreg $0x60  }
0xae: {  	[dreg:$0x2] =	wrdreg s24  }
0xaf: {  	[dreg:$0x3] =	wrdreg $0x41000  }
0xb0: {  	[dreg:$0x4] =	wrdreg $0x9  }
0xb1: {  	_ =	task.clear_ibuf [dreg:s6], $0x5FFFF;
	_ =	strace $0x90000049  }
0xb2: {  	s29 =	simm.s32 $0x9;
	_ =	strace $0x8000004B  }
0xb3: {  	_ =	swait.ge [sflag:s29], $0x1  }
0xb4: {  	[sflag:s29] =	ssyncadd.s32 $0xFFFFFFFF  }
0xb5: {  	_ =	strace $0x9000004B  }
0xb6: {  	_ =	sfence  }
0xb7: {  	s30 =	sld [smem:$0x0];
	_ =	sdelay $0x2  }
0xb8: {  	s31 =	sshll.u32 s1, $0xD;
	s1 =	sshrl.u32 s1, $0x2  }
0xb9: {  	s3 =	sand.u32 $0x4000, s31;
	s1 =	sadd.s32 s1, s30  }
0xba: {  	s0 =	sor.u32 s3, s0;
	s1 =	sshll.u32 s1, $0x11  }
0xbb: {  	s0 =	sor.u32 s1, s0  }
0xbc: {  	s0 =	sadd.s32 $0x8F2B, s0  }
0xbd: {  	[sflag:s0] =	ssyncadd.remote.s32 $0x1  }
0xbe: {  	_ =	sfence.sel $0xFFFF  }
0xbf: {  	[dreg:$0x0] =	wrdreg $0xFFFFFFFF;
	(pc) =	sbr.abs _section_cstart, $3  }
0xc0: {  	[dreg:$0x1] =	wrdreg $0xFFFFFFFF  }
0xc1: {  	_ =	task.clear_ibuf [dreg:s6], $0x2FFFF;
	_ =	strace $0x9FFFFFFF  }
0xc2: {  	(tm) =	ssettm $0x7FFFFFFF  }
0xc3: {  	_ =	shalt  }
tec
execute0_lowered:
.L_overlay_start_1:
0x0: {  	(tag) =	ssettag $0x1  }
0x1: {  	s6 =	rddreg [dreg:$0x0]  }
0x2: {  	s1 =	rddreg [dreg:$0x1];
	s3 =	srdreg.scid  }
0x3: {  	s2 =	simm.s32 $0x0;
	s21 =	simm.s32 $0x80;
	s22 =	simm.s32 $0x4  }
0x4: {  	s23 =	simm.s32 $0x3;
	s24 =	simm.s32 $0x1;
	s7 =	sand.u32 $0x1, s3  }
0x5: {  	s25 =	simm.s32 $0x2;
	s3 =	stileid.u32;
	s5 =	smul.u32 $0x4F00, s7  }
0x6: {  	s26 =	simm.s32 $0x0;
	[smem:$0x7FF] =	sst s2;
	s8 =	smul.u32 $0x50000, s3  }
0x7: {  	s4 =	sadd.s32 $0x41400, s6;
	s16 =	sadd.s32 $0x68600, s6;
	s10 =	smul.u32 $0x14000, s3  }
0x8: {  	_ =	strace $0x8000004A;
	s9 =	ssub.s32 $0x2, s7;
	s18 =	smul.u32 $0x140000, s7  }
0x9: {  	s30 =	smul.u32 $0x4F0, s3;
	s29 =	sshrl.u32 s9, $0x1;
	s15 =	sadd.s32 s5, s6  }
0xa: {  	s5 =	sadd.s32 $0xF800, s6;
	s8 =	sshrl.u32 s8, $0x2;
	s17 =	ssub.s32 s9, s29  }
0xb: {  	s11 =	sadd.s32 $0x4000, s10;
	s13 =	sadd.s32 $0x8000, s10;
	s14 =	sadd.s32 $0xC000, s10  }
0xc: {  	s19 =	sadd.s32 $0x10000, s10;
	s12 =	sadd.s32 s10, s18;
	s6 =	sadd.s32 s8, s1  }
0xd: {  	s7 =	sadd.s32 s11, s1;
	s8 =	sadd.s32 s13, s1;
	s9 =	sadd.s32 s14, s1  }
0xe: {  	s11 =	sadd.s32 s18, s11;
	s10 =	sadd.s32 s19, s1;
	s12 =	sshrl.u32 s12, $0x3  }
0xf: {  	s13 =	sadd.s32 s18, s13;
	s14 =	sadd.s32 s18, s14;
	s18 =	sadd.s32 s18, s19  }
0x10: {  	s31 =	sadd.s32 s30, s15;
	s19 =	simm.s32 $0x100;
	s20 =	sshrl.u32 s11, $0x3  }
0x11: {  	s11 =	sadd.s32 s16, s12;
	s13 =	sshrl.u32 s13, $0x3;
	s14 =	sshrl.u32 s14, $0x3  }
0x12: {  	s18 =	sshrl.u32 s18, $0x3;
	s12 =	sadd.s32 s16, s20;
	s13 =	sadd.s32 s16, s13  }
0x13: {  	s14 =	sadd.s32 s16, s14;
	s15 =	sadd.s32 s16, s18;
	s16 =	smax.u32 s17, $0x1  }
0x14: {  	s17 =	sadd.s32 $0x5A00, s31;
	s18 =	sadd.s32 $0x10400, s31;
	s20 =	simm.s32 $0x5  }
.LBB2_1:
0x15: {  	[tilespmem:s19], [sflag:$0x5] =	stream.linear.gather [hbm4b:s5+s2], $0x4000, $0x38;
	[tilespmem:$0x18100] =	vst v63  }
0x16: {  	_ =	swait.ge [sflag:s20], $0x4000  }
0x17: {  	[sflag:s20] =	ssyncset.done $0x0  }
0x18: {  	[sflag:s20] =	ssyncadd.s32 $0xFFFFC000  }
0x19: {  	[spmem:s6] =	stream.linear.scatter [tilespmem:s19], [sflag:$0x5], $0x4000, $0x38;
	[tilespmem:$0x18100] =	vst v63  }
0x1a: {  	_ =	swait.ge [sflag:s20], $0x4000  }
0x1b: {  	[sflag:s20] =	ssyncset.done $0x0  }
0x1c: {  	[sflag:s20] =	ssyncadd.s32 $0xFFFFC000  }
0x1d: {  	[spmem:s7] =	stream.linear.scatter [tilespmem:s19], [sflag:$0x5], $0x4000, $0x38;
	[tilespmem:$0x18100] =	vst v63  }
0x1e: {  	_ =	swait.ge [sflag:s20], $0x4000  }
0x1f: {  	[sflag:s20] =	ssyncset.done $0x0  }
0x20: {  	[sflag:s20] =	ssyncadd.s32 $0xFFFFC000  }
0x21: {  	[spmem:s8] =	stream.linear.scatter [tilespmem:s19], [sflag:$0x5], $0x4000, $0x38;
	[tilespmem:$0x18100] =	vst v63  }
0x22: {  	_ =	swait.ge [sflag:s20], $0x4000  }
0x23: {  	[sflag:s20] =	ssyncset.done $0x0  }
0x24: {  	[sflag:s20] =	ssyncadd.s32 $0xFFFFC000  }
0x25: {  	[spmem:s9] =	stream.linear.scatter [tilespmem:s19], [sflag:$0x5], $0x4000, $0x38;
	[tilespmem:$0x18100] =	vst v63  }
0x26: {  	_ =	swait.ge [sflag:s20], $0x4000  }
0x27: {  	[sflag:s20] =	ssyncset.done $0x0  }
0x28: {  	[sflag:s20] =	ssyncadd.s32 $0xFFFFC000  }
0x29: {  	[spmem:s10] =	stream.linear.scatter [tilespmem:s19], [sflag:$0x5], $0x4000, $0x38;
	[tilespmem:$0x18100] =	vst v63  }
0x2a: {  	_ =	swait.ge [sflag:s20], $0x4000  }
0x2b: {  	[sflag:s20] =	ssyncset.done $0x0  }
0x2c: {  	[sflag:s20] =	ssyncadd.s32 $0xFFFFC000  }
0x2d: {  	s28 =	sadd.s32 $0x0, s18;
	[bflag:$0x0] =	sbarrier.arrive $0xFFFF  }
0x2e: {  	[tilespmem:s2], [sflag:$0x4] =	stream.linear.gather [hbm4b:s28+s2], $0x80, $0x38;
	[tilespmem:$0x18100] =	vst v63  }
0x2f: {  	s28 =	sadd.s32 $0x0, s17  }
0x30: {  	[tilespmem:s21], [sflag:$0x3] =	stream.linear.gather [hbm4b:s28+s2], $0x80, $0x38;
	[tilespmem:$0x18100] =	vst v63  }
0x31: {  	_ =	swait.ge [sflag:s22], $0x80  }
0x32: {  	[sflag:s22] =	ssyncset.done $0x0  }
0x33: {  	[sflag:s22] =	ssyncadd.s32 $0xFFFFFF80  }
0x34: {  	_ =	swait.ge [sflag:s23], $0x80  }
0x35: {  	[sflag:s23] =	ssyncset.done $0x0  }
0x36: {  	[sflag:s23] =	ssyncadd.s32 $0xFFFFFF80  }
0x37: {  	[tilespmem:s19], [sflag:$0x1] =	stream.indirect.gather [hbm4b:s4+s21], $0x80, s2, s21, $0xb8;
	[tilespmem:$0x18100] =	vst v63  }
0x38: {  	_ =	swait.ge [sflag:s24], $0x4000  }
0x39: {  	[sflag:s24] =	ssyncset.done $0x0  }
0x3a: {  	[sflag:s24] =	ssyncadd.s32 $0xFFFFC000  }
0x3b: {  	[spmem:s1] =	stream.indirect.scatter.add.f32 [tilespmem:s19], [sflag:$0x2], $0x80, s21, s21, $0xb8;
	[tilespmem:$0x18100] =	vst v63  }
0x3c: {  	_ =	swait.ge [sflag:s25], $0x4000  }
0x3d: {  	s29 =	simm.s32 $0x20;
	s28 =	simm.s32 $0x10;
	[sflag:s25] =	ssyncset.done $0x0  }
.LBB2_2:
0x3e: {  	s30 =	sadd.s32 s28, s18  }
0x3f: {  	[sflag:s25] =	ssyncadd.s32 $0xFFFFC000;
	s31 =	smov.u32 s29;
	s0 =	sadd.s32 $0x10, s29  }
0x40: {  	[tilespmem:s2], [sflag:$0x4] =	stream.linear.gather [hbm4b:s30+s2], $0x80, $0x38;
	[tilespmem:$0x18100] =	vst v63  }
0x41: {  	p0 =	sne.s32 s29, $0x4E0;
	s29 =	sadd.s32 s28, s17;
	s28 =	smov.u32 s31  }
0x42: {  	[tilespmem:s21], [sflag:$0x3] =	stream.linear.gather [hbm4b:s29+s2], $0x80, $0x38;
	[tilespmem:$0x18100] =	vst v63  }
0x43: {  	_ =	swait.ge [sflag:s22], $0x80  }
0x44: {  	[sflag:s22] =	ssyncset.done $0x0  }
0x45: {  	[sflag:s22] =	ssyncadd.s32 $0xFFFFFF80  }
0x46: {  	_ =	swait.ge [sflag:s23], $0x80  }
0x47: {  	[sflag:s23] =	ssyncset.done $0x0  }
0x48: {  	[sflag:s23] =	ssyncadd.s32 $0xFFFFFF80  }
0x49: {  	[tilespmem:s19], [sflag:$0x1] =	stream.indirect.gather [hbm4b:s4+s21], $0x80, s2, s21, $0xb8;
	[tilespmem:$0x18100] =	vst v63  }
0x4a: {  	_ =	swait.ge [sflag:s24], $0x4000  }
.Ltmp0:
0x4b: {  	[sflag:s24] =	ssyncset.done $0x0;
	(pc) =	sbr.rel @p0 .LBB2_2-.Ltmp0, $4  }
0x4c: {  	[sflag:s24] =	ssyncadd.s32 $0xFFFFC000  }
0x4d: {  	[spmem:s1] =	stream.indirect.scatter.add.f32 [tilespmem:s19], [sflag:$0x2], $0x80, s21, s21, $0xb8;
	[tilespmem:$0x18100] =	vst v63  }
0x4e: {  	_ =	swait.ge [sflag:s25], $0x4000  }
0x4f: {  	s29 =	smov.u32 s0;
	[sflag:s25] =	ssyncset.done $0x0  }
0x50: {  	s0 =	sadd.s32 s28, s18;
	[sflag:s25] =	ssyncadd.s32 $0xFFFFC000  }
0x51: {  	[tilespmem:s2], [sflag:$0x4] =	stream.linear.gather [hbm4b:s0+s2], $0x80, $0x38;
	[tilespmem:$0x18100] =	vst v63  }
0x52: {  	s31 =	sadd.s32 s28, s17  }
0x53: {  	[tilespmem:s21], [sflag:$0x3] =	stream.linear.gather [hbm4b:s31+s2], $0x80, $0x38;
	[tilespmem:$0x18100] =	vst v63  }
0x54: {  	_ =	swait.ge [sflag:s22], $0x80  }
0x55: {  	[sflag:s22] =	ssyncset.done $0x0  }
0x56: {  	[sflag:s22] =	ssyncadd.s32 $0xFFFFFF80  }
0x57: {  	_ =	swait.ge [sflag:s23], $0x80  }
0x58: {  	[sflag:s23] =	ssyncset.done $0x0  }
0x59: {  	[sflag:s23] =	ssyncadd.s32 $0xFFFFFF80  }
0x5a: {  	[tilespmem:s19], [sflag:$0x1] =	stream.indirect.gather [hbm4b:s4+s21], $0x80, s2, s21, $0xb8;
	[tilespmem:$0x18100] =	vst v63  }
0x5b: {  	_ =	swait.ge [sflag:s24], $0x4000  }
0x5c: {  	[sflag:s24] =	ssyncset.done $0x0  }
0x5d: {  	[sflag:s24] =	ssyncadd.s32 $0xFFFFC000  }
0x5e: {  	[spmem:s1] =	stream.indirect.scatter.add.f32 [tilespmem:s19], [sflag:$0x2], $0x80, s21, s21, $0xb8;
	[tilespmem:$0x18100] =	vst v63  }
0x5f: {  	_ =	swait.ge [sflag:s25], $0x4000  }
0x60: {  	[sflag:s25] =	ssyncset.done $0x0  }
0x61: {  	[sflag:s25] =	ssyncadd.s32 $0xFFFFC000  }
0x62: {  	[bflag:$0x0] =	sbarrier.arrive $0xFFFF  }
0x63: {  	[tilespmem:s19], [sflag:$0x5] =	stream.linear.gather [spmem:s6], $0x4000, $0x38;
	[tilespmem:$0x18100] =	vst v63  }
0x64: {  	_ =	swait.ge [sflag:s20], $0x4000  }
0x65: {  	[sflag:s20] =	ssyncset.done $0x0  }
0x66: {  	[sflag:s20] =	ssyncadd.s32 $0xFFFFC000  }
0x67: {  	[hbm4b:s11+s2] =	stream.linear.scatter [tilespmem:s19], [sflag:$0x5], $0x4000, $0x38;
	[tilespmem:$0x18100] =	vst v63  }
0x68: {  	_ =	swait.ge [sflag:s20], $0x4000  }
0x69: {  	[sflag:s20] =	ssyncset.done $0x0  }
0x6a: {  	[sflag:s20] =	ssyncadd.s32 $0xFFFFC000  }
0x6b: {  	[tilespmem:s19], [sflag:$0x5] =	stream.linear.gather [spmem:s7], $0x4000, $0x38;
	[tilespmem:$0x18100] =	vst v63  }
0x6c: {  	_ =	swait.ge [sflag:s20], $0x4000  }
0x6d: {  	[sflag:s20] =	ssyncset.done $0x0  }
0x6e: {  	[sflag:s20] =	ssyncadd.s32 $0xFFFFC000  }
0x6f: {  	[hbm4b:s12+s2] =	stream.linear.scatter [tilespmem:s19], [sflag:$0x5], $0x4000, $0x38;
	[tilespmem:$0x18100] =	vst v63  }
0x70: {  	_ =	swait.ge [sflag:s20], $0x4000  }
0x71: {  	[sflag:s20] =	ssyncset.done $0x0  }
0x72: {  	[sflag:s20] =	ssyncadd.s32 $0xFFFFC000  }
0x73: {  	[tilespmem:s19], [sflag:$0x5] =	stream.linear.gather [spmem:s8], $0x4000, $0x38;
	[tilespmem:$0x18100] =	vst v63  }
0x74: {  	_ =	swait.ge [sflag:s20], $0x4000  }
0x75: {  	[sflag:s20] =	ssyncset.done $0x0  }
0x76: {  	[sflag:s20] =	ssyncadd.s32 $0xFFFFC000  }
0x77: {  	[hbm4b:s13+s2] =	stream.linear.scatter [tilespmem:s19], [sflag:$0x5], $0x4000, $0x38;
	[tilespmem:$0x18100] =	vst v63  }
0x78: {  	_ =	swait.ge [sflag:s20], $0x4000  }
0x79: {  	[sflag:s20] =	ssyncset.done $0x0  }
0x7a: {  	[sflag:s20] =	ssyncadd.s32 $0xFFFFC000  }
0x7b: {  	[tilespmem:s19], [sflag:$0x5] =	stream.linear.gather [spmem:s9], $0x4000, $0x38;
	[tilespmem:$0x18100] =	vst v63  }
0x7c: {  	_ =	swait.ge [sflag:s20], $0x4000  }
0x7d: {  	[sflag:s20] =	ssyncset.done $0x0  }
0x7e: {  	[sflag:s20] =	ssyncadd.s32 $0xFFFFC000  }
0x7f: {  	[hbm4b:s14+s2] =	stream.linear.scatter [tilespmem:s19], [sflag:$0x5], $0x4000, $0x38;
	[tilespmem:$0x18100] =	vst v63  }
0x80: {  	_ =	swait.ge [sflag:s20], $0x4000  }
0x81: {  	[sflag:s20] =	ssyncset.done $0x0  }
0x82: {  	[sflag:s20] =	ssyncadd.s32 $0xFFFFC000  }
0x83: {  	[tilespmem:s19], [sflag:$0x5] =	stream.linear.gather [spmem:s10], $0x4000, $0x38;
	[tilespmem:$0x18100] =	vst v63  }
0x84: {  	s26 =	sadd.s32 $0x1, s26;
	_ =	swait.ge [sflag:s20], $0x4000  }
0x85: {  	p0 =	sne.s32 s26, s16;
	[sflag:s20] =	ssyncset.done $0x0  }
.Ltmp1:
0x86: {  	[sflag:s20] =	ssyncadd.s32 $0xFFFFC000;
	(pc) =	sbr.rel @p0 .LBB2_1-.Ltmp1, $4  }
0x87: {  	[hbm4b:s15+s2] =	stream.linear.scatter [tilespmem:s19], [sflag:$0x5], $0x4000, $0x38;
	[tilespmem:$0x18100] =	vst v63  }
0x88: {  	_ =	swait.ge [sflag:s20], $0x4000  }
0x89: {  	[sflag:s20] =	ssyncset.done $0x0  }
0x8a: {  	[sflag:s20] =	ssyncadd.s32 $0xFFFFC000  }
0x8b: {  	_ =	sfence.sel $0x180000  }
0x8c: {  	[bflag:$0x0] =	sbarrier.arrive $0xFFFF  }
0x8d: {  	_ =	strace $0x9000004A  }
0x8e: {  	[bflag:$0x2] =	sbarrier.arrive $0xFFFF  }
0x8f: {  	p0 =	sne.s32 s3, $0x0;
	s0 =	rddreg [dreg:$0x2]  }
0x90: {  	s0 =	sadd.s32 @!p0 $0x100000, s0  }
0x91: {  	[sflag:s0] =	ssyncadd.tile.s32 @!p0 $0x1;
	_ =	shalt  }
.Lfunc_end2:
_tile_overlayer_lowered:
.L_overlay_start_2:
0x92: {  	(tag) =	ssettag $0x2  }
0x93: {  	s0 =	rddreg [dreg:$0x0];
	s2 =	stileid.u32  }
0x94: {  	s1 =	rddreg [dreg:$0x1];
	p0 =	sne.s32 s2, $0x0  }
0x95: {  	s3 =	rddreg [dreg:$0x2];
	[bflag:$0x3] =	sbarrier.arrive $0xFFFF;
	s2 =	simm.s32 @!p0 $0x1C05  }
0x96: {  	[timem:s3], [sflag:s2] =	dma.local @!p0 [hbm:s0], s1  }
0x97: {  	s0 =	simm.s32 @!p0 $0x5  }
0x98: {  	_ =	swait.ge @!p0 [sflag:s0], s1  }
0x99: {  	s1 =	ssub.s32 @!p0 $0x0, s1;
	[sflag:s0] =	ssyncset.done @!p0 $0x0  }
0x9a: {  	[sflag:s0] =	ssyncadd.s32 @!p0 s1  }
0x9b: {  	[bflag:$0x3] =	sbarrier.arrive $0xFFFF  }
0x9c: {  	_ =	shalt  }

// kernel: kernel.16.cloned.1.call-start
scs
__scs_entry_jumppad:
0x0: {  	(pc) =	sbr.rel $0x88, $3  }
0x1: {  	(tag) =	ssettag $0x0;
	lr =	simm.s32 $0x1  }
0x2: {  	[smem:$0x3F92] =	sst lr;
	_ =	strace $0xD0000000  }
0x3: {  	_ = 	snop  }
0x4: {  	_ = 	snop  }
0x5: {  	_ = 	snop  }
0x6: {  	_ = 	snop  }
0x7: {  	_ = 	snop  }
__scs_overlays_trampoline_lowered:
0x8: {  	[smem:$0x3FA1] =	sst s0  }
0x9: {  	[smem:$0x3FA2] =	sst s1  }
0xa: {  	[smem:$0x3FA3] =	sst s2  }
0xb: {  	[smem:$0x3FA4] =	sst s3  }
0xc: {  	[smem:$0x3FA5] =	sst s4  }
0xd: {  	[smem:$0x3FA6] =	sst s5  }
0xe: {  	[smem:$0x3FA7] =	sst s6  }
0xf: {  	[smem:$0x3FA8] =	sst s7  }
0x10: {  	[smem:$0x3FA9] =	sst s8  }
0x11: {  	[smem:$0x3FAA] =	sst s9;
	s0 =	simm.s32 @!p0 $0x0  }
0x12: {  	s1 =	sld [smem:$0x3F90];
	s0 =	simm.s32 @p0 $0x1  }
0x13: {  	[smem:$0x3FAB] =	sst s0;
	s0 =	simm.s32 @!p1 $0x0  }
0x14: {  	s2 =	sld [smem:$0x3F8F];
	s0 =	simm.s32 @p1 $0x1  }
0x15: {  	[smem:$0x3FAC] =	sst s0;
	s0 =	simm.s32 @!p2 $0x0  }
0x16: {  	s3 =	sld [smem:$0x3FDB];
	s0 =	simm.s32 @p2 $0x1  }
0x17: {  	s4 =	simm.s32 $0x1BF5;
	[smem:$0x3FAE] =	sst s0  }
0x18: {  	s0 =	sld [smem:$0x3F91];
	_ =	swait.ge [sflag:s4], $0x0  }
0x19: {  	s7 =	sld [smem:$0x3F92]  }
0x1a: {  	s8 =	sadd.s32 $0xFFFFE003, lr  }
0x1b: {  	s9 =	sadd.s32 $0xFFFFFEF7, lr;
	s5 =	simm.s32 $0xFFFFFFFF;
	p2 =	slt.u32 s8, $0xFFFFF086  }
0x1c: {  	p1 =	slt.u32 s9, $0xF7A;
	s5 =	simm.s32 @!p2 $0x0  }
0x1d: {  	s5 =	simm.s32 @p1 $0x1;
	p0 =	seq.s32 s7, s2  }
0x1e: {  	s7 =	smul.u32 @!p0 $0xF7A, s2;
	p2 =	seq.s32 @!p0 s5, $0x0  }
0x1f: {  	s9 =	smul.u32 $0xF7A, s1;
	s8 =	simm.s32 @!p0 $0x1BF5;
	p2 =	por !p2, p0  }
0x20: {  	[sflag:s8] =	ssyncset.s32 @!p0 $0xFFFFF086;
	s6 =	sadd.s32 @!p0 s3, s7;
	s7 =	simm.s32 @!p0 $0x108  }
0x21: {  	s3 =	sadd.s32 s3, s9;
	s6 =	sadd.s32 @!p0 $0x88, s6;
	s7 =	simm.s32 @p2 $0x1082  }
0x22: {  	[simem:s7], [sflag:s8] =	dma.local @!p0 [hbm:s6], $0xF7A  }
0x23: {  	s9 =	sor.u32 $0xD0000000, s2;
	s6 =	simm.s32 $0x108;
	_ =	swait.ge @!p0 [sflag:s8], $0x0  }
0x24: {  	s3 =	sadd.s32 $0x88, s3;
	s6 =	simm.s32 @!p1 $0x1082;
	[sflag:s4] =	ssyncset.s32 $0xFFFFF086  }
0x25: {  	[simem:s6], [sflag:s4] =	dma.local [hbm:s3], $0xF7A  }
0x26: {  	[smem:$0x3F92] =	sst s1;
	(tag) =	ssettag s2;
	_ =	strace s9  }
0x27: {  	s1 =	sld [smem:$0x3FA2]  }
0x28: {  	s2 =	sld [smem:$0x3FA3]  }
0x29: {  	s4 =	sld [smem:$0x3FA5]  }
0x2a: {  	p0 =	seq.s32 s5, $0x0;
	s5 =	sld [smem:$0x3FA6]  }
0x2b: {  	s6 =	sld [smem:$0x3FA7]  }
0x2c: {  	s7 =	sld [smem:$0x3FA8]  }
0x2d: {  	s3 =	simm.s32 $0x108;
	s8 =	sld [smem:$0x3FA9]  }
0x2e: {  	s3 =	simm.s32 @!p0 $0x1082;
	s9 =	sld [smem:$0x3FAA]  }
0x2f: {  	lr =	sadd.s32 s0, s3;
	s0 =	sld [smem:$0x3FA1]  }
0x30: {  	s3 =	sld [smem:$0x3FA4]  }
0x31: {  	[smem:$0x3FAD] =	sst s10  }
0x32: {  	s10 =	sld [smem:$0x3FAB];
	_ =	sdelay $0x3  }
0x33: {  	p0 =	seq.s32 s10, $0x1;
	s10 =	sld [smem:$0x3FAD];
	_ =	sdelay $0x3  }
0x34: {  	[smem:$0x3FAD] =	sst s10  }
0x35: {  	s10 =	sld [smem:$0x3FAC];
	_ =	sdelay $0x3  }
0x36: {  	p1 =	seq.s32 s10, $0x1;
	s10 =	sld [smem:$0x3FAD];
	_ =	sdelay $0x3  }
0x37: {  	[smem:$0x3FAD] =	sst s10  }
0x38: {  	s10 =	sld [smem:$0x3FAE]  }
0x39: {  	_ = 	snop;
	(pc) =	sbr.ind lr, $3  }
0x3a: {  	_ = 	snop  }
0x3b: {  	_ = 	snop  }
0x3c: {  	p2 =	seq.s32 s10, $0x1;
	s10 =	sld [smem:$0x3FAD]  }
0x3d: {  	_ =	shalt  }
0x3e: {  	_ =	shalt  }
0x3f: {  	_ =	shalt  }
0x40: {  	_ =	shalt  }
0x41: {  	_ =	shalt  }
0x42: {  	_ =	shalt  }
0x43: {  	_ =	shalt  }
0x44: {  	_ =	shalt  }
0x45: {  	_ =	shalt  }
0x46: {  	_ =	shalt  }
0x47: {  	_ =	shalt  }
0x48: {  	_ =	shalt  }
0x49: {  	_ =	shalt  }
0x4a: {  	_ =	shalt  }
0x4b: {  	_ =	shalt  }
0x4c: {  	_ =	shalt  }
0x4d: {  	_ =	shalt  }
0x4e: {  	_ =	shalt  }
0x4f: {  	_ =	shalt  }
0x50: {  	_ =	shalt  }
0x51: {  	_ =	shalt  }
0x52: {  	_ =	shalt  }
0x53: {  	_ =	shalt  }
0x54: {  	_ =	shalt  }
0x55: {  	_ =	shalt  }
0x56: {  	_ =	shalt  }
0x57: {  	_ =	shalt  }
0x58: {  	_ =	shalt  }
0x59: {  	_ =	shalt  }
0x5a: {  	_ =	shalt  }
0x5b: {  	_ =	shalt  }
0x5c: {  	_ =	shalt  }
0x5d: {  	_ =	shalt  }
0x5e: {  	_ =	shalt  }
0x5f: {  	_ =	shalt  }
0x60: {  	_ =	shalt  }
0x61: {  	_ =	shalt  }
0x62: {  	_ =	shalt  }
0x63: {  	_ =	shalt  }
0x64: {  	_ =	shalt  }
0x65: {  	_ =	shalt  }
0x66: {  	_ =	shalt  }
0x67: {  	_ =	shalt  }
0x68: {  	_ =	shalt  }
0x69: {  	_ =	shalt  }
0x6a: {  	_ =	shalt  }
0x6b: {  	_ =	shalt  }
0x6c: {  	_ =	shalt  }
0x6d: {  	_ =	shalt  }
0x6e: {  	_ =	shalt  }
0x6f: {  	_ =	shalt  }
0x70: {  	_ =	shalt  }
0x71: {  	_ =	shalt  }
0x72: {  	_ =	shalt  }
0x73: {  	_ =	shalt  }
0x74: {  	_ =	shalt  }
0x75: {  	_ =	shalt  }
0x76: {  	_ =	shalt  }
0x77: {  	_ =	shalt  }
0x78: {  	_ =	shalt  }
0x79: {  	_ =	shalt  }
0x7a: {  	_ =	shalt  }
0x7b: {  	_ =	shalt  }
0x7c: {  	_ =	shalt  }
0x7d: {  	_ =	shalt  }
0x7e: {  	_ =	shalt  }
0x7f: {  	_ =	shalt  }
0x80: {  	_ =	shalt  }
0x81: {  	_ =	shalt  }
0x82: {  	_ =	shalt  }
0x83: {  	_ =	shalt  }
0x84: {  	_ =	shalt  }
0x85: {  	_ =	shalt  }
0x86: {  	_ =	shalt  }
0x87: {  	_ =	shalt  }
.Lfunc_end0:
.L_simem_size_0:
called_computation.2_lowered:
.L_overlay_start_0:
0x88: {  	s2 =	sld [smem:$0x3FD9]  }
0x89: {  	s3 =	sld [smem:$0x3FFE];
	_ =	sdelay $0x1  }
0x8a: {  	s1 =	srdreg.scid  }
0x8b: {  	s0 =	sand.u32 $0x1, s1  }
0x8c: {  	s16 =	sshll.u32 s0, $0xA;
	s2 =	sadd.s32 s3, s2  }
0x8d: {  	s2 =	sadd.s32 s2, s16  }
0x8e: {  	[smem:$0x3FB9] =	sst s2  }
0x8f: {  	_ = 	snop  }
0x90: {  	(tm) =	ssettm $0x1  }
0x91: {  	s17 =	sld [smem:$0x3FFB];
	_ =	sdelay $0x3  }
0x92: {  	_ =	strace s17  }
0x93: {  	s2 =	sld [smem:$0x3FFC];
	_ =	sdelay $0x3  }
0x94: {  	_ =	strace s2  }
0x95: {  	s2 =	sld [smem:$0x3FFD];
	_ =	sdelay $0x3  }
0x96: {  	_ =	strace s2  }
0x97: {  	_ =	strace $0x8FFFFFFF  }
0x98: {  	s18 =	sld [smem:$0x3FDB];
	_ =	sdelay $0x1  }
0x99: {  	s19 =	simm.s32 $_scs_section_size  }
0x9a: {  	s4 =	simm.s32 $_size__tile_overlayer_lowered;
	s5 =	simm.s32 $_tile_overlayer_lowered  }
0x9b: {  	s22 =	simm.s32 $0x1BFF;
	s21 =	sshll.u32 s5, $0x1;
	s2 =	sadd.s32 s19, s18  }
0x9c: {  	s6 =	simm.s32 $0x0;
	s20 =	sshll.u32 s4, $0x1;
	s4 =	sadd.s32 s21, s2  }
0x9d: {  	[timem:s6], [sflag:s22] =	dma.local [hbm:s4], s20  }
0x9e: {  	_ =	swait.ge [sflag:s22], s20  }
0x9f: {  	s3 =	ssub.s32 $0x0, s20;
	[sflag:s22] =	ssyncset.done $0x0  }
0xa0: {  	[sflag:s22] =	ssyncadd.s32 s3;
	_ =	sdelay $0x1  }
0xa1: {  	s23 =	simm.s32 $0x1B8B  }
0xa2: {  	_ =	swait.ge [sflag:s23], $0x1  }
0xa3: {  	[sflag:s23] =	ssyncset.done $0x0  }
0xa4: {  	s25 =	simm.s32 $0x1B8E;
	s24 =	sld [smem:$0x3FFE];
	[sflag:s23] =	ssyncadd.s32 $0xFFFFFFFF  }
0xa5: {  	s26 =	simm.s32 $execute0_lowered;
	[smem:$0x3FD2] =	sst s25  }
0xa6: {  	s4 =	sshll.u32 s26, $0x1;
	_ =	strace $0x8000004C;
	[dreg:$0x1] =	wrdreg $0xFFFFFFFF  }
0xa7: {  	s28 =	simm.s32 $_size_execute0_lowered;
	s2 =	sadd.s32 s2, s4;
	[dreg:$0x0] =	wrdreg $0x0  }
0xa8: {  	s4 =	sshll.u32 s28, $0x1;
	[dreg:$0x2] =	wrdreg s2  }
0xa9: {  	[dreg:$0x3] =	wrdreg s4  }
0xaa: {  	[dreg:$0x4] =	wrdreg $0xC0  }
0xab: {  	_ =	task [dreg:s6], $0x5FFFF  }
0xac: {  	[dreg:$0x1] =	wrdreg $0xFFFFFFFF  }
0xad: {  	[dreg:$0x0] =	wrdreg $0x60  }
0xae: {  	[dreg:$0x2] =	wrdreg s24  }
0xaf: {  	[dreg:$0x3] =	wrdreg $0x41000  }
0xb0: {  	[dreg:$0x4] =	wrdreg $0x9  }
0xb1: {  	_ =	task.clear_ibuf [dreg:s6], $0x5FFFF;
	_ =	strace $0x9000004C  }
0xb2: {  	s29 =	simm.s32 $0x9;
	_ =	strace $0x8000004E  }
0xb3: {  	_ =	swait.ge [sflag:s29], $0x1  }
0xb4: {  	[sflag:s29] =	ssyncadd.s32 $0xFFFFFFFF  }
0xb5: {  	_ =	strace $0x9000004E  }
0xb6: {  	_ =	sfence  }
0xb7: {  	s30 =	sld [smem:$0x0];
	_ =	sdelay $0x2  }
0xb8: {  	s31 =	sshll.u32 s1, $0xD;
	s1 =	sshrl.u32 s1, $0x2  }
0xb9: {  	s3 =	sand.u32 $0x4000, s31;
	s1 =	sadd.s32 s1, s30  }
0xba: {  	s0 =	sor.u32 s3, s0;
	s1 =	sshll.u32 s1, $0x11  }
0xbb: {  	s0 =	sor.u32 s1, s0  }
0xbc: {  	s0 =	sadd.s32 $0x8F2B, s0  }
0xbd: {  	[sflag:s0] =	ssyncadd.remote.s32 $0x1  }
0xbe: {  	_ =	sfence.sel $0xFFFF  }
0xbf: {  	[dreg:$0x0] =	wrdreg $0xFFFFFFFF;
	(pc) =	sbr.abs _section_cstart, $3  }
0xc0: {  	[dreg:$0x1] =	wrdreg $0xFFFFFFFF  }
0xc1: {  	_ =	task.clear_ibuf [dreg:s6], $0x2FFFF;
	_ =	strace $0x9FFFFFFF  }
0xc2: {  	(tm) =	ssettm $0x7FFFFFFF  }
0xc3: {  	_ =	shalt  }
tec
execute0_lowered:
.L_overlay_start_1:
0x0: {  	(tag) =	ssettag $0x1  }
0x1: {  	s6 =	rddreg [dreg:$0x0]  }
0x2: {  	s1 =	rddreg [dreg:$0x1];
	s3 =	srdreg.scid  }
0x3: {  	s2 =	simm.s32 $0x0;
	s21 =	simm.s32 $0x80;
	s22 =	simm.s32 $0x4  }
0x4: {  	s23 =	simm.s32 $0x3;
	s24 =	simm.s32 $0x1;
	s7 =	sand.u32 $0x1, s3  }
0x5: {  	s25 =	simm.s32 $0x2;
	s3 =	stileid.u32;
	s5 =	smul.u32 $0x4F00, s7  }
0x6: {  	s26 =	simm.s32 $0x0;
	[smem:$0x7FF] =	sst s2;
	s8 =	smul.u32 $0x50000, s3  }
0x7: {  	s4 =	sadd.s32 $0x41400, s6;
	s16 =	sadd.s32 $0x68600, s6;
	s10 =	smul.u32 $0x14000, s3  }
0x8: {  	_ =	strace $0x8000004D;
	s9 =	ssub.s32 $0x2, s7;
	s18 =	smul.u32 $0x140000, s7  }
0x9: {  	s30 =	smul.u32 $0x4F0, s3;
	s29 =	sshrl.u32 s9, $0x1;
	s15 =	sadd.s32 s5, s6  }
0xa: {  	s5 =	sadd.s32 $0xF800, s6;
	s8 =	sshrl.u32 s8, $0x2;
	s17 =	ssub.s32 s9, s29  }
0xb: {  	s11 =	sadd.s32 $0x4000, s10;
	s13 =	sadd.s32 $0x8000, s10;
	s14 =	sadd.s32 $0xC000, s10  }
0xc: {  	s19 =	sadd.s32 $0x10000, s10;
	s12 =	sadd.s32 s10, s18;
	s6 =	sadd.s32 s8, s1  }
0xd: {  	s7 =	sadd.s32 s11, s1;
	s8 =	sadd.s32 s13, s1;
	s9 =	sadd.s32 s14, s1  }
0xe: {  	s11 =	sadd.s32 s18, s11;
	s10 =	sadd.s32 s19, s1;
	s12 =	sshrl.u32 s12, $0x3  }
0xf: {  	s13 =	sadd.s32 s18, s13;
	s14 =	sadd.s32 s18, s14;
	s18 =	sadd.s32 s18, s19  }
0x10: {  	s31 =	sadd.s32 s30, s15;
	s19 =	simm.s32 $0x100;
	s20 =	sshrl.u32 s11, $0x3  }
0x11: {  	s11 =	sadd.s32 s16, s12;
	s13 =	sshrl.u32 s13, $0x3;
	s14 =	sshrl.u32 s14, $0x3  }
0x12: {  	s18 =	sshrl.u32 s18, $0x3;
	s12 =	sadd.s32 s16, s20;
	s13 =	sadd.s32 s16, s13  }
0x13: {  	s14 =	sadd.s32 s16, s14;
	s15 =	sadd.s32 s16, s18;
	s16 =	smax.u32 s17, $0x1  }
0x14: {  	s17 =	sadd.s32 $0x5A00, s31;
	s18 =	sadd.s32 $0x10400, s31;
	s20 =	simm.s32 $0x5  }
.LBB2_1:
0x15: {  	[tilespmem:s19], [sflag:$0x5] =	stream.linear.gather [hbm4b:s5+s2], $0x4000, $0x38;
	[tilespmem:$0x18100] =	vst v63  }
0x16: {  	_ =	swait.ge [sflag:s20], $0x4000  }
0x17: {  	[sflag:s20] =	ssyncset.done $0x0  }
0x18: {  	[sflag:s20] =	ssyncadd.s32 $0xFFFFC000  }
0x19: {  	[spmem:s6] =	stream.linear.scatter [tilespmem:s19], [sflag:$0x5], $0x4000, $0x38;
	[tilespmem:$0x18100] =	vst v63  }
0x1a: {  	_ =	swait.ge [sflag:s20], $0x4000  }
0x1b: {  	[sflag:s20] =	ssyncset.done $0x0  }
0x1c: {  	[sflag:s20] =	ssyncadd.s32 $0xFFFFC000  }
0x1d: {  	[spmem:s7] =	stream.linear.scatter [tilespmem:s19], [sflag:$0x5], $0x4000, $0x38;
	[tilespmem:$0x18100] =	vst v63  }
0x1e: {  	_ =	swait.ge [sflag:s20], $0x4000  }
0x1f: {  	[sflag:s20] =	ssyncset.done $0x0  }
0x20: {  	[sflag:s20] =	ssyncadd.s32 $0xFFFFC000  }
0x21: {  	[spmem:s8] =	stream.linear.scatter [tilespmem:s19], [sflag:$0x5], $0x4000, $0x38;
	[tilespmem:$0x18100] =	vst v63  }
0x22: {  	_ =	swait.ge [sflag:s20], $0x4000  }
0x23: {  	[sflag:s20] =	ssyncset.done $0x0  }
0x24: {  	[sflag:s20] =	ssyncadd.s32 $0xFFFFC000  }
0x25: {  	[spmem:s9] =	stream.linear.scatter [tilespmem:s19], [sflag:$0x5], $0x4000, $0x38;
	[tilespmem:$0x18100] =	vst v63  }
0x26: {  	_ =	swait.ge [sflag:s20], $0x4000  }
0x27: {  	[sflag:s20] =	ssyncset.done $0x0  }
0x28: {  	[sflag:s20] =	ssyncadd.s32 $0xFFFFC000  }
0x29: {  	[spmem:s10] =	stream.linear.scatter [tilespmem:s19], [sflag:$0x5], $0x4000, $0x38;
	[tilespmem:$0x18100] =	vst v63  }
0x2a: {  	_ =	swait.ge [sflag:s20], $0x4000  }
0x2b: {  	[sflag:s20] =	ssyncset.done $0x0  }
0x2c: {  	[sflag:s20] =	ssyncadd.s32 $0xFFFFC000  }
0x2d: {  	s28 =	sadd.s32 $0x0, s18;
	[bflag:$0x0] =	sbarrier.arrive $0xFFFF  }
0x2e: {  	[tilespmem:s2], [sflag:$0x4] =	stream.linear.gather [hbm4b:s28+s2], $0x80, $0x38;
	[tilespmem:$0x18100] =	vst v63  }
0x2f: {  	s28 =	sadd.s32 $0x0, s17  }
0x30: {  	[tilespmem:s21], [sflag:$0x3] =	stream.linear.gather [hbm4b:s28+s2], $0x80, $0x38;
	[tilespmem:$0x18100] =	vst v63  }
0x31: {  	_ =	swait.ge [sflag:s22], $0x80  }
0x32: {  	[sflag:s22] =	ssyncset.done $0x0  }
0x33: {  	[sflag:s22] =	ssyncadd.s32 $0xFFFFFF80  }
0x34: {  	_ =	swait.ge [sflag:s23], $0x80  }
0x35: {  	[sflag:s23] =	ssyncset.done $0x0  }
0x36: {  	[sflag:s23] =	ssyncadd.s32 $0xFFFFFF80  }
0x37: {  	[tilespmem:s19], [sflag:$0x1] =	stream.indirect.gather [hbm4b:s4+s21], $0x80, s2, s21, $0xb8;
	[tilespmem:$0x18100] =	vst v63  }
0x38: {  	_ =	swait.ge [sflag:s24], $0x4000  }
0x39: {  	[sflag:s24] =	ssyncset.done $0x0  }
0x3a: {  	[sflag:s24] =	ssyncadd.s32 $0xFFFFC000  }
0x3b: {  	[spmem:s1] =	stream.indirect.scatter.add.f32 [tilespmem:s19], [sflag:$0x2], $0x80, s21, s21, $0xb8;
	[tilespmem:$0x18100] =	vst v63  }
0x3c: {  	_ =	swait.ge [sflag:s25], $0x4000  }
0x3d: {  	s29 =	simm.s32 $0x20;
	s28 =	simm.s32 $0x10;
	[sflag:s25] =	ssyncset.done $0x0  }
.LBB2_2:
0x3e: {  	s30 =	sadd.s32 s28, s18  }
0x3f: {  	[sflag:s25] =	ssyncadd.s32 $0xFFFFC000;
	s31 =	smov.u32 s29;
	s0 =	sadd.s32 $0x10, s29  }
0x40: {  	[tilespmem:s2], [sflag:$0x4] =	stream.linear.gather [hbm4b:s30+s2], $0x80, $0x38;
	[tilespmem:$0x18100] =	vst v63  }
0x41: {  	p0 =	sne.s32 s29, $0x4E0;
	s29 =	sadd.s32 s28, s17;
	s28 =	smov.u32 s31  }
0x42: {  	[tilespmem:s21], [sflag:$0x3] =	stream.linear.gather [hbm4b:s29+s2], $0x80, $0x38;
	[tilespmem:$0x18100] =	vst v63  }
0x43: {  	_ =	swait.ge [sflag:s22], $0x80  }
0x44: {  	[sflag:s22] =	ssyncset.done $0x0  }
0x45: {  	[sflag:s22] =	ssyncadd.s32 $0xFFFFFF80  }
0x46: {  	_ =	swait.ge [sflag:s23], $0x80  }
0x47: {  	[sflag:s23] =	ssyncset.done $0x0  }
0x48: {  	[sflag:s23] =	ssyncadd.s32 $0xFFFFFF80  }
0x49: {  	[tilespmem:s19], [sflag:$0x1] =	stream.indirect.gather [hbm4b:s4+s21], $0x80, s2, s21, $0xb8;
	[tilespmem:$0x18100] =	vst v63  }
0x4a: {  	_ =	swait.ge [sflag:s24], $0x4000  }
.Ltmp0:
0x4b: {  	[sflag:s24] =	ssyncset.done $0x0;
	(pc) =	sbr.rel @p0 .LBB2_2-.Ltmp0, $4  }
0x4c: {  	[sflag:s24] =	ssyncadd.s32 $0xFFFFC000  }
0x4d: {  	[spmem:s1] =	stream.indirect.scatter.add.f32 [tilespmem:s19], [sflag:$0x2], $0x80, s21, s21, $0xb8;
	[tilespmem:$0x18100] =	vst v63  }
0x4e: {  	_ =	swait.ge [sflag:s25], $0x4000  }
0x4f: {  	s29 =	smov.u32 s0;
	[sflag:s25] =	ssyncset.done $0x0  }
0x50: {  	s0 =	sadd.s32 s28, s18;
	[sflag:s25] =	ssyncadd.s32 $0xFFFFC000  }
0x51: {  	[tilespmem:s2], [sflag:$0x4] =	stream.linear.gather [hbm4b:s0+s2], $0x80, $0x38;
	[tilespmem:$0x18100] =	vst v63  }
0x52: {  	s31 =	sadd.s32 s28, s17  }
0x53: {  	[tilespmem:s21], [sflag:$0x3] =	stream.linear.gather [hbm4b:s31+s2], $0x80, $0x38;
	[tilespmem:$0x18100] =	vst v63  }
0x54: {  	_ =	swait.ge [sflag:s22], $0x80  }
0x55: {  	[sflag:s22] =	ssyncset.done $0x0  }
0x56: {  	[sflag:s22] =	ssyncadd.s32 $0xFFFFFF80  }
0x57: {  	_ =	swait.ge [sflag:s23], $0x80  }
0x58: {  	[sflag:s23] =	ssyncset.done $0x0  }
0x59: {  	[sflag:s23] =	ssyncadd.s32 $0xFFFFFF80  }
0x5a: {  	[tilespmem:s19], [sflag:$0x1] =	stream.indirect.gather [hbm4b:s4+s21], $0x80, s2, s21, $0xb8;
	[tilespmem:$0x18100] =	vst v63  }
0x5b: {  	_ =	swait.ge [sflag:s24], $0x4000  }
0x5c: {  	[sflag:s24] =	ssyncset.done $0x0  }
0x5d: {  	[sflag:s24] =	ssyncadd.s32 $0xFFFFC000  }
0x5e: {  	[spmem:s1] =	stream.indirect.scatter.add.f32 [tilespmem:s19], [sflag:$0x2], $0x80, s21, s21, $0xb8;
	[tilespmem:$0x18100] =	vst v63  }
0x5f: {  	_ =	swait.ge [sflag:s25], $0x4000  }
0x60: {  	[sflag:s25] =	ssyncset.done $0x0  }
0x61: {  	[sflag:s25] =	ssyncadd.s32 $0xFFFFC000  }
0x62: {  	[bflag:$0x0] =	sbarrier.arrive $0xFFFF  }
0x63: {  	[tilespmem:s19], [sflag:$0x5] =	stream.linear.gather [spmem:s6], $0x4000, $0x38;
	[tilespmem:$0x18100] =	vst v63  }
0x64: {  	_ =	swait.ge [sflag:s20], $0x4000  }
0x65: {  	[sflag:s20] =	ssyncset.done $0x0  }
0x66: {  	[sflag:s20] =	ssyncadd.s32 $0xFFFFC000  }
0x67: {  	[hbm4b:s11+s2] =	stream.linear.scatter [tilespmem:s19], [sflag:$0x5], $0x4000, $0x38;
	[tilespmem:$0x18100] =	vst v63  }
0x68: {  	_ =	swait.ge [sflag:s20], $0x4000  }
0x69: {  	[sflag:s20] =	ssyncset.done $0x0  }
0x6a: {  	[sflag:s20] =	ssyncadd.s32 $0xFFFFC000  }
0x6b: {  	[tilespmem:s19], [sflag:$0x5] =	stream.linear.gather [spmem:s7], $0x4000, $0x38;
	[tilespmem:$0x18100] =	vst v63  }
0x6c: {  	_ =	swait.ge [sflag:s20], $0x4000  }
0x6d: {  	[sflag:s20] =	ssyncset.done $0x0  }
0x6e: {  	[sflag:s20] =	ssyncadd.s32 $0xFFFFC000  }
0x6f: {  	[hbm4b:s12+s2] =	stream.linear.scatter [tilespmem:s19], [sflag:$0x5], $0x4000, $0x38;
	[tilespmem:$0x18100] =	vst v63  }
0x70: {  	_ =	swait.ge [sflag:s20], $0x4000  }
0x71: {  	[sflag:s20] =	ssyncset.done $0x0  }
0x72: {  	[sflag:s20] =	ssyncadd.s32 $0xFFFFC000  }
0x73: {  	[tilespmem:s19], [sflag:$0x5] =	stream.linear.gather [spmem:s8], $0x4000, $0x38;
	[tilespmem:$0x18100] =	vst v63  }
0x74: {  	_ =	swait.ge [sflag:s20], $0x4000  }
0x75: {  	[sflag:s20] =	ssyncset.done $0x0  }
0x76: {  	[sflag:s20] =	ssyncadd.s32 $0xFFFFC000  }
0x77: {  	[hbm4b:s13+s2] =	stream.linear.scatter [tilespmem:s19], [sflag:$0x5], $0x4000, $0x38;
	[tilespmem:$0x18100] =	vst v63  }
0x78: {  	_ =	swait.ge [sflag:s20], $0x4000  }
0x79: {  	[sflag:s20] =	ssyncset.done $0x0  }
0x7a: {  	[sflag:s20] =	ssyncadd.s32 $0xFFFFC000  }
0x7b: {  	[tilespmem:s19], [sflag:$0x5] =	stream.linear.gather [spmem:s9], $0x4000, $0x38;
	[tilespmem:$0x18100] =	vst v63  }
0x7c: {  	_ =	swait.ge [sflag:s20], $0x4000  }
0x7d: {  	[sflag:s20] =	ssyncset.done $0x0  }
0x7e: {  	[sflag:s20] =	ssyncadd.s32 $0xFFFFC000  }
0x7f: {  	[hbm4b:s14+s2] =	stream.linear.scatter [tilespmem:s19], [sflag:$0x5], $0x4000, $0x38;
	[tilespmem:$0x18100] =	vst v63  }
0x80: {  	_ =	swait.ge [sflag:s20], $0x4000  }
0x81: {  	[sflag:s20] =	ssyncset.done $0x0  }
0x82: {  	[sflag:s20] =	ssyncadd.s32 $0xFFFFC000  }
0x83: {  	[tilespmem:s19], [sflag:$0x5] =	stream.linear.gather [spmem:s10], $0x4000, $0x38;
	[tilespmem:$0x18100] =	vst v63  }
0x84: {  	s26 =	sadd.s32 $0x1, s26;
	_ =	swait.ge [sflag:s20], $0x4000  }
0x85: {  	p0 =	sne.s32 s26, s16;
	[sflag:s20] =	ssyncset.done $0x0  }
.Ltmp1:
0x86: {  	[sflag:s20] =	ssyncadd.s32 $0xFFFFC000;
	(pc) =	sbr.rel @p0 .LBB2_1-.Ltmp1, $4  }
0x87: {  	[hbm4b:s15+s2] =	stream.linear.scatter [tilespmem:s19], [sflag:$0x5], $0x4000, $0x38;
	[tilespmem:$0x18100] =	vst v63  }
0x88: {  	_ =	swait.ge [sflag:s20], $0x4000  }
0x89: {  	[sflag:s20] =	ssyncset.done $0x0  }
0x8a: {  	[sflag:s20] =	ssyncadd.s32 $0xFFFFC000  }
0x8b: {  	_ =	sfence.sel $0x180000  }
0x8c: {  	[bflag:$0x0] =	sbarrier.arrive $0xFFFF  }
0x8d: {  	_ =	strace $0x9000004D  }
0x8e: {  	[bflag:$0x2] =	sbarrier.arrive $0xFFFF  }
0x8f: {  	p0 =	sne.s32 s3, $0x0;
	s0 =	rddreg [dreg:$0x2]  }
0x90: {  	s0 =	sadd.s32 @!p0 $0x100000, s0  }
0x91: {  	[sflag:s0] =	ssyncadd.tile.s32 @!p0 $0x1;
	_ =	shalt  }
.Lfunc_end2:
_tile_overlayer_lowered:
.L_overlay_start_2:
0x92: {  	(tag) =	ssettag $0x2  }
0x93: {  	s0 =	rddreg [dreg:$0x0];
	s2 =	stileid.u32  }
0x94: {  	s1 =	rddreg [dreg:$0x1];
	p0 =	sne.s32 s2, $0x0  }
0x95: {  	s3 =	rddreg [dreg:$0x2];
	[bflag:$0x3] =	sbarrier.arrive $0xFFFF;
	s2 =	simm.s32 @!p0 $0x1C05  }
0x96: {  	[timem:s3], [sflag:s2] =	dma.local @!p0 [hbm:s0], s1  }
0x97: {  	s0 =	simm.s32 @!p0 $0x5  }
0x98: {  	_ =	swait.ge @!p0 [sflag:s0], s1  }
0x99: {  	s1 =	ssub.s32 @!p0 $0x0, s1;
	[sflag:s0] =	ssyncset.done @!p0 $0x0  }
0x9a: {  	[sflag:s0] =	ssyncadd.s32 @!p0 s1  }
0x9b: {  	[bflag:$0x3] =	sbarrier.arrive $0xFFFF  }
0x9c: {  	_ =	shalt  }

// kernel: kernel.19.cloned.1.call-start
scs
__scs_entry_jumppad:
0x0: {  	(pc) =	sbr.rel $0x88, $3  }
0x1: {  	(tag) =	ssettag $0x0;
	lr =	simm.s32 $0x1  }
0x2: {  	[smem:$0x3F92] =	sst lr;
	_ =	strace $0xD0000000  }
0x3: {  	_ = 	snop  }
0x4: {  	_ = 	snop  }
0x5: {  	_ = 	snop  }
0x6: {  	_ = 	snop  }
0x7: {  	_ = 	snop  }
__scs_overlays_trampoline_lowered:
0x8: {  	[smem:$0x3FA1] =	sst s0  }
0x9: {  	[smem:$0x3FA2] =	sst s1  }
0xa: {  	[smem:$0x3FA3] =	sst s2  }
0xb: {  	[smem:$0x3FA4] =	sst s3  }
0xc: {  	[smem:$0x3FA5] =	sst s4  }
0xd: {  	[smem:$0x3FA6] =	sst s5  }
0xe: {  	[smem:$0x3FA7] =	sst s6  }
0xf: {  	[smem:$0x3FA8] =	sst s7  }
0x10: {  	[smem:$0x3FA9] =	sst s8  }
0x11: {  	[smem:$0x3FAA] =	sst s9;
	s0 =	simm.s32 @!p0 $0x0  }
0x12: {  	s1 =	sld [smem:$0x3F90];
	s0 =	simm.s32 @p0 $0x1  }
0x13: {  	[smem:$0x3FAB] =	sst s0;
	s0 =	simm.s32 @!p1 $0x0  }
0x14: {  	s2 =	sld [smem:$0x3F8F];
	s0 =	simm.s32 @p1 $0x1  }
0x15: {  	[smem:$0x3FAC] =	sst s0;
	s0 =	simm.s32 @!p2 $0x0  }
0x16: {  	s3 =	sld [smem:$0x3FDB];
	s0 =	simm.s32 @p2 $0x1  }
0x17: {  	s4 =	simm.s32 $0x1BF5;
	[smem:$0x3FAE] =	sst s0  }
0x18: {  	s0 =	sld [smem:$0x3F91];
	_ =	swait.ge [sflag:s4], $0x0  }
0x19: {  	s7 =	sld [smem:$0x3F92]  }
0x1a: {  	s8 =	sadd.s32 $0xFFFFE003, lr  }
0x1b: {  	s9 =	sadd.s32 $0xFFFFFEF7, lr;
	s5 =	simm.s32 $0xFFFFFFFF;
	p2 =	slt.u32 s8, $0xFFFFF086  }
0x1c: {  	p1 =	slt.u32 s9, $0xF7A;
	s5 =	simm.s32 @!p2 $0x0  }
0x1d: {  	s5 =	simm.s32 @p1 $0x1;
	p0 =	seq.s32 s7, s2  }
0x1e: {  	s7 =	smul.u32 @!p0 $0xF7A, s2;
	p2 =	seq.s32 @!p0 s5, $0x0  }
0x1f: {  	s9 =	smul.u32 $0xF7A, s1;
	s8 =	simm.s32 @!p0 $0x1BF5;
	p2 =	por !p2, p0  }
0x20: {  	[sflag:s8] =	ssyncset.s32 @!p0 $0xFFFFF086;
	s6 =	sadd.s32 @!p0 s3, s7;
	s7 =	simm.s32 @!p0 $0x108  }
0x21: {  	s3 =	sadd.s32 s3, s9;
	s6 =	sadd.s32 @!p0 $0x88, s6;
	s7 =	simm.s32 @p2 $0x1082  }
0x22: {  	[simem:s7], [sflag:s8] =	dma.local @!p0 [hbm:s6], $0xF7A  }
0x23: {  	s9 =	sor.u32 $0xD0000000, s2;
	s6 =	simm.s32 $0x108;
	_ =	swait.ge @!p0 [sflag:s8], $0x0  }
0x24: {  	s3 =	sadd.s32 $0x88, s3;
	s6 =	simm.s32 @!p1 $0x1082;
	[sflag:s4] =	ssyncset.s32 $0xFFFFF086  }
0x25: {  	[simem:s6], [sflag:s4] =	dma.local [hbm:s3], $0xF7A  }
0x26: {  	[smem:$0x3F92] =	sst s1;
	(tag) =	ssettag s2;
	_ =	strace s9  }
0x27: {  	s1 =	sld [smem:$0x3FA2]  }
0x28: {  	s2 =	sld [smem:$0x3FA3]  }
0x29: {  	s4 =	sld [smem:$0x3FA5]  }
0x2a: {  	p0 =	seq.s32 s5, $0x0;
	s5 =	sld [smem:$0x3FA6]  }
0x2b: {  	s6 =	sld [smem:$0x3FA7]  }
0x2c: {  	s7 =	sld [smem:$0x3FA8]  }
0x2d: {  	s3 =	simm.s32 $0x108;
	s8 =	sld [smem:$0x3FA9]  }
0x2e: {  	s3 =	simm.s32 @!p0 $0x1082;
	s9 =	sld [smem:$0x3FAA]  }
0x2f: {  	lr =	sadd.s32 s0, s3;
	s0 =	sld [smem:$0x3FA1]  }
0x30: {  	s3 =	sld [smem:$0x3FA4]  }
0x31: {  	[smem:$0x3FAD] =	sst s10  }
0x32: {  	s10 =	sld [smem:$0x3FAB];
	_ =	sdelay $0x3  }
0x33: {  	p0 =	seq.s32 s10, $0x1;
	s10 =	sld [smem:$0x3FAD];
	_ =	sdelay $0x3  }
0x34: {  	[smem:$0x3FAD] =	sst s10  }
0x35: {  	s10 =	sld [smem:$0x3FAC];
	_ =	sdelay $0x3  }
0x36: {  	p1 =	seq.s32 s10, $0x1;
	s10 =	sld [smem:$0x3FAD];
	_ =	sdelay $0x3  }
0x37: {  	[smem:$0x3FAD] =	sst s10  }
0x38: {  	s10 =	sld [smem:$0x3FAE]  }
0x39: {  	_ = 	snop;
	(pc) =	sbr.ind lr, $3  }
0x3a: {  	_ = 	snop  }
0x3b: {  	_ = 	snop  }
0x3c: {  	p2 =	seq.s32 s10, $0x1;
	s10 =	sld [smem:$0x3FAD]  }
0x3d: {  	_ =	shalt  }
0x3e: {  	_ =	shalt  }
0x3f: {  	_ =	shalt  }
0x40: {  	_ =	shalt  }
0x41: {  	_ =	shalt  }
0x42: {  	_ =	shalt  }
0x43: {  	_ =	shalt  }
0x44: {  	_ =	shalt  }
0x45: {  	_ =	shalt  }
0x46: {  	_ =	shalt  }
0x47: {  	_ =	shalt  }
0x48: {  	_ =	shalt  }
0x49: {  	_ =	shalt  }
0x4a: {  	_ =	shalt  }
0x4b: {  	_ =	shalt  }
0x4c: {  	_ =	shalt  }
0x4d: {  	_ =	shalt  }
0x4e: {  	_ =	shalt  }
0x4f: {  	_ =	shalt  }
0x50: {  	_ =	shalt  }
0x51: {  	_ =	shalt  }
0x52: {  	_ =	shalt  }
0x53: {  	_ =	shalt  }
0x54: {  	_ =	shalt  }
0x55: {  	_ =	shalt  }
0x56: {  	_ =	shalt  }
0x57: {  	_ =	shalt  }
0x58: {  	_ =	shalt  }
0x59: {  	_ =	shalt  }
0x5a: {  	_ =	shalt  }
0x5b: {  	_ =	shalt  }
0x5c: {  	_ =	shalt  }
0x5d: {  	_ =	shalt  }
0x5e: {  	_ =	shalt  }
0x5f: {  	_ =	shalt  }
0x60: {  	_ =	shalt  }
0x61: {  	_ =	shalt  }
0x62: {  	_ =	shalt  }
0x63: {  	_ =	shalt  }
0x64: {  	_ =	shalt  }
0x65: {  	_ =	shalt  }
0x66: {  	_ =	shalt  }
0x67: {  	_ =	shalt  }
0x68: {  	_ =	shalt  }
0x69: {  	_ =	shalt  }
0x6a: {  	_ =	shalt  }
0x6b: {  	_ =	shalt  }
0x6c: {  	_ =	shalt  }
0x6d: {  	_ =	shalt  }
0x6e: {  	_ =	shalt  }
0x6f: {  	_ =	shalt  }
0x70: {  	_ =	shalt  }
0x71: {  	_ =	shalt  }
0x72: {  	_ =	shalt  }
0x73: {  	_ =	shalt  }
0x74: {  	_ =	shalt  }
0x75: {  	_ =	shalt  }
0x76: {  	_ =	shalt  }
0x77: {  	_ =	shalt  }
0x78: {  	_ =	shalt  }
0x79: {  	_ =	shalt  }
0x7a: {  	_ =	shalt  }
0x7b: {  	_ =	shalt  }
0x7c: {  	_ =	shalt  }
0x7d: {  	_ =	shalt  }
0x7e: {  	_ =	shalt  }
0x7f: {  	_ =	shalt  }
0x80: {  	_ =	shalt  }
0x81: {  	_ =	shalt  }
0x82: {  	_ =	shalt  }
0x83: {  	_ =	shalt  }
0x84: {  	_ =	shalt  }
0x85: {  	_ =	shalt  }
0x86: {  	_ =	shalt  }
0x87: {  	_ =	shalt  }
.Lfunc_end0:
.L_simem_size_0:
called_computation.3_lowered:
.L_overlay_start_0:
0x88: {  	s2 =	sld [smem:$0x3FD9]  }
0x89: {  	s3 =	sld [smem:$0x3FFE];
	_ =	sdelay $0x1  }
0x8a: {  	s1 =	srdreg.scid  }
0x8b: {  	s0 =	sand.u32 $0x1, s1  }
0x8c: {  	s16 =	sshll.u32 s0, $0xA;
	s2 =	sadd.s32 s3, s2  }
0x8d: {  	s2 =	sadd.s32 s2, s16  }
0x8e: {  	[smem:$0x3FB9] =	sst s2  }
0x8f: {  	_ = 	snop  }
0x90: {  	(tm) =	ssettm $0x1  }
0x91: {  	s17 =	sld [smem:$0x3FFB];
	_ =	sdelay $0x3  }
0x92: {  	_ =	strace s17  }
0x93: {  	s2 =	sld [smem:$0x3FFC];
	_ =	sdelay $0x3  }
0x94: {  	_ =	strace s2  }
0x95: {  	s2 =	sld [smem:$0x3FFD];
	_ =	sdelay $0x3  }
0x96: {  	_ =	strace s2  }
0x97: {  	_ =	strace $0x8FFFFFFF  }
0x98: {  	s18 =	sld [smem:$0x3FDB];
	_ =	sdelay $0x1  }
0x99: {  	s19 =	simm.s32 $_scs_section_size  }
0x9a: {  	s4 =	simm.s32 $_size__tile_overlayer_lowered;
	s5 =	simm.s32 $_tile_overlayer_lowered  }
0x9b: {  	s22 =	simm.s32 $0x1BFF;
	s21 =	sshll.u32 s5, $0x1;
	s2 =	sadd.s32 s19, s18  }
0x9c: {  	s6 =	simm.s32 $0x0;
	s20 =	sshll.u32 s4, $0x1;
	s4 =	sadd.s32 s21, s2  }
0x9d: {  	[timem:s6], [sflag:s22] =	dma.local [hbm:s4], s20  }
0x9e: {  	_ =	swait.ge [sflag:s22], s20  }
0x9f: {  	s3 =	ssub.s32 $0x0, s20;
	[sflag:s22] =	ssyncset.done $0x0  }
0xa0: {  	[sflag:s22] =	ssyncadd.s32 s3;
	_ =	sdelay $0x1  }
0xa1: {  	s23 =	simm.s32 $0x1B8B  }
0xa2: {  	_ =	swait.ge [sflag:s23], $0x1  }
0xa3: {  	[sflag:s23] =	ssyncset.done $0x0  }
0xa4: {  	s25 =	simm.s32 $0x1B8E;
	s24 =	sld [smem:$0x3FFE];
	[sflag:s23] =	ssyncadd.s32 $0xFFFFFFFF  }
0xa5: {  	s26 =	simm.s32 $execute0_lowered;
	[smem:$0x3FD2] =	sst s25  }
0xa6: {  	s4 =	sshll.u32 s26, $0x1;
	_ =	strace $0x8000004F;
	[dreg:$0x1] =	wrdreg $0xFFFFFFFF  }
0xa7: {  	s28 =	simm.s32 $_size_execute0_lowered;
	s2 =	sadd.s32 s2, s4;
	[dreg:$0x0] =	wrdreg $0x0  }
0xa8: {  	s4 =	sshll.u32 s28, $0x1;
	[dreg:$0x2] =	wrdreg s2  }
0xa9: {  	[dreg:$0x3] =	wrdreg s4  }
0xaa: {  	[dreg:$0x4] =	wrdreg $0xC0  }
0xab: {  	_ =	task [dreg:s6], $0x5FFFF  }
0xac: {  	[dreg:$0x1] =	wrdreg $0xFFFFFFFF  }
0xad: {  	[dreg:$0x0] =	wrdreg $0x60  }
0xae: {  	[dreg:$0x2] =	wrdreg s24  }
0xaf: {  	[dreg:$0x3] =	wrdreg $0x41000  }
0xb0: {  	[dreg:$0x4] =	wrdreg $0x9  }
0xb1: {  	_ =	task.clear_ibuf [dreg:s6], $0x5FFFF;
	_ =	strace $0x9000004F  }
0xb2: {  	s29 =	simm.s32 $0x9;
	_ =	strace $0x80000051  }
0xb3: {  	_ =	swait.ge [sflag:s29], $0x1  }
0xb4: {  	[sflag:s29] =	ssyncadd.s32 $0xFFFFFFFF  }
0xb5: {  	_ =	strace $0x90000051  }
0xb6: {  	_ =	sfence  }
0xb7: {  	s30 =	sld [smem:$0x0];
	_ =	sdelay $0x2  }
0xb8: {  	s31 =	sshll.u32 s1, $0xD;
	s1 =	sshrl.u32 s1, $0x2  }
0xb9: {  	s3 =	sand.u32 $0x4000, s31;
	s1 =	sadd.s32 s1, s30  }
0xba: {  	s0 =	sor.u32 s3, s0;
	s1 =	sshll.u32 s1, $0x11  }
0xbb: {  	s0 =	sor.u32 s1, s0  }
0xbc: {  	s0 =	sadd.s32 $0x8F2B, s0  }
0xbd: {  	[sflag:s0] =	ssyncadd.remote.s32 $0x1  }
0xbe: {  	_ =	sfence.sel $0xFFFF  }
0xbf: {  	[dreg:$0x0] =	wrdreg $0xFFFFFFFF;
	(pc) =	sbr.abs _section_cstart, $3  }
0xc0: {  	[dreg:$0x1] =	wrdreg $0xFFFFFFFF  }
0xc1: {  	_ =	task.clear_ibuf [dreg:s6], $0x2FFFF;
	_ =	strace $0x9FFFFFFF  }
0xc2: {  	(tm) =	ssettm $0x7FFFFFFF  }
0xc3: {  	_ =	shalt  }
tec
execute0_lowered:
.L_overlay_start_1:
0x0: {  	(tag) =	ssettag $0x1  }
0x1: {  	s6 =	rddreg [dreg:$0x0]  }
0x2: {  	s1 =	rddreg [dreg:$0x1];
	s3 =	srdreg.scid  }
0x3: {  	s2 =	simm.s32 $0x0;
	s21 =	simm.s32 $0x80;
	s22 =	simm.s32 $0x4  }
0x4: {  	s23 =	simm.s32 $0x3;
	s24 =	simm.s32 $0x1;
	s7 =	sand.u32 $0x1, s3  }
0x5: {  	s25 =	simm.s32 $0x2;
	s3 =	stileid.u32;
	s5 =	smul.u32 $0x4F00, s7  }
0x6: {  	s26 =	simm.s32 $0x0;
	[smem:$0x7FF] =	sst s2;
	s8 =	smul.u32 $0x50000, s3  }
0x7: {  	s4 =	sadd.s32 $0x41400, s6;
	s16 =	sadd.s32 $0x68600, s6;
	s10 =	smul.u32 $0x14000, s3  }
0x8: {  	_ =	strace $0x80000050;
	s9 =	ssub.s32 $0x2, s7;
	s18 =	smul.u32 $0x140000, s7  }
0x9: {  	s30 =	smul.u32 $0x4F0, s3;
	s29 =	sshrl.u32 s9, $0x1;
	s15 =	sadd.s32 s5, s6  }
0xa: {  	s5 =	sadd.s32 $0xF800, s6;
	s8 =	sshrl.u32 s8, $0x2;
	s17 =	ssub.s32 s9, s29  }
0xb: {  	s11 =	sadd.s32 $0x4000, s10;
	s13 =	sadd.s32 $0x8000, s10;
	s14 =	sadd.s32 $0xC000, s10  }
0xc: {  	s19 =	sadd.s32 $0x10000, s10;
	s12 =	sadd.s32 s10, s18;
	s6 =	sadd.s32 s8, s1  }
0xd: {  	s7 =	sadd.s32 s11, s1;
	s8 =	sadd.s32 s13, s1;
	s9 =	sadd.s32 s14, s1  }
0xe: {  	s11 =	sadd.s32 s18, s11;
	s10 =	sadd.s32 s19, s1;
	s12 =	sshrl.u32 s12, $0x3  }
0xf: {  	s13 =	sadd.s32 s18, s13;
	s14 =	sadd.s32 s18, s14;
	s18 =	sadd.s32 s18, s19  }
0x10: {  	s31 =	sadd.s32 s30, s15;
	s19 =	simm.s32 $0x100;
	s20 =	sshrl.u32 s11, $0x3  }
0x11: {  	s11 =	sadd.s32 s16, s12;
	s13 =	sshrl.u32 s13, $0x3;
	s14 =	sshrl.u32 s14, $0x3  }
0x12: {  	s18 =	sshrl.u32 s18, $0x3;
	s12 =	sadd.s32 s16, s20;
	s13 =	sadd.s32 s16, s13  }
0x13: {  	s14 =	sadd.s32 s16, s14;
	s15 =	sadd.s32 s16, s18;
	s16 =	smax.u32 s17, $0x1  }
0x14: {  	s17 =	sadd.s32 $0x5A00, s31;
	s18 =	sadd.s32 $0x10400, s31;
	s20 =	simm.s32 $0x5  }
.LBB2_1:
0x15: {  	[tilespmem:s19], [sflag:$0x5] =	stream.linear.gather [hbm4b:s5+s2], $0x4000, $0x38;
	[tilespmem:$0x18100] =	vst v63  }
0x16: {  	_ =	swait.ge [sflag:s20], $0x4000  }
0x17: {  	[sflag:s20] =	ssyncset.done $0x0  }
0x18: {  	[sflag:s20] =	ssyncadd.s32 $0xFFFFC000  }
0x19: {  	[spmem:s6] =	stream.linear.scatter [tilespmem:s19], [sflag:$0x5], $0x4000, $0x38;
	[tilespmem:$0x18100] =	vst v63  }
0x1a: {  	_ =	swait.ge [sflag:s20], $0x4000  }
0x1b: {  	[sflag:s20] =	ssyncset.done $0x0  }
0x1c: {  	[sflag:s20] =	ssyncadd.s32 $0xFFFFC000  }
0x1d: {  	[spmem:s7] =	stream.linear.scatter [tilespmem:s19], [sflag:$0x5], $0x4000, $0x38;
	[tilespmem:$0x18100] =	vst v63  }
0x1e: {  	_ =	swait.ge [sflag:s20], $0x4000  }
0x1f: {  	[sflag:s20] =	ssyncset.done $0x0  }
0x20: {  	[sflag:s20] =	ssyncadd.s32 $0xFFFFC000  }
0x21: {  	[spmem:s8] =	stream.linear.scatter [tilespmem:s19], [sflag:$0x5], $0x4000, $0x38;
	[tilespmem:$0x18100] =	vst v63  }
0x22: {  	_ =	swait.ge [sflag:s20], $0x4000  }
0x23: {  	[sflag:s20] =	ssyncset.done $0x0  }
0x24: {  	[sflag:s20] =	ssyncadd.s32 $0xFFFFC000  }
0x25: {  	[spmem:s9] =	stream.linear.scatter [tilespmem:s19], [sflag:$0x5], $0x4000, $0x38;
	[tilespmem:$0x18100] =	vst v63  }
0x26: {  	_ =	swait.ge [sflag:s20], $0x4000  }
0x27: {  	[sflag:s20] =	ssyncset.done $0x0  }
0x28: {  	[sflag:s20] =	ssyncadd.s32 $0xFFFFC000  }
0x29: {  	[spmem:s10] =	stream.linear.scatter [tilespmem:s19], [sflag:$0x5], $0x4000, $0x38;
	[tilespmem:$0x18100] =	vst v63  }
0x2a: {  	_ =	swait.ge [sflag:s20], $0x4000  }
0x2b: {  	[sflag:s20] =	ssyncset.done $0x0  }
0x2c: {  	[sflag:s20] =	ssyncadd.s32 $0xFFFFC000  }
0x2d: {  	s28 =	sadd.s32 $0x0, s18;
	[bflag:$0x0] =	sbarrier.arrive $0xFFFF  }
0x2e: {  	[tilespmem:s2], [sflag:$0x4] =	stream.linear.gather [hbm4b:s28+s2], $0x80, $0x38;
	[tilespmem:$0x18100] =	vst v63  }
0x2f: {  	s28 =	sadd.s32 $0x0, s17  }
0x30: {  	[tilespmem:s21], [sflag:$0x3] =	stream.linear.gather [hbm4b:s28+s2], $0x80, $0x38;
	[tilespmem:$0x18100] =	vst v63  }
0x31: {  	_ =	swait.ge [sflag:s22], $0x80  }
0x32: {  	[sflag:s22] =	ssyncset.done $0x0  }
0x33: {  	[sflag:s22] =	ssyncadd.s32 $0xFFFFFF80  }
0x34: {  	_ =	swait.ge [sflag:s23], $0x80  }
0x35: {  	[sflag:s23] =	ssyncset.done $0x0  }
0x36: {  	[sflag:s23] =	ssyncadd.s32 $0xFFFFFF80  }
0x37: {  	[tilespmem:s19], [sflag:$0x1] =	stream.indirect.gather [hbm4b:s4+s21], $0x80, s2, s21, $0xb8;
	[tilespmem:$0x18100] =	vst v63  }
0x38: {  	_ =	swait.ge [sflag:s24], $0x4000  }
0x39: {  	[sflag:s24] =	ssyncset.done $0x0  }
0x3a: {  	[sflag:s24] =	ssyncadd.s32 $0xFFFFC000  }
0x3b: {  	[spmem:s1] =	stream.indirect.scatter.add.f32 [tilespmem:s19], [sflag:$0x2], $0x80, s21, s21, $0xb8;
	[tilespmem:$0x18100] =	vst v63  }
0x3c: {  	_ =	swait.ge [sflag:s25], $0x4000  }
0x3d: {  	s29 =	simm.s32 $0x20;
	s28 =	simm.s32 $0x10;
	[sflag:s25] =	ssyncset.done $0x0  }
.LBB2_2:
0x3e: {  	s30 =	sadd.s32 s28, s18  }
0x3f: {  	[sflag:s25] =	ssyncadd.s32 $0xFFFFC000;
	s31 =	smov.u32 s29;
	s0 =	sadd.s32 $0x10, s29  }
0x40: {  	[tilespmem:s2], [sflag:$0x4] =	stream.linear.gather [hbm4b:s30+s2], $0x80, $0x38;
	[tilespmem:$0x18100] =	vst v63  }
0x41: {  	p0 =	sne.s32 s29, $0x4E0;
	s29 =	sadd.s32 s28, s17;
	s28 =	smov.u32 s31  }
0x42: {  	[tilespmem:s21], [sflag:$0x3] =	stream.linear.gather [hbm4b:s29+s2], $0x80, $0x38;
	[tilespmem:$0x18100] =	vst v63  }
0x43: {  	_ =	swait.ge [sflag:s22], $0x80  }
0x44: {  	[sflag:s22] =	ssyncset.done $0x0  }
0x45: {  	[sflag:s22] =	ssyncadd.s32 $0xFFFFFF80  }
0x46: {  	_ =	swait.ge [sflag:s23], $0x80  }
0x47: {  	[sflag:s23] =	ssyncset.done $0x0  }
0x48: {  	[sflag:s23] =	ssyncadd.s32 $0xFFFFFF80  }
0x49: {  	[tilespmem:s19], [sflag:$0x1] =	stream.indirect.gather [hbm4b:s4+s21], $0x80, s2, s21, $0xb8;
	[tilespmem:$0x18100] =	vst v63  }
0x4a: {  	_ =	swait.ge [sflag:s24], $0x4000  }
.Ltmp0:
0x4b: {  	[sflag:s24] =	ssyncset.done $0x0;
	(pc) =	sbr.rel @p0 .LBB2_2-.Ltmp0, $4  }
0x4c: {  	[sflag:s24] =	ssyncadd.s32 $0xFFFFC000  }
0x4d: {  	[spmem:s1] =	stream.indirect.scatter.add.f32 [tilespmem:s19], [sflag:$0x2], $0x80, s21, s21, $0xb8;
	[tilespmem:$0x18100] =	vst v63  }
0x4e: {  	_ =	swait.ge [sflag:s25], $0x4000  }
0x4f: {  	s29 =	smov.u32 s0;
	[sflag:s25] =	ssyncset.done $0x0  }
0x50: {  	s0 =	sadd.s32 s28, s18;
	[sflag:s25] =	ssyncadd.s32 $0xFFFFC000  }
0x51: {  	[tilespmem:s2], [sflag:$0x4] =	stream.linear.gather [hbm4b:s0+s2], $0x80, $0x38;
	[tilespmem:$0x18100] =	vst v63  }
0x52: {  	s31 =	sadd.s32 s28, s17  }
0x53: {  	[tilespmem:s21], [sflag:$0x3] =	stream.linear.gather [hbm4b:s31+s2], $0x80, $0x38;
	[tilespmem:$0x18100] =	vst v63  }
0x54: {  	_ =	swait.ge [sflag:s22], $0x80  }
0x55: {  	[sflag:s22] =	ssyncset.done $0x0  }
0x56: {  	[sflag:s22] =	ssyncadd.s32 $0xFFFFFF80  }
0x57: {  	_ =	swait.ge [sflag:s23], $0x80  }
0x58: {  	[sflag:s23] =	ssyncset.done $0x0  }
0x59: {  	[sflag:s23] =	ssyncadd.s32 $0xFFFFFF80  }
0x5a: {  	[tilespmem:s19], [sflag:$0x1] =	stream.indirect.gather [hbm4b:s4+s21], $0x80, s2, s21, $0xb8;
	[tilespmem:$0x18100] =	vst v63  }
0x5b: {  	_ =	swait.ge [sflag:s24], $0x4000  }
0x5c: {  	[sflag:s24] =	ssyncset.done $0x0  }
0x5d: {  	[sflag:s24] =	ssyncadd.s32 $0xFFFFC000  }
0x5e: {  	[spmem:s1] =	stream.indirect.scatter.add.f32 [tilespmem:s19], [sflag:$0x2], $0x80, s21, s21, $0xb8;
	[tilespmem:$0x18100] =	vst v63  }
0x5f: {  	_ =	swait.ge [sflag:s25], $0x4000  }
0x60: {  	[sflag:s25] =	ssyncset.done $0x0  }
0x61: {  	[sflag:s25] =	ssyncadd.s32 $0xFFFFC000  }
0x62: {  	[bflag:$0x0] =	sbarrier.arrive $0xFFFF  }
0x63: {  	[tilespmem:s19], [sflag:$0x5] =	stream.linear.gather [spmem:s6], $0x4000, $0x38;
	[tilespmem:$0x18100] =	vst v63  }
0x64: {  	_ =	swait.ge [sflag:s20], $0x4000  }
0x65: {  	[sflag:s20] =	ssyncset.done $0x0  }
0x66: {  	[sflag:s20] =	ssyncadd.s32 $0xFFFFC000  }
0x67: {  	[hbm4b:s11+s2] =	stream.linear.scatter [tilespmem:s19], [sflag:$0x5], $0x4000, $0x38;
	[tilespmem:$0x18100] =	vst v63  }
0x68: {  	_ =	swait.ge [sflag:s20], $0x4000  }
0x69: {  	[sflag:s20] =	ssyncset.done $0x0  }
0x6a: {  	[sflag:s20] =	ssyncadd.s32 $0xFFFFC000  }
0x6b: {  	[tilespmem:s19], [sflag:$0x5] =	stream.linear.gather [spmem:s7], $0x4000, $0x38;
	[tilespmem:$0x18100] =	vst v63  }
0x6c: {  	_ =	swait.ge [sflag:s20], $0x4000  }
0x6d: {  	[sflag:s20] =	ssyncset.done $0x0  }
0x6e: {  	[sflag:s20] =	ssyncadd.s32 $0xFFFFC000  }
0x6f: {  	[hbm4b:s12+s2] =	stream.linear.scatter [tilespmem:s19], [sflag:$0x5], $0x4000, $0x38;
	[tilespmem:$0x18100] =	vst v63  }
0x70: {  	_ =	swait.ge [sflag:s20], $0x4000  }
0x71: {  	[sflag:s20] =	ssyncset.done $0x0  }
0x72: {  	[sflag:s20] =	ssyncadd.s32 $0xFFFFC000  }
0x73: {  	[tilespmem:s19], [sflag:$0x5] =	stream.linear.gather [spmem:s8], $0x4000, $0x38;
	[tilespmem:$0x18100] =	vst v63  }
0x74: {  	_ =	swait.ge [sflag:s20], $0x4000  }
0x75: {  	[sflag:s20] =	ssyncset.done $0x0  }
0x76: {  	[sflag:s20] =	ssyncadd.s32 $0xFFFFC000  }
0x77: {  	[hbm4b:s13+s2] =	stream.linear.scatter [tilespmem:s19], [sflag:$0x5], $0x4000, $0x38;
	[tilespmem:$0x18100] =	vst v63  }
0x78: {  	_ =	swait.ge [sflag:s20], $0x4000  }
0x79: {  	[sflag:s20] =	ssyncset.done $0x0  }
0x7a: {  	[sflag:s20] =	ssyncadd.s32 $0xFFFFC000  }
0x7b: {  	[tilespmem:s19], [sflag:$0x5] =	stream.linear.gather [spmem:s9], $0x4000, $0x38;
	[tilespmem:$0x18100] =	vst v63  }
0x7c: {  	_ =	swait.ge [sflag:s20], $0x4000  }
0x7d: {  	[sflag:s20] =	ssyncset.done $0x0  }
0x7e: {  	[sflag:s20] =	ssyncadd.s32 $0xFFFFC000  }
0x7f: {  	[hbm4b:s14+s2] =	stream.linear.scatter [tilespmem:s19], [sflag:$0x5], $0x4000, $0x38;
	[tilespmem:$0x18100] =	vst v63  }
0x80: {  	_ =	swait.ge [sflag:s20], $0x4000  }
0x81: {  	[sflag:s20] =	ssyncset.done $0x0  }
0x82: {  	[sflag:s20] =	ssyncadd.s32 $0xFFFFC000  }
0x83: {  	[tilespmem:s19], [sflag:$0x5] =	stream.linear.gather [spmem:s10], $0x4000, $0x38;
	[tilespmem:$0x18100] =	vst v63  }
0x84: {  	s26 =	sadd.s32 $0x1, s26;
	_ =	swait.ge [sflag:s20], $0x4000  }
0x85: {  	p0 =	sne.s32 s26, s16;
	[sflag:s20] =	ssyncset.done $0x0  }
.Ltmp1:
0x86: {  	[sflag:s20] =	ssyncadd.s32 $0xFFFFC000;
	(pc) =	sbr.rel @p0 .LBB2_1-.Ltmp1, $4  }
0x87: {  	[hbm4b:s15+s2] =	stream.linear.scatter [tilespmem:s19], [sflag:$0x5], $0x4000, $0x38;
	[tilespmem:$0x18100] =	vst v63  }
0x88: {  	_ =	swait.ge [sflag:s20], $0x4000  }
0x89: {  	[sflag:s20] =	ssyncset.done $0x0  }
0x8a: {  	[sflag:s20] =	ssyncadd.s32 $0xFFFFC000  }
0x8b: {  	_ =	sfence.sel $0x180000  }
0x8c: {  	[bflag:$0x0] =	sbarrier.arrive $0xFFFF  }
0x8d: {  	_ =	strace $0x90000050  }
0x8e: {  	[bflag:$0x2] =	sbarrier.arrive $0xFFFF  }
0x8f: {  	p0 =	sne.s32 s3, $0x0;
	s0 =	rddreg [dreg:$0x2]  }
0x90: {  	s0 =	sadd.s32 @!p0 $0x100000, s0  }
0x91: {  	[sflag:s0] =	ssyncadd.tile.s32 @!p0 $0x1;
	_ =	shalt  }
.Lfunc_end2:
_tile_overlayer_lowered:
.L_overlay_start_2:
0x92: {  	(tag) =	ssettag $0x2  }
0x93: {  	s0 =	rddreg [dreg:$0x0];
	s2 =	stileid.u32  }
0x94: {  	s1 =	rddreg [dreg:$0x1];
	p0 =	sne.s32 s2, $0x0  }
0x95: {  	s3 =	rddreg [dreg:$0x2];
	[bflag:$0x3] =	sbarrier.arrive $0xFFFF;
	s2 =	simm.s32 @!p0 $0x1C05  }
0x96: {  	[timem:s3], [sflag:s2] =	dma.local @!p0 [hbm:s0], s1  }
0x97: {  	s0 =	simm.s32 @!p0 $0x5  }
0x98: {  	_ =	swait.ge @!p0 [sflag:s0], s1  }
0x99: {  	s1 =	ssub.s32 @!p0 $0x0, s1;
	[sflag:s0] =	ssyncset.done @!p0 $0x0  }
0x9a: {  	[sflag:s0] =	ssyncadd.s32 @!p0 s1  }
0x9b: {  	[bflag:$0x3] =	sbarrier.arrive $0xFFFF  }
0x9c: {  	_ =	shalt  }

</sc_bundles>
